<compile_context>
chip_gen: v7x
topology: tpu7x:2x2x1
jax: 0.10.2.dev20260603
libtpu: 0.0.44.dev20260713+nightly
codegen_flags: <defaults>
</compile_context>

<pallas_src>
import functools

import jax
import jax.numpy as jnp
from jax import lax
from jax.experimental import pallas as pl
from jax.experimental.pallas import tpu as pltpu
from jax.experimental.pallas import tpu_sc as plsc

_B = 128
_F = 10000
_N = _B * 3 * _F
_NW = 32
_PF = 313
_CF = 48
_NCHUNK = 7
_BLK = 3 * _B
_CHUNK = _CF * _BLK


def _log2(v):
    i = lax.bitcast_convert_type(v, jnp.int32)
    e = lax.shift_right_arithmetic(i - 0x3F3504F3, 23)
    m = lax.bitcast_convert_type(i - lax.shift_left(e, 23), jnp.float32)
    ef = e.astype(jnp.float32)
    t = m - jnp.float32(1.0)
    p = jnp.float32(-0.32547656270208747)
    for c in (0.5062811235976783, -0.7238351803355264, 1.442416966398571):
        p = p * t + jnp.float32(c)
    return ef + t * p


_MESH = plsc.VectorSubcoreMesh(core_axis_name="c", subcore_axis_name="s")


@functools.partial(
    pl.kernel,
    mesh=_MESH,
    compiler_params=pltpu.CompilerParams(needs_layout_passes=False),
    out_type=jax.ShapeDtypeStruct((_N,), jnp.float32),
    scratch_types=(
        [pltpu.VMEM((_CHUNK,), jnp.float32)] * 6
        + [pltpu.SemaphoreType.DMA] * 6
    ),
)
def _sc_gumbel_softmax(x_hbm, u_hbm, out_hbm,
                       xb0, xb1, ub0, ub1, ob0, ob1,
                       sx0, sx1, su0, su1, so0, so1):
    wid = lax.axis_index("s") * 2 + lax.axis_index("c")
    f0 = jnp.minimum(wid * _PF, _F - _PF)
    xbs, ubs, obs = (xb0, xb1), (ub0, ub1), (ob0, ob1)
    sxs, sus, sos = (sx0, sx1), (su0, su1), (so0, so1)

    def chunk_off(ci):
        return (f0 + min(ci * _CF, _PF - _CF)) * _BLK

    def start_in(ci):
        s = ci & 1
        off = chunk_off(ci)
        cx = pltpu.async_copy(x_hbm.at[pl.ds(off, _CHUNK)], xbs[s], sxs[s])
        cu = pltpu.async_copy(u_hbm.at[pl.ds(off, _CHUNK)], ubs[s], sus[s])
        return cx, cu

    def compute(ci):
        s = ci & 1
        xb, ub, ob = xbs[s], ubs[s], obs[s]

        def vec(j, carry):
            o0 = lax.shift_right_logical(j, 3) * _BLK + jnp.bitwise_and(j, 7) * 16
            o1 = o0 + _B
            o2 = o1 + _B
            x0 = xb[pl.ds(o0, 16)]
            x1 = xb[pl.ds(o1, 16)]
            x2 = xb[pl.ds(o2, 16)]
            u0 = ub[pl.ds(o0, 16)]
            u1 = ub[pl.ds(o1, 16)]
            u2 = ub[pl.ds(o2, 16)]
            l0 = _log2(u0)
            l1 = _log2(u1)
            l2 = _log2(u2)
            a = l0 * l0
            b = l1 * l1
            c = l2 * l2
            two = jnp.float32(2.0)
            e0 = jnp.exp(x0 * two) * (b * c)
            e1 = jnp.exp(x1 * two) * (a * c)
            e2 = jnp.exp(x2 * two) * (a * b)
            r = jnp.float32(1.0) / (e0 + e1 + e2)
            ob[pl.ds(o0, 16)] = e0 * r
            ob[pl.ds(o1, 16)] = e1 * r
            ob[pl.ds(o2, 16)] = e2 * r
            return carry

        lax.fori_loop(0, _CF * 8, vec, 0, unroll=False)
        return pltpu.async_copy(ob, out_hbm.at[pl.ds(chunk_off(ci), _CHUNK)],
                                sos[s])

    in_flight = {0: start_in(0)}
    out_flight = {}
    for ci in range(_NCHUNK):
        if ci + 1 < _NCHUNK:
            in_flight[ci + 1] = start_in(ci + 1)
        for cpy in in_flight.pop(ci):
            cpy.wait()
        if ci - 2 in out_flight:
            out_flight.pop(ci - 2).wait()
        out_flight[ci] = compute(ci)
    for ci, cpy in out_flight.items():
        cpy.wait()


def kernel(logits, uniform):
    x = logits.T.reshape(_N)
    u = uniform.transpose(1, 2, 3, 0).reshape(_N)
    out = _sc_gumbel_softmax(x, u)
    return out.reshape(3 * _F, _B).T

# --- scband reference (transcript-rebuilt; emitter-appended) ---
"""Pipeline reference for scband-sample-concrete-12206297055675 (READ-ONLY COPY).

The authoritative reference and input builder live on the scoring server;
editing this copy changes nothing except your own understanding.
"""

import jax, jax.numpy as jnp
import numpy as np

TAU0 = 0.5
K_SEL = 1
NUM_FEATURE = 10000
NUM_GROUPS = 3
BATCH = 128
TINY = float(np.finfo(np.float32).tiny)


def setup_inputs(seed: int = 0) -> dict:
    key = jax.random.key(seed)
    k1, k2 = jax.random.split(key)
    logits = jax.random.normal(k1, (BATCH, NUM_FEATURE * NUM_GROUPS), dtype=jnp.float32)
    # gumbel noise source: uniform (batch, num_feature, k, num_groups), one block per feature
    uniform = jax.random.uniform(k2, (BATCH, NUM_FEATURE, K_SEL, NUM_GROUPS), dtype=jnp.float32)
    return {"logits": logits, "uniform": uniform}


def reference(logits, uniform):
    # Faithful (vectorized) translation of Sample_Concrete.call, training branch.
    # Original loops over num_feature, slicing num_groups logits each time;
    # here all feature blocks are processed in one reshaped tensor (same math).
    B = logits.shape[0]
    # logits_ = expand_dims(logits, -2); sub_logits per feature block -> (B, 1, num_groups)
    sub_logits = logits.reshape(B, NUM_FEATURE, 1, NUM_GROUPS)
    u = jnp.clip(uniform, TINY, 1.0)
    gumbel = -jnp.log(-jnp.log(u))                       # (B, F, k, G)
    noisy_logits = (gumbel + sub_logits) / TAU0          # broadcast over k
    samples = jax.nn.softmax(noisy_logits, axis=-1)      # softmax over group axis
    samples = jnp.max(samples, axis=2)                   # max over k -> (B, F, G)
    final_samples = samples.reshape(B, NUM_FEATURE * NUM_GROUPS)
    return final_samples

if __name__ == "__main__":
    import jax
    _d = setup_inputs()
    print(jax.jit(kernel)(*tuple(_d.values())))

</pallas_src>

<mosaic_0001>
#map = affine_map<(d0, d1) -> (0)>
module attributes {stable_mosaic.version = 14 : i64} {
  func.func @_sc_gumbel_softmax(%arg0: i32, %arg1: i32, %arg2: memref<3840000xf32, #tpu.memory_space<hbm>>, %arg3: memref<3840000xf32, #tpu.memory_space<hbm>>, %arg4: memref<3840000xf32, #tpu.memory_space<hbm>>, %arg5: memref<18432xf32, #tpu.memory_space<vmem>>, %arg6: memref<18432xf32, #tpu.memory_space<vmem>>, %arg7: memref<18432xf32, #tpu.memory_space<vmem>>, %arg8: memref<18432xf32, #tpu.memory_space<vmem>>, %arg9: memref<18432xf32, #tpu.memory_space<vmem>>, %arg10: memref<18432xf32, #tpu.memory_space<vmem>>, %arg11: memref<!tpu.dma_semaphore, #tpu.memory_space<semaphore_mem>>, %arg12: memref<!tpu.dma_semaphore, #tpu.memory_space<semaphore_mem>>, %arg13: memref<!tpu.dma_semaphore, #tpu.memory_space<semaphore_mem>>, %arg14: memref<!tpu.dma_semaphore, #tpu.memory_space<semaphore_mem>>, %arg15: memref<!tpu.dma_semaphore, #tpu.memory_space<semaphore_mem>>, %arg16: memref<!tpu.dma_semaphore, #tpu.memory_space<semaphore_mem>>) attributes {dimension_semantics = [#tpu.dimension_semantics<core_parallel>, #tpu.dimension_semantics<subcore_parallel>], iteration_bounds = array<i64: 2, 16>, scalar_prefetch = 0 : i64, scratch_operands = 12 : i64, tpu.core_type = #tpu.core_type<sc_vector_subcore>, window_params = [{transform_indices = #map}, {transform_indices = #map}, {transform_indices = #map}]} {
    %mul3A = arith.constant 2 : i32
    %mul3A_0 = arith.muli %arg1, %mul3A : i32
    %add3A = arith.addi %mul3A_0, %arg0 : i32
    %mul3A_1 = arith.constant 313 : i32
    %mul3A_2 = arith.muli %add3A, %mul3A_1 : i32
    %min3A = arith.constant 9687 : i32
    %min3A_3 = arith.minsi %mul3A_2, %min3A : i32
    %add3A_4 = arith.constant 0 : i32
    %add3A_5 = arith.addi %min3A_3, %add3A_4 : i32
    %mul3A_6 = arith.constant 384 : i32
    %mul3A_7 = arith.muli %add3A_5, %mul3A_6 : i32
    %dma_start3A = tpu.memref_slice %arg2[%mul3A_7] : memref<3840000xf32, #tpu.memory_space<hbm>> -> memref<18432xf32, #tpu.memory_space<hbm>>
    %dma_start3A_8 = tpu.memref_slice %arg2[%mul3A_7] : memref<3840000xf32, #tpu.memory_space<hbm>> -> memref<18432xf32, #tpu.memory_space<hbm>>
    tpu.enqueue_dma source(%dma_start3A_8 : memref<18432xf32, #tpu.memory_space<hbm>>) target(%arg5 : memref<18432xf32, #tpu.memory_space<vmem>>) target_semaphore(%arg11 : memref<!tpu.dma_semaphore, #tpu.memory_space<semaphore_mem>>)
    %dma_start3A_9 = tpu.memref_slice %arg3[%mul3A_7] : memref<3840000xf32, #tpu.memory_space<hbm>> -> memref<18432xf32, #tpu.memory_space<hbm>>
    %dma_start3A_10 = tpu.memref_slice %arg3[%mul3A_7] : memref<3840000xf32, #tpu.memory_space<hbm>> -> memref<18432xf32, #tpu.memory_space<hbm>>
    tpu.enqueue_dma source(%dma_start3A_10 : memref<18432xf32, #tpu.memory_space<hbm>>) target(%arg7 : memref<18432xf32, #tpu.memory_space<vmem>>) target_semaphore(%arg13 : memref<!tpu.dma_semaphore, #tpu.memory_space<semaphore_mem>>)
    %add3A_11 = arith.constant 48 : i32
    %add3A_12 = arith.addi %min3A_3, %add3A_11 : i32
    %mul3A_13 = arith.constant 384 : i32
    %mul3A_14 = arith.muli %add3A_12, %mul3A_13 : i32
    %dma_start3A_15 = tpu.memref_slice %arg2[%mul3A_14] : memref<3840000xf32, #tpu.memory_space<hbm>> -> memref<18432xf32, #tpu.memory_space<hbm>>
    %dma_start3A_16 = tpu.memref_slice %arg2[%mul3A_14] : memref<3840000xf32, #tpu.memory_space<hbm>> -> memref<18432xf32, #tpu.memory_space<hbm>>
    tpu.enqueue_dma source(%dma_start3A_16 : memref<18432xf32, #tpu.memory_space<hbm>>) target(%arg6 : memref<18432xf32, #tpu.memory_space<vmem>>) target_semaphore(%arg12 : memref<!tpu.dma_semaphore, #tpu.memory_space<semaphore_mem>>)
    %dma_start3A_17 = tpu.memref_slice %arg3[%mul3A_14] : memref<3840000xf32, #tpu.memory_space<hbm>> -> memref<18432xf32, #tpu.memory_space<hbm>>
    %dma_start3A_18 = tpu.memref_slice %arg3[%mul3A_14] : memref<3840000xf32, #tpu.memory_space<hbm>> -> memref<18432xf32, #tpu.memory_space<hbm>>
    tpu.enqueue_dma source(%dma_start3A_18 : memref<18432xf32, #tpu.memory_space<hbm>>) target(%arg8 : memref<18432xf32, #tpu.memory_space<vmem>>) target_semaphore(%arg14 : memref<!tpu.dma_semaphore, #tpu.memory_space<semaphore_mem>>)
    %dma_wait3A = tpu.memref_slice %arg2[%mul3A_7] : memref<3840000xf32, #tpu.memory_space<hbm>> -> memref<18432xf32, #tpu.memory_space<hbm>>
    %dma_wait3A_19 = tpu.memref_slice %arg2[%mul3A_7] : memref<3840000xf32, #tpu.memory_space<hbm>> -> memref<18432xf32, #tpu.memory_space<hbm>>
    tpu.wait_dma2 semaphore(%arg11 : memref<!tpu.dma_semaphore, #tpu.memory_space<semaphore_mem>>) src(%dma_wait3A_19 : memref<18432xf32, #tpu.memory_space<hbm>>) dst(%arg5 : memref<18432xf32, #tpu.memory_space<vmem>>)
    %dma_wait3A_20 = tpu.memref_slice %arg3[%mul3A_7] : memref<3840000xf32, #tpu.memory_space<hbm>> -> memref<18432xf32, #tpu.memory_space<hbm>>
    %dma_wait3A_21 = tpu.memref_slice %arg3[%mul3A_7] : memref<3840000xf32, #tpu.memory_space<hbm>> -> memref<18432xf32, #tpu.memory_space<hbm>>
    tpu.wait_dma2 semaphore(%arg13 : memref<!tpu.dma_semaphore, #tpu.memory_space<semaphore_mem>>) src(%dma_wait3A_21 : memref<18432xf32, #tpu.memory_space<hbm>>) dst(%arg7 : memref<18432xf32, #tpu.memory_space<vmem>>)
    %scan3A = arith.constant 0 : i32
    %scan3A_22 = arith.constant 0 : i32
    %scan3A_23 = arith.constant 384 : i32
    %scan3A_24 = arith.addi %scan3A_22, %scan3A_23 : i32
    %scan3A_25 = arith.constant 1 : i32
    scf.for %scan3A_183 = %scan3A_22 to %scan3A_24 step %scan3A_25  : i32 {
      %shift_right_logical3A = arith.constant 3 : i32
      %shift_right_logical3A_184 = arith.shrui %scan3A_183, %shift_right_logical3A : i32
      %mul3A_185 = arith.constant 384 : i32
      %mul3A_186 = arith.muli %shift_right_logical3A_184, %mul3A_185 : i32
      %and3A = arith.constant 7 : i32
      %and3A_187 = arith.andi %scan3A_183, %and3A : i32
      %mul3A_188 = arith.constant 16 : i32
      %mul3A_189 = arith.muli %and3A_187, %mul3A_188 : i32
      %add3A_190 = arith.addi %mul3A_186, %mul3A_189 : i32
      %add3A_191 = arith.constant 128 : i32
      %add3A_192 = arith.addi %add3A_190, %add3A_191 : i32
      %add3A_193 = arith.constant 128 : i32
      %add3A_194 = arith.addi %add3A_192, %add3A_193 : i32
      %get3A = arith.index_cast %add3A_190 : i32 to index
      %get3A_195 = tpu.vector_load %arg5[%get3A] {strides = array<i32>} : memref<18432xf32, #tpu.memory_space<vmem>>, vector<16xf32>,
      %get3A_196 = arith.index_cast %add3A_192 : i32 to index
      %get3A_197 = tpu.vector_load %arg5[%get3A_196] {strides = array<i32>} : memref<18432xf32, #tpu.memory_space<vmem>>, vector<16xf32>,
      %get3A_198 = arith.index_cast %add3A_194 : i32 to index
      %get3A_199 = tpu.vector_load %arg5[%get3A_198] {strides = array<i32>} : memref<18432xf32, #tpu.memory_space<vmem>>, vector<16xf32>,
      %get3A_200 = arith.index_cast %add3A_190 : i32 to index
      %get3A_201 = tpu.vector_load %arg7[%get3A_200] {strides = array<i32>} : memref<18432xf32, #tpu.memory_space<vmem>>, vector<16xf32>,
      %get3A_202 = arith.index_cast %add3A_192 : i32 to index
      %get3A_203 = tpu.vector_load %arg7[%get3A_202] {strides = array<i32>} : memref<18432xf32, #tpu.memory_space<vmem>>, vector<16xf32>,
      %get3A_204 = arith.index_cast %add3A_194 : i32 to index
      %get3A_205 = tpu.vector_load %arg7[%get3A_204] {strides = array<i32>} : memref<18432xf32, #tpu.memory_space<vmem>>, vector<16xf32>,
      %bitcast_convert_type3A = tpu.bitcast %get3A_201 : vector<16xf32> -> vector<16xi32>
      %sub3A = arith.constant 1060439283 : i32
      %sub3A_206 = vector.broadcast %sub3A : i32 to vector<16xi32>
      %sub3A_207 = arith.subi %bitcast_convert_type3A, %sub3A_206 : vector<16xi32>
      %shift_right_arithmetic3A = arith.constant 23 : i32
      %shift_right_arithmetic3A_208 = vector.broadcast %shift_right_arithmetic3A : i32 to vector<16xi32>
      %shift_right_arithmetic3A_209 = arith.shrsi %sub3A_207, %shift_right_arithmetic3A_208 : vector<16xi32>
      %shift_left3A = arith.constant 23 : i32
      %shift_left3A_210 = vector.broadcast %shift_left3A : i32 to vector<16xi32>
      %shift_left3A_211 = arith.shli %shift_right_arithmetic3A_209, %shift_left3A_210 : vector<16xi32>
      %sub3A_212 = arith.subi %bitcast_convert_type3A, %shift_left3A_211 : vector<16xi32>
      %bitcast_convert_type3A_213 = tpu.bitcast %sub3A_212 : vector<16xi32> -> vector<16xf32>
      %convert_element_type3A = arith.sitofp %shift_right_arithmetic3A_209 : vector<16xi32> to vector<16xf32>
      %sub3A_214 = arith.constant 1.000000e+00 : f32
      %sub3A_215 = vector.broadcast %sub3A_214 : f32 to vector<16xf32>
      %sub3A_216 = arith.subf %bitcast_convert_type3A_213, %sub3A_215 : vector<16xf32>
      %mul3A_217 = arith.constant -0.325476557 : f32
      %mul3A_218 = vector.broadcast %mul3A_217 : f32 to vector<16xf32>
      %mul3A_219 = arith.mulf %mul3A_218, %sub3A_216 : vector<16xf32>
      %add3A_220 = arith.constant 0.506281137 : f32
      %add3A_221 = vector.broadcast %add3A_220 : f32 to vector<16xf32>
      %add3A_222 = arith.addf %mul3A_219, %add3A_221 : vector<16xf32>
      %mul3A_223 = arith.mulf %add3A_222, %sub3A_216 : vector<16xf32>
      %add3A_224 = arith.constant -0.72383517 : f32
      %add3A_225 = vector.broadcast %add3A_224 : f32 to vector<16xf32>
      %add3A_226 = arith.addf %mul3A_223, %add3A_225 : vector<16xf32>
      %mul3A_227 = arith.mulf %add3A_226, %sub3A_216 : vector<16xf32>
      %add3A_228 = arith.constant 1.44241703 : f32
      %add3A_229 = vector.broadcast %add3A_228 : f32 to vector<16xf32>
      %add3A_230 = arith.addf %mul3A_227, %add3A_229 : vector<16xf32>
      %mul3A_231 = arith.mulf %sub3A_216, %add3A_230 : vector<16xf32>
      %add3A_232 = arith.addf %convert_element_type3A, %mul3A_231 : vector<16xf32>
      %bitcast_convert_type3A_233 = tpu.bitcast %get3A_203 : vector<16xf32> -> vector<16xi32>
      %sub3A_234 = arith.constant 1060439283 : i32
      %sub3A_235 = vector.broadcast %sub3A_234 : i32 to vector<16xi32>
      %sub3A_236 = arith.subi %bitcast_convert_type3A_233, %sub3A_235 : vector<16xi32>
      %shift_right_arithmetic3A_237 = arith.constant 23 : i32
      %shift_right_arithmetic3A_238 = vector.broadcast %shift_right_arithmetic3A_237 : i32 to vector<16xi32>
      %shift_right_arithmetic3A_239 = arith.shrsi %sub3A_236, %shift_right_arithmetic3A_238 : vector<16xi32>
      %shift_left3A_240 = arith.constant 23 : i32
      %shift_left3A_241 = vector.broadcast %shift_left3A_240 : i32 to vector<16xi32>
      %shift_left3A_242 = arith.shli %shift_right_arithmetic3A_239, %shift_left3A_241 : vector<16xi32>
      %sub3A_243 = arith.subi %bitcast_convert_type3A_233, %shift_left3A_242 : vector<16xi32>
      %bitcast_convert_type3A_244 = tpu.bitcast %sub3A_243 : vector<16xi32> -> vector<16xf32>
      %convert_element_type3A_245 = arith.sitofp %shift_right_arithmetic3A_239 : vector<16xi32> to vector<16xf32>
      %sub3A_246 = arith.constant 1.000000e+00 : f32
      %sub3A_247 = vector.broadcast %sub3A_246 : f32 to vector<16xf32>
      %sub3A_248 = arith.subf %bitcast_convert_type3A_244, %sub3A_247 : vector<16xf32>
      %mul3A_249 = arith.constant -0.325476557 : f32
      %mul3A_250 = vector.broadcast %mul3A_249 : f32 to vector<16xf32>
      %mul3A_251 = arith.mulf %mul3A_250, %sub3A_248 : vector<16xf32>
      %add3A_252 = arith.constant 0.506281137 : f32
      %add3A_253 = vector.broadcast %add3A_252 : f32 to vector<16xf32>
      %add3A_254 = arith.addf %mul3A_251, %add3A_253 : vector<16xf32>
      %mul3A_255 = arith.mulf %add3A_254, %sub3A_248 : vector<16xf32>
      %add3A_256 = arith.constant -0.72383517 : f32
      %add3A_257 = vector.broadcast %add3A_256 : f32 to vector<16xf32>
      %add3A_258 = arith.addf %mul3A_255, %add3A_257 : vector<16xf32>
      %mul3A_259 = arith.mulf %add3A_258, %sub3A_248 : vector<16xf32>
      %add3A_260 = arith.constant 1.44241703 : f32
      %add3A_261 = vector.broadcast %add3A_260 : f32 to vector<16xf32>
      %add3A_262 = arith.addf %mul3A_259, %add3A_261 : vector<16xf32>
      %mul3A_263 = arith.mulf %sub3A_248, %add3A_262 : vector<16xf32>
      %add3A_264 = arith.addf %convert_element_type3A_245, %mul3A_263 : vector<16xf32>
      %bitcast_convert_type3A_265 = tpu.bitcast %get3A_205 : vector<16xf32> -> vector<16xi32>
      %sub3A_266 = arith.constant 1060439283 : i32
      %sub3A_267 = vector.broadcast %sub3A_266 : i32 to vector<16xi32>
      %sub3A_268 = arith.subi %bitcast_convert_type3A_265, %sub3A_267 : vector<16xi32>
      %shift_right_arithmetic3A_269 = arith.constant 23 : i32
      %shift_right_arithmetic3A_270 = vector.broadcast %shift_right_arithmetic3A_269 : i32 to vector<16xi32>
      %shift_right_arithmetic3A_271 = arith.shrsi %sub3A_268, %shift_right_arithmetic3A_270 : vector<16xi32>
      %shift_left3A_272 = arith.constant 23 : i32
      %shift_left3A_273 = vector.broadcast %shift_left3A_272 : i32 to vector<16xi32>
      %shift_left3A_274 = arith.shli %shift_right_arithmetic3A_271, %shift_left3A_273 : vector<16xi32>
      %sub3A_275 = arith.subi %bitcast_convert_type3A_265, %shift_left3A_274 : vector<16xi32>
      %bitcast_convert_type3A_276 = tpu.bitcast %sub3A_275 : vector<16xi32> -> vector<16xf32>
      %convert_element_type3A_277 = arith.sitofp %shift_right_arithmetic3A_271 : vector<16xi32> to vector<16xf32>
      %sub3A_278 = arith.constant 1.000000e+00 : f32
      %sub3A_279 = vector.broadcast %sub3A_278 : f32 to vector<16xf32>
      %sub3A_280 = arith.subf %bitcast_convert_type3A_276, %sub3A_279 : vector<16xf32>
      %mul3A_281 = arith.constant -0.325476557 : f32
      %mul3A_282 = vector.broadcast %mul3A_281 : f32 to vector<16xf32>
      %mul3A_283 = arith.mulf %mul3A_282, %sub3A_280 : vector<16xf32>
      %add3A_284 = arith.constant 0.506281137 : f32
      %add3A_285 = vector.broadcast %add3A_284 : f32 to vector<16xf32>
      %add3A_286 = arith.addf %mul3A_283, %add3A_285 : vector<16xf32>
      %mul3A_287 = arith.mulf %add3A_286, %sub3A_280 : vector<16xf32>
      %add3A_288 = arith.constant -0.72383517 : f32
      %add3A_289 = vector.broadcast %add3A_288 : f32 to vector<16xf32>
      %add3A_290 = arith.addf %mul3A_287, %add3A_289 : vector<16xf32>
      %mul3A_291 = arith.mulf %add3A_290, %sub3A_280 : vector<16xf32>
      %add3A_292 = arith.constant 1.44241703 : f32
      %add3A_293 = vector.broadcast %add3A_292 : f32 to vector<16xf32>
      %add3A_294 = arith.addf %mul3A_291, %add3A_293 : vector<16xf32>
      %mul3A_295 = arith.mulf %sub3A_280, %add3A_294 : vector<16xf32>
      %add3A_296 = arith.addf %convert_element_type3A_277, %mul3A_295 : vector<16xf32>
      %mul3A_297 = arith.mulf %add3A_232, %add3A_232 : vector<16xf32>
      %mul3A_298 = arith.mulf %add3A_264, %add3A_264 : vector<16xf32>
      %mul3A_299 = arith.mulf %add3A_296, %add3A_296 : vector<16xf32>
      %mul3A_300 = arith.constant 2.000000e+00 : f32
      %mul3A_301 = vector.broadcast %mul3A_300 : f32 to vector<16xf32>
      %mul3A_302 = arith.mulf %get3A_195, %mul3A_301 : vector<16xf32>
      %exp3A = math.exp %mul3A_302 : vector<16xf32>
      %mul3A_303 = arith.mulf %mul3A_298, %mul3A_299 : vector<16xf32>
      %mul3A_304 = arith.mulf %exp3A, %mul3A_303 : vector<16xf32>
      %mul3A_305 = arith.constant 2.000000e+00 : f32
      %mul3A_306 = vector.broadcast %mul3A_305 : f32 to vector<16xf32>
      %mul3A_307 = arith.mulf %get3A_197, %mul3A_306 : vector<16xf32>
      %exp3A_308 = math.exp %mul3A_307 : vector<16xf32>
      %mul3A_309 = arith.mulf %mul3A_297, %mul3A_299 : vector<16xf32>
      %mul3A_310 = arith.mulf %exp3A_308, %mul3A_309 : vector<16xf32>
      %mul3A_311 = arith.constant 2.000000e+00 : f32
      %mul3A_312 = vector.broadcast %mul3A_311 : f32 to vector<16xf32>
      %mul3A_313 = arith.mulf %get3A_199, %mul3A_312 : vector<16xf32>
      %exp3A_314 = math.exp %mul3A_313 : vector<16xf32>
      %mul3A_315 = arith.mulf %mul3A_297, %mul3A_298 : vector<16xf32>
      %mul3A_316 = arith.mulf %exp3A_314, %mul3A_315 : vector<16xf32>
      %add3A_317 = arith.addf %mul3A_304, %mul3A_310 : vector<16xf32>
      %add3A_318 = arith.addf %add3A_317, %mul3A_316 : vector<16xf32>
      %div3A = arith.constant 1.000000e+00 : f32
      %div3A_319 = vector.broadcast %div3A : f32 to vector<16xf32>
      %div3A_320 = arith.divf %div3A_319, %add3A_318 : vector<16xf32>
      %mul3A_321 = arith.mulf %mul3A_304, %div3A_320 : vector<16xf32>
      %swap3A = arith.index_cast %add3A_190 : i32 to index
      %swap3A_322 = tpu.vector_load %arg9[%swap3A] {strides = array<i32>} : memref<18432xf32, #tpu.memory_space<vmem>>, vector<16xf32>,
      tpu.vector_store %arg9[%swap3A], %mul3A_321 {strides = array<i32>} : memref<18432xf32, #tpu.memory_space<vmem>>, vector<16xf32>,
      %mul3A_323 = arith.mulf %mul3A_310, %div3A_320 : vector<16xf32>
      %swap3A_324 = arith.index_cast %add3A_192 : i32 to index
      %swap3A_325 = tpu.vector_load %arg9[%swap3A_324] {strides = array<i32>} : memref<18432xf32, #tpu.memory_space<vmem>>, vector<16xf32>,
      tpu.vector_store %arg9[%swap3A_324], %mul3A_323 {strides = array<i32>} : memref<18432xf32, #tpu.memory_space<vmem>>, vector<16xf32>,
      %mul3A_326 = arith.mulf %mul3A_316, %div3A_320 : vector<16xf32>
      %swap3A_327 = arith.index_cast %add3A_194 : i32 to index
      %swap3A_328 = tpu.vector_load %arg9[%swap3A_327] {strides = array<i32>} : memref<18432xf32, #tpu.memory_space<vmem>>, vector<16xf32>,
      tpu.vector_store %arg9[%swap3A_327], %mul3A_326 {strides = array<i32>} : memref<18432xf32, #tpu.memory_space<vmem>>, vector<16xf32>,
    }
    %scan3A_26 = arith.constant 384 : i32
    %add3A_27 = arith.constant 0 : i32
    %add3A_28 = arith.addi %min3A_3, %add3A_27 : i32
    %mul3A_29 = arith.constant 384 : i32
    %mul3A_30 = arith.muli %add3A_28, %mul3A_29 : i32
    %dma_start3A_31 = tpu.memref_slice %arg4[%mul3A_30] : memref<3840000xf32, #tpu.memory_space<hbm>> -> memref<18432xf32, #tpu.memory_space<hbm>>
    %dma_start3A_32 = tpu.memref_slice %arg4[%mul3A_30] : memref<3840000xf32, #tpu.memory_space<hbm>> -> memref<18432xf32, #tpu.memory_space<hbm>>
    tpu.enqueue_dma source(%arg9 : memref<18432xf32, #tpu.memory_space<vmem>>) target(%dma_start3A_32 : memref<18432xf32, #tpu.memory_space<hbm>>) target_semaphore(%arg15 : memref<!tpu.dma_semaphore, #tpu.memory_space<semaphore_mem>>)
    %add3A_33 = arith.constant 96 : i32
    %add3A_34 = arith.addi %min3A_3, %add3A_33 : i32
    %mul3A_35 = arith.constant 384 : i32
    %mul3A_36 = arith.muli %add3A_34, %mul3A_35 : i32
    %dma_start3A_37 = tpu.memref_slice %arg2[%mul3A_36] : memref<3840000xf32, #tpu.memory_space<hbm>> -> memref<18432xf32, #tpu.memory_space<hbm>>
    %dma_start3A_38 = tpu.memref_slice %arg2[%mul3A_36] : memref<3840000xf32, #tpu.memory_space<hbm>> -> memref<18432xf32, #tpu.memory_space<hbm>>
    tpu.enqueue_dma source(%dma_start3A_38 : memref<18432xf32, #tpu.memory_space<hbm>>) target(%arg5 : memref<18432xf32, #tpu.memory_space<vmem>>) target_semaphore(%arg11 : memref<!tpu.dma_semaphore, #tpu.memory_space<semaphore_mem>>)
    %dma_start3A_39 = tpu.memref_slice %arg3[%mul3A_36] : memref<3840000xf32, #tpu.memory_space<hbm>> -> memref<18432xf32, #tpu.memory_space<hbm>>
    %dma_start3A_40 = tpu.memref_slice %arg3[%mul3A_36] : memref<3840000xf32, #tpu.memory_space<hbm>> -> memref<18432xf32, #tpu.memory_space<hbm>>
    tpu.enqueue_dma source(%dma_start3A_40 : memref<18432xf32, #tpu.memory_space<hbm>>) target(%arg7 : memref<18432xf32, #tpu.memory_space<vmem>>) target_semaphore(%arg13 : memref<!tpu.dma_semaphore, #tpu.memory_space<semaphore_mem>>)
    %dma_wait3A_41 = tpu.memref_slice %arg2[%mul3A_14] : memref<3840000xf32, #tpu.memory_space<hbm>> -> memref<18432xf32, #tpu.memory_space<hbm>>
    %dma_wait3A_42 = tpu.memref_slice %arg2[%mul3A_14] : memref<3840000xf32, #tpu.memory_space<hbm>> -> memref<18432xf32, #tpu.memory_space<hbm>>
    tpu.wait_dma2 semaphore(%arg12 : memref<!tpu.dma_semaphore, #tpu.memory_space<semaphore_mem>>) src(%dma_wait3A_42 : memref<18432xf32, #tpu.memory_space<hbm>>) dst(%arg6 : memref<18432xf32, #tpu.memory_space<vmem>>)
    %dma_wait3A_43 = tpu.memref_slice %arg3[%mul3A_14] : memref<3840000xf32, #tpu.memory_space<hbm>> -> memref<18432xf32, #tpu.memory_space<hbm>>
    %dma_wait3A_44 = tpu.memref_slice %arg3[%mul3A_14] : memref<3840000xf32, #tpu.memory_space<hbm>> -> memref<18432xf32, #tpu.memory_space<hbm>>
    tpu.wait_dma2 semaphore(%arg14 : memref<!tpu.dma_semaphore, #tpu.memory_space<semaphore_mem>>) src(%dma_wait3A_44 : memref<18432xf32, #tpu.memory_space<hbm>>) dst(%arg8 : memref<18432xf32, #tpu.memory_space<vmem>>)
    %scan3A_45 = arith.constant 0 : i32
    %scan3A_46 = arith.constant 0 : i32
    %scan3A_47 = arith.constant 384 : i32
    %scan3A_48 = arith.addi %scan3A_46, %scan3A_47 : i32
    %scan3A_49 = arith.constant 1 : i32
    scf.for %scan3A_183 = %scan3A_46 to %scan3A_48 step %scan3A_49  : i32 {
      %shift_right_logical3A = arith.constant 3 : i32
      %shift_right_logical3A_184 = arith.shrui %scan3A_183, %shift_right_logical3A : i32
      %mul3A_185 = arith.constant 384 : i32
      %mul3A_186 = arith.muli %shift_right_logical3A_184, %mul3A_185 : i32
      %and3A = arith.constant 7 : i32
      %and3A_187 = arith.andi %scan3A_183, %and3A : i32
      %mul3A_188 = arith.constant 16 : i32
      %mul3A_189 = arith.muli %and3A_187, %mul3A_188 : i32
      %add3A_190 = arith.addi %mul3A_186, %mul3A_189 : i32
      %add3A_191 = arith.constant 128 : i32
      %add3A_192 = arith.addi %add3A_190, %add3A_191 : i32
      %add3A_193 = arith.constant 128 : i32
      %add3A_194 = arith.addi %add3A_192, %add3A_193 : i32
      %get3A = arith.index_cast %add3A_190 : i32 to index
      %get3A_195 = tpu.vector_load %arg6[%get3A] {strides = array<i32>} : memref<18432xf32, #tpu.memory_space<vmem>>, vector<16xf32>,
      %get3A_196 = arith.index_cast %add3A_192 : i32 to index
      %get3A_197 = tpu.vector_load %arg6[%get3A_196] {strides = array<i32>} : memref<18432xf32, #tpu.memory_space<vmem>>, vector<16xf32>,
      %get3A_198 = arith.index_cast %add3A_194 : i32 to index
      %get3A_199 = tpu.vector_load %arg6[%get3A_198] {strides = array<i32>} : memref<18432xf32, #tpu.memory_space<vmem>>, vector<16xf32>,
      %get3A_200 = arith.index_cast %add3A_190 : i32 to index
      %get3A_201 = tpu.vector_load %arg8[%get3A_200] {strides = array<i32>} : memref<18432xf32, #tpu.memory_space<vmem>>, vector<16xf32>,
      %get3A_202 = arith.index_cast %add3A_192 : i32 to index
      %get3A_203 = tpu.vector_load %arg8[%get3A_202] {strides = array<i32>} : memref<18432xf32, #tpu.memory_space<vmem>>, vector<16xf32>,
      %get3A_204 = arith.index_cast %add3A_194 : i32 to index
      %get3A_205 = tpu.vector_load %arg8[%get3A_204] {strides = array<i32>} : memref<18432xf32, #tpu.memory_space<vmem>>, vector<16xf32>,
      %bitcast_convert_type3A = tpu.bitcast %get3A_201 : vector<16xf32> -> vector<16xi32>
      %sub3A = arith.constant 1060439283 : i32
      %sub3A_206 = vector.broadcast %sub3A : i32 to vector<16xi32>
      %sub3A_207 = arith.subi %bitcast_convert_type3A, %sub3A_206 : vector<16xi32>
      %shift_right_arithmetic3A = arith.constant 23 : i32
      %shift_right_arithmetic3A_208 = vector.broadcast %shift_right_arithmetic3A : i32 to vector<16xi32>
      %shift_right_arithmetic3A_209 = arith.shrsi %sub3A_207, %shift_right_arithmetic3A_208 : vector<16xi32>
      %shift_left3A = arith.constant 23 : i32
      %shift_left3A_210 = vector.broadcast %shift_left3A : i32 to vector<16xi32>
      %shift_left3A_211 = arith.shli %shift_right_arithmetic3A_209, %shift_left3A_210 : vector<16xi32>
      %sub3A_212 = arith.subi %bitcast_convert_type3A, %shift_left3A_211 : vector<16xi32>
      %bitcast_convert_type3A_213 = tpu.bitcast %sub3A_212 : vector<16xi32> -> vector<16xf32>
      %convert_element_type3A = arith.sitofp %shift_right_arithmetic3A_209 : vector<16xi32> to vector<16xf32>
      %sub3A_214 = arith.constant 1.000000e+00 : f32
      %sub3A_215 = vector.broadcast %sub3A_214 : f32 to vector<16xf32>
      %sub3A_216 = arith.subf %bitcast_convert_type3A_213, %sub3A_215 : vector<16xf32>
      %mul3A_217 = arith.constant -0.325476557 : f32
      %mul3A_218 = vector.broadcast %mul3A_217 : f32 to vector<16xf32>
      %mul3A_219 = arith.mulf %mul3A_218, %sub3A_216 : vector<16xf32>
      %add3A_220 = arith.constant 0.506281137 : f32
      %add3A_221 = vector.broadcast %add3A_220 : f32 to vector<16xf32>
      %add3A_222 = arith.addf %mul3A_219, %add3A_221 : vector<16xf32>
      %mul3A_223 = arith.mulf %add3A_222, %sub3A_216 : vector<16xf32>
      %add3A_224 = arith.constant -0.72383517 : f32
      %add3A_225 = vector.broadcast %add3A_224 : f32 to vector<16xf32>
      %add3A_226 = arith.addf %mul3A_223, %add3A_225 : vector<16xf32>
      %mul3A_227 = arith.mulf %add3A_226, %sub3A_216 : vector<16xf32>
      %add3A_228 = arith.constant 1.44241703 : f32
      %add3A_229 = vector.broadcast %add3A_228 : f32 to vector<16xf32>
      %add3A_230 = arith.addf %mul3A_227, %add3A_229 : vector<16xf32>
      %mul3A_231 = arith.mulf %sub3A_216, %add3A_230 : vector<16xf32>
      %add3A_232 = arith.addf %convert_element_type3A, %mul3A_231 : vector<16xf32>
      %bitcast_convert_type3A_233 = tpu.bitcast %get3A_203 : vector<16xf32> -> vector<16xi32>
      %sub3A_234 = arith.constant 1060439283 : i32
      %sub3A_235 = vector.broadcast %sub3A_234 : i32 to vector<16xi32>
      %sub3A_236 = arith.subi %bitcast_convert_type3A_233, %sub3A_235 : vector<16xi32>
      %shift_right_arithmetic3A_237 = arith.constant 23 : i32
      %shift_right_arithmetic3A_238 = vector.broadcast %shift_right_arithmetic3A_237 : i32 to vector<16xi32>
      %shift_right_arithmetic3A_239 = arith.shrsi %sub3A_236, %shift_right_arithmetic3A_238 : vector<16xi32>
      %shift_left3A_240 = arith.constant 23 : i32
      %shift_left3A_241 = vector.broadcast %shift_left3A_240 : i32 to vector<16xi32>
      %shift_left3A_242 = arith.shli %shift_right_arithmetic3A_239, %shift_left3A_241 : vector<16xi32>
      %sub3A_243 = arith.subi %bitcast_convert_type3A_233, %shift_left3A_242 : vector<16xi32>
      %bitcast_convert_type3A_244 = tpu.bitcast %sub3A_243 : vector<16xi32> -> vector<16xf32>
      %convert_element_type3A_245 = arith.sitofp %shift_right_arithmetic3A_239 : vector<16xi32> to vector<16xf32>
      %sub3A_246 = arith.constant 1.000000e+00 : f32
      %sub3A_247 = vector.broadcast %sub3A_246 : f32 to vector<16xf32>
      %sub3A_248 = arith.subf %bitcast_convert_type3A_244, %sub3A_247 : vector<16xf32>
      %mul3A_249 = arith.constant -0.325476557 : f32
      %mul3A_250 = vector.broadcast %mul3A_249 : f32 to vector<16xf32>
      %mul3A_251 = arith.mulf %mul3A_250, %sub3A_248 : vector<16xf32>
      %add3A_252 = arith.constant 0.506281137 : f32
      %add3A_253 = vector.broadcast %add3A_252 : f32 to vector<16xf32>
      %add3A_254 = arith.addf %mul3A_251, %add3A_253 : vector<16xf32>
      %mul3A_255 = arith.mulf %add3A_254, %sub3A_248 : vector<16xf32>
      %add3A_256 = arith.constant -0.72383517 : f32
      %add3A_257 = vector.broadcast %add3A_256 : f32 to vector<16xf32>
      %add3A_258 = arith.addf %mul3A_255, %add3A_257 : vector<16xf32>
      %mul3A_259 = arith.mulf %add3A_258, %sub3A_248 : vector<16xf32>
      %add3A_260 = arith.constant 1.44241703 : f32
      %add3A_261 = vector.broadcast %add3A_260 : f32 to vector<16xf32>
      %add3A_262 = arith.addf %mul3A_259, %add3A_261 : vector<16xf32>
      %mul3A_263 = arith.mulf %sub3A_248, %add3A_262 : vector<16xf32>
      %add3A_264 = arith.addf %convert_element_type3A_245, %mul3A_263 : vector<16xf32>
      %bitcast_convert_type3A_265 = tpu.bitcast %get3A_205 : vector<16xf32> -> vector<16xi32>
      %sub3A_266 = arith.constant 1060439283 : i32
      %sub3A_267 = vector.broadcast %sub3A_266 : i32 to vector<16xi32>
      %sub3A_268 = arith.subi %bitcast_convert_type3A_265, %sub3A_267 : vector<16xi32>
      %shift_right_arithmetic3A_269 = arith.constant 23 : i32
      %shift_right_arithmetic3A_270 = vector.broadcast %shift_right_arithmetic3A_269 : i32 to vector<16xi32>
      %shift_right_arithmetic3A_271 = arith.shrsi %sub3A_268, %shift_right_arithmetic3A_270 : vector<16xi32>
      %shift_left3A_272 = arith.constant 23 : i32
      %shift_left3A_273 = vector.broadcast %shift_left3A_272 : i32 to vector<16xi32>
      %shift_left3A_274 = arith.shli %shift_right_arithmetic3A_271, %shift_left3A_273 : vector<16xi32>
      %sub3A_275 = arith.subi %bitcast_convert_type3A_265, %shift_left3A_274 : vector<16xi32>
      %bitcast_convert_type3A_276 = tpu.bitcast %sub3A_275 : vector<16xi32> -> vector<16xf32>
      %convert_element_type3A_277 = arith.sitofp %shift_right_arithmetic3A_271 : vector<16xi32> to vector<16xf32>
      %sub3A_278 = arith.constant 1.000000e+00 : f32
      %sub3A_279 = vector.broadcast %sub3A_278 : f32 to vector<16xf32>
      %sub3A_280 = arith.subf %bitcast_convert_type3A_276, %sub3A_279 : vector<16xf32>
      %mul3A_281 = arith.constant -0.325476557 : f32
      %mul3A_282 = vector.broadcast %mul3A_281 : f32 to vector<16xf32>
      %mul3A_283 = arith.mulf %mul3A_282, %sub3A_280 : vector<16xf32>
      %add3A_284 = arith.constant 0.506281137 : f32
      %add3A_285 = vector.broadcast %add3A_284 : f32 to vector<16xf32>
      %add3A_286 = arith.addf %mul3A_283, %add3A_285 : vector<16xf32>
      %mul3A_287 = arith.mulf %add3A_286, %sub3A_280 : vector<16xf32>
      %add3A_288 = arith.constant -0.72383517 : f32
      %add3A_289 = vector.broadcast %add3A_288 : f32 to vector<16xf32>
      %add3A_290 = arith.addf %mul3A_287, %add3A_289 : vector<16xf32>
      %mul3A_291 = arith.mulf %add3A_290, %sub3A_280 : vector<16xf32>
      %add3A_292 = arith.constant 1.44241703 : f32
      %add3A_293 = vector.broadcast %add3A_292 : f32 to vector<16xf32>
      %add3A_294 = arith.addf %mul3A_291, %add3A_293 : vector<16xf32>
      %mul3A_295 = arith.mulf %sub3A_280, %add3A_294 : vector<16xf32>
      %add3A_296 = arith.addf %convert_element_type3A_277, %mul3A_295 : vector<16xf32>
      %mul3A_297 = arith.mulf %add3A_232, %add3A_232 : vector<16xf32>
      %mul3A_298 = arith.mulf %add3A_264, %add3A_264 : vector<16xf32>
      %mul3A_299 = arith.mulf %add3A_296, %add3A_296 : vector<16xf32>
      %mul3A_300 = arith.constant 2.000000e+00 : f32
      %mul3A_301 = vector.broadcast %mul3A_300 : f32 to vector<16xf32>
      %mul3A_302 = arith.mulf %get3A_195, %mul3A_301 : vector<16xf32>
      %exp3A = math.exp %mul3A_302 : vector<16xf32>
      %mul3A_303 = arith.mulf %mul3A_298, %mul3A_299 : vector<16xf32>
      %mul3A_304 = arith.mulf %exp3A, %mul3A_303 : vector<16xf32>
      %mul3A_305 = arith.constant 2.000000e+00 : f32
      %mul3A_306 = vector.broadcast %mul3A_305 : f32 to vector<16xf32>
      %mul3A_307 = arith.mulf %get3A_197, %mul3A_306 : vector<16xf32>
      %exp3A_308 = math.exp %mul3A_307 : vector<16xf32>
      %mul3A_309 = arith.mulf %mul3A_297, %mul3A_299 : vector<16xf32>
      %mul3A_310 = arith.mulf %exp3A_308, %mul3A_309 : vector<16xf32>
      %mul3A_311 = arith.constant 2.000000e+00 : f32
      %mul3A_312 = vector.broadcast %mul3A_311 : f32 to vector<16xf32>
      %mul3A_313 = arith.mulf %get3A_199, %mul3A_312 : vector<16xf32>
      %exp3A_314 = math.exp %mul3A_313 : vector<16xf32>
      %mul3A_315 = arith.mulf %mul3A_297, %mul3A_298 : vector<16xf32>
      %mul3A_316 = arith.mulf %exp3A_314, %mul3A_315 : vector<16xf32>
      %add3A_317 = arith.addf %mul3A_304, %mul3A_310 : vector<16xf32>
      %add3A_318 = arith.addf %add3A_317, %mul3A_316 : vector<16xf32>
      %div3A = arith.constant 1.000000e+00 : f32
      %div3A_319 = vector.broadcast %div3A : f32 to vector<16xf32>
      %div3A_320 = arith.divf %div3A_319, %add3A_318 : vector<16xf32>
      %mul3A_321 = arith.mulf %mul3A_304, %div3A_320 : vector<16xf32>
      %swap3A = arith.index_cast %add3A_190 : i32 to index
      %swap3A_322 = tpu.vector_load %arg10[%swap3A] {strides = array<i32>} : memref<18432xf32, #tpu.memory_space<vmem>>, vector<16xf32>,
      tpu.vector_store %arg10[%swap3A], %mul3A_321 {strides = array<i32>} : memref<18432xf32, #tpu.memory_space<vmem>>, vector<16xf32>,
      %mul3A_323 = arith.mulf %mul3A_310, %div3A_320 : vector<16xf32>
      %swap3A_324 = arith.index_cast %add3A_192 : i32 to index
      %swap3A_325 = tpu.vector_load %arg10[%swap3A_324] {strides = array<i32>} : memref<18432xf32, #tpu.memory_space<vmem>>, vector<16xf32>,
      tpu.vector_store %arg10[%swap3A_324], %mul3A_323 {strides = array<i32>} : memref<18432xf32, #tpu.memory_space<vmem>>, vector<16xf32>,
      %mul3A_326 = arith.mulf %mul3A_316, %div3A_320 : vector<16xf32>
      %swap3A_327 = arith.index_cast %add3A_194 : i32 to index
      %swap3A_328 = tpu.vector_load %arg10[%swap3A_327] {strides = array<i32>} : memref<18432xf32, #tpu.memory_space<vmem>>, vector<16xf32>,
      tpu.vector_store %arg10[%swap3A_327], %mul3A_326 {strides = array<i32>} : memref<18432xf32, #tpu.memory_space<vmem>>, vector<16xf32>,
    }
    %scan3A_50 = arith.constant 384 : i32
    %add3A_51 = arith.constant 48 : i32
    %add3A_52 = arith.addi %min3A_3, %add3A_51 : i32
    %mul3A_53 = arith.constant 384 : i32
    %mul3A_54 = arith.muli %add3A_52, %mul3A_53 : i32
    %dma_start3A_55 = tpu.memref_slice %arg4[%mul3A_54] : memref<3840000xf32, #tpu.memory_space<hbm>> -> memref<18432xf32, #tpu.memory_space<hbm>>
    %dma_start3A_56 = tpu.memref_slice %arg4[%mul3A_54] : memref<3840000xf32, #tpu.memory_space<hbm>> -> memref<18432xf32, #tpu.memory_space<hbm>>
    tpu.enqueue_dma source(%arg10 : memref<18432xf32, #tpu.memory_space<vmem>>) target(%dma_start3A_56 : memref<18432xf32, #tpu.memory_space<hbm>>) target_semaphore(%arg16 : memref<!tpu.dma_semaphore, #tpu.memory_space<semaphore_mem>>)
    %add3A_57 = arith.constant 144 : i32
    %add3A_58 = arith.addi %min3A_3, %add3A_57 : i32
    %mul3A_59 = arith.constant 384 : i32
    %mul3A_60 = arith.muli %add3A_58, %mul3A_59 : i32
    %dma_start3A_61 = tpu.memref_slice %arg2[%mul3A_60] : memref<3840000xf32, #tpu.memory_space<hbm>> -> memref<18432xf32, #tpu.memory_space<hbm>>
    %dma_start3A_62 = tpu.memref_slice %arg2[%mul3A_60] : memref<3840000xf32, #tpu.memory_space<hbm>> -> memref<18432xf32, #tpu.memory_space<hbm>>
    tpu.enqueue_dma source(%dma_start3A_62 : memref<18432xf32, #tpu.memory_space<hbm>>) target(%arg6 : memref<18432xf32, #tpu.memory_space<vmem>>) target_semaphore(%arg12 : memref<!tpu.dma_semaphore, #tpu.memory_space<semaphore_mem>>)
    %dma_start3A_63 = tpu.memref_slice %arg3[%mul3A_60] : memref<3840000xf32, #tpu.memory_space<hbm>> -> memref<18432xf32, #tpu.memory_space<hbm>>
    %dma_start3A_64 = tpu.memref_slice %arg3[%mul3A_60] : memref<3840000xf32, #tpu.memory_space<hbm>> -> memref<18432xf32, #tpu.memory_space<hbm>>
    tpu.enqueue_dma source(%dma_start3A_64 : memref<18432xf32, #tpu.memory_space<hbm>>) target(%arg8 : memref<18432xf32, #tpu.memory_space<vmem>>) target_semaphore(%arg14 : memref<!tpu.dma_semaphore, #tpu.memory_space<semaphore_mem>>)
    %dma_wait3A_65 = tpu.memref_slice %arg2[%mul3A_36] : memref<3840000xf32, #tpu.memory_space<hbm>> -> memref<18432xf32, #tpu.memory_space<hbm>>
    %dma_wait3A_66 = tpu.memref_slice %arg2[%mul3A_36] : memref<3840000xf32, #tpu.memory_space<hbm>> -> memref<18432xf32, #tpu.memory_space<hbm>>
    tpu.wait_dma2 semaphore(%arg11 : memref<!tpu.dma_semaphore, #tpu.memory_space<semaphore_mem>>) src(%dma_wait3A_66 : memref<18432xf32, #tpu.memory_space<hbm>>) dst(%arg5 : memref<18432xf32, #tpu.memory_space<vmem>>)
    %dma_wait3A_67 = tpu.memref_slice %arg3[%mul3A_36] : memref<3840000xf32, #tpu.memory_space<hbm>> -> memref<18432xf32, #tpu.memory_space<hbm>>
    %dma_wait3A_68 = tpu.memref_slice %arg3[%mul3A_36] : memref<3840000xf32, #tpu.memory_space<hbm>> -> memref<18432xf32, #tpu.memory_space<hbm>>
    tpu.wait_dma2 semaphore(%arg13 : memref<!tpu.dma_semaphore, #tpu.memory_space<semaphore_mem>>) src(%dma_wait3A_68 : memref<18432xf32, #tpu.memory_space<hbm>>) dst(%arg7 : memref<18432xf32, #tpu.memory_space<vmem>>)
    %dma_wait3A_69 = tpu.memref_slice %arg4[%mul3A_30] : memref<3840000xf32, #tpu.memory_space<hbm>> -> memref<18432xf32, #tpu.memory_space<hbm>>
    %dma_wait3A_70 = tpu.memref_slice %arg4[%mul3A_30] : memref<3840000xf32, #tpu.memory_space<hbm>> -> memref<18432xf32, #tpu.memory_space<hbm>>
    tpu.wait_dma2 semaphore(%arg15 : memref<!tpu.dma_semaphore, #tpu.memory_space<semaphore_mem>>) src(%arg9 : memref<18432xf32, #tpu.memory_space<vmem>>) dst(%dma_wait3A_70 : memref<18432xf32, #tpu.memory_space<hbm>>)
    %scan3A_71 = arith.constant 0 : i32
    %scan3A_72 = arith.constant 0 : i32
    %scan3A_73 = arith.constant 384 : i32
    %scan3A_74 = arith.addi %scan3A_72, %scan3A_73 : i32
    %scan3A_75 = arith.constant 1 : i32
    scf.for %scan3A_183 = %scan3A_72 to %scan3A_74 step %scan3A_75  : i32 {
      %shift_right_logical3A = arith.constant 3 : i32
      %shift_right_logical3A_184 = arith.shrui %scan3A_183, %shift_right_logical3A : i32
      %mul3A_185 = arith.constant 384 : i32
      %mul3A_186 = arith.muli %shift_right_logical3A_184, %mul3A_185 : i32
      %and3A = arith.constant 7 : i32
      %and3A_187 = arith.andi %scan3A_183, %and3A : i32
      %mul3A_188 = arith.constant 16 : i32
      %mul3A_189 = arith.muli %and3A_187, %mul3A_188 : i32
      %add3A_190 = arith.addi %mul3A_186, %mul3A_189 : i32
      %add3A_191 = arith.constant 128 : i32
      %add3A_192 = arith.addi %add3A_190, %add3A_191 : i32
      %add3A_193 = arith.constant 128 : i32
      %add3A_194 = arith.addi %add3A_192, %add3A_193 : i32
      %get3A = arith.index_cast %add3A_190 : i32 to index
      %get3A_195 = tpu.vector_load %arg5[%get3A] {strides = array<i32>} : memref<18432xf32, #tpu.memory_space<vmem>>, vector<16xf32>,
      %get3A_196 = arith.index_cast %add3A_192 : i32 to index
      %get3A_197 = tpu.vector_load %arg5[%get3A_196] {strides = array<i32>} : memref<18432xf32, #tpu.memory_space<vmem>>, vector<16xf32>,
      %get3A_198 = arith.index_cast %add3A_194 : i32 to index
      %get3A_199 = tpu.vector_load %arg5[%get3A_198] {strides = array<i32>} : memref<18432xf32, #tpu.memory_space<vmem>>, vector<16xf32>,
      %get3A_200 = arith.index_cast %add3A_190 : i32 to index
      %get3A_201 = tpu.vector_load %arg7[%get3A_200] {strides = array<i32>} : memref<18432xf32, #tpu.memory_space<vmem>>, vector<16xf32>,
      %get3A_202 = arith.index_cast %add3A_192 : i32 to index
      %get3A_203 = tpu.vector_load %arg7[%get3A_202] {strides = array<i32>} : memref<18432xf32, #tpu.memory_space<vmem>>, vector<16xf32>,
      %get3A_204 = arith.index_cast %add3A_194 : i32 to index
      %get3A_205 = tpu.vector_load %arg7[%get3A_204] {strides = array<i32>} : memref<18432xf32, #tpu.memory_space<vmem>>, vector<16xf32>,
      %bitcast_convert_type3A = tpu.bitcast %get3A_201 : vector<16xf32> -> vector<16xi32>
      %sub3A = arith.constant 1060439283 : i32
      %sub3A_206 = vector.broadcast %sub3A : i32 to vector<16xi32>
      %sub3A_207 = arith.subi %bitcast_convert_type3A, %sub3A_206 : vector<16xi32>
      %shift_right_arithmetic3A = arith.constant 23 : i32
      %shift_right_arithmetic3A_208 = vector.broadcast %shift_right_arithmetic3A : i32 to vector<16xi32>
      %shift_right_arithmetic3A_209 = arith.shrsi %sub3A_207, %shift_right_arithmetic3A_208 : vector<16xi32>
      %shift_left3A = arith.constant 23 : i32
      %shift_left3A_210 = vector.broadcast %shift_left3A : i32 to vector<16xi32>
      %shift_left3A_211 = arith.shli %shift_right_arithmetic3A_209, %shift_left3A_210 : vector<16xi32>
      %sub3A_212 = arith.subi %bitcast_convert_type3A, %shift_left3A_211 : vector<16xi32>
      %bitcast_convert_type3A_213 = tpu.bitcast %sub3A_212 : vector<16xi32> -> vector<16xf32>
      %convert_element_type3A = arith.sitofp %shift_right_arithmetic3A_209 : vector<16xi32> to vector<16xf32>
      %sub3A_214 = arith.constant 1.000000e+00 : f32
      %sub3A_215 = vector.broadcast %sub3A_214 : f32 to vector<16xf32>
      %sub3A_216 = arith.subf %bitcast_convert_type3A_213, %sub3A_215 : vector<16xf32>
      %mul3A_217 = arith.constant -0.325476557 : f32
      %mul3A_218 = vector.broadcast %mul3A_217 : f32 to vector<16xf32>
      %mul3A_219 = arith.mulf %mul3A_218, %sub3A_216 : vector<16xf32>
      %add3A_220 = arith.constant 0.506281137 : f32
      %add3A_221 = vector.broadcast %add3A_220 : f32 to vector<16xf32>
      %add3A_222 = arith.addf %mul3A_219, %add3A_221 : vector<16xf32>
      %mul3A_223 = arith.mulf %add3A_222, %sub3A_216 : vector<16xf32>
      %add3A_224 = arith.constant -0.72383517 : f32
      %add3A_225 = vector.broadcast %add3A_224 : f32 to vector<16xf32>
      %add3A_226 = arith.addf %mul3A_223, %add3A_225 : vector<16xf32>
      %mul3A_227 = arith.mulf %add3A_226, %sub3A_216 : vector<16xf32>
      %add3A_228 = arith.constant 1.44241703 : f32
      %add3A_229 = vector.broadcast %add3A_228 : f32 to vector<16xf32>
      %add3A_230 = arith.addf %mul3A_227, %add3A_229 : vector<16xf32>
      %mul3A_231 = arith.mulf %sub3A_216, %add3A_230 : vector<16xf32>
      %add3A_232 = arith.addf %convert_element_type3A, %mul3A_231 : vector<16xf32>
      %bitcast_convert_type3A_233 = tpu.bitcast %get3A_203 : vector<16xf32> -> vector<16xi32>
      %sub3A_234 = arith.constant 1060439283 : i32
      %sub3A_235 = vector.broadcast %sub3A_234 : i32 to vector<16xi32>
      %sub3A_236 = arith.subi %bitcast_convert_type3A_233, %sub3A_235 : vector<16xi32>
      %shift_right_arithmetic3A_237 = arith.constant 23 : i32
      %shift_right_arithmetic3A_238 = vector.broadcast %shift_right_arithmetic3A_237 : i32 to vector<16xi32>
      %shift_right_arithmetic3A_239 = arith.shrsi %sub3A_236, %shift_right_arithmetic3A_238 : vector<16xi32>
      %shift_left3A_240 = arith.constant 23 : i32
      %shift_left3A_241 = vector.broadcast %shift_left3A_240 : i32 to vector<16xi32>
      %shift_left3A_242 = arith.shli %shift_right_arithmetic3A_239, %shift_left3A_241 : vector<16xi32>
      %sub3A_243 = arith.subi %bitcast_convert_type3A_233, %shift_left3A_242 : vector<16xi32>
      %bitcast_convert_type3A_244 = tpu.bitcast %sub3A_243 : vector<16xi32> -> vector<16xf32>
      %convert_element_type3A_245 = arith.sitofp %shift_right_arithmetic3A_239 : vector<16xi32> to vector<16xf32>
      %sub3A_246 = arith.constant 1.000000e+00 : f32
      %sub3A_247 = vector.broadcast %sub3A_246 : f32 to vector<16xf32>
      %sub3A_248 = arith.subf %bitcast_convert_type3A_244, %sub3A_247 : vector<16xf32>
      %mul3A_249 = arith.constant -0.325476557 : f32
      %mul3A_250 = vector.broadcast %mul3A_249 : f32 to vector<16xf32>
      %mul3A_251 = arith.mulf %mul3A_250, %sub3A_248 : vector<16xf32>
      %add3A_252 = arith.constant 0.506281137 : f32
      %add3A_253 = vector.broadcast %add3A_252 : f32 to vector<16xf32>
      %add3A_254 = arith.addf %mul3A_251, %add3A_253 : vector<16xf32>
      %mul3A_255 = arith.mulf %add3A_254, %sub3A_248 : vector<16xf32>
      %add3A_256 = arith.constant -0.72383517 : f32
      %add3A_257 = vector.broadcast %add3A_256 : f32 to vector<16xf32>
      %add3A_258 = arith.addf %mul3A_255, %add3A_257 : vector<16xf32>
      %mul3A_259 = arith.mulf %add3A_258, %sub3A_248 : vector<16xf32>
      %add3A_260 = arith.constant 1.44241703 : f32
      %add3A_261 = vector.broadcast %add3A_260 : f32 to vector<16xf32>
      %add3A_262 = arith.addf %mul3A_259, %add3A_261 : vector<16xf32>
      %mul3A_263 = arith.mulf %sub3A_248, %add3A_262 : vector<16xf32>
      %add3A_264 = arith.addf %convert_element_type3A_245, %mul3A_263 : vector<16xf32>
      %bitcast_convert_type3A_265 = tpu.bitcast %get3A_205 : vector<16xf32> -> vector<16xi32>
      %sub3A_266 = arith.constant 1060439283 : i32
      %sub3A_267 = vector.broadcast %sub3A_266 : i32 to vector<16xi32>
      %sub3A_268 = arith.subi %bitcast_convert_type3A_265, %sub3A_267 : vector<16xi32>
      %shift_right_arithmetic3A_269 = arith.constant 23 : i32
      %shift_right_arithmetic3A_270 = vector.broadcast %shift_right_arithmetic3A_269 : i32 to vector<16xi32>
      %shift_right_arithmetic3A_271 = arith.shrsi %sub3A_268, %shift_right_arithmetic3A_270 : vector<16xi32>
      %shift_left3A_272 = arith.constant 23 : i32
      %shift_left3A_273 = vector.broadcast %shift_left3A_272 : i32 to vector<16xi32>
      %shift_left3A_274 = arith.shli %shift_right_arithmetic3A_271, %shift_left3A_273 : vector<16xi32>
      %sub3A_275 = arith.subi %bitcast_convert_type3A_265, %shift_left3A_274 : vector<16xi32>
      %bitcast_convert_type3A_276 = tpu.bitcast %sub3A_275 : vector<16xi32> -> vector<16xf32>
      %convert_element_type3A_277 = arith.sitofp %shift_right_arithmetic3A_271 : vector<16xi32> to vector<16xf32>
      %sub3A_278 = arith.constant 1.000000e+00 : f32
      %sub3A_279 = vector.broadcast %sub3A_278 : f32 to vector<16xf32>
      %sub3A_280 = arith.subf %bitcast_convert_type3A_276, %sub3A_279 : vector<16xf32>
      %mul3A_281 = arith.constant -0.325476557 : f32
      %mul3A_282 = vector.broadcast %mul3A_281 : f32 to vector<16xf32>
      %mul3A_283 = arith.mulf %mul3A_282, %sub3A_280 : vector<16xf32>
      %add3A_284 = arith.constant 0.506281137 : f32
      %add3A_285 = vector.broadcast %add3A_284 : f32 to vector<16xf32>
      %add3A_286 = arith.addf %mul3A_283, %add3A_285 : vector<16xf32>
      %mul3A_287 = arith.mulf %add3A_286, %sub3A_280 : vector<16xf32>
      %add3A_288 = arith.constant -0.72383517 : f32
      %add3A_289 = vector.broadcast %add3A_288 : f32 to vector<16xf32>
      %add3A_290 = arith.addf %mul3A_287, %add3A_289 : vector<16xf32>
      %mul3A_291 = arith.mulf %add3A_290, %sub3A_280 : vector<16xf32>
      %add3A_292 = arith.constant 1.44241703 : f32
      %add3A_293 = vector.broadcast %add3A_292 : f32 to vector<16xf32>
      %add3A_294 = arith.addf %mul3A_291, %add3A_293 : vector<16xf32>
      %mul3A_295 = arith.mulf %sub3A_280, %add3A_294 : vector<16xf32>
      %add3A_296 = arith.addf %convert_element_type3A_277, %mul3A_295 : vector<16xf32>
      %mul3A_297 = arith.mulf %add3A_232, %add3A_232 : vector<16xf32>
      %mul3A_298 = arith.mulf %add3A_264, %add3A_264 : vector<16xf32>
      %mul3A_299 = arith.mulf %add3A_296, %add3A_296 : vector<16xf32>
      %mul3A_300 = arith.constant 2.000000e+00 : f32
      %mul3A_301 = vector.broadcast %mul3A_300 : f32 to vector<16xf32>
      %mul3A_302 = arith.mulf %get3A_195, %mul3A_301 : vector<16xf32>
      %exp3A = math.exp %mul3A_302 : vector<16xf32>
      %mul3A_303 = arith.mulf %mul3A_298, %mul3A_299 : vector<16xf32>
      %mul3A_304 = arith.mulf %exp3A, %mul3A_303 : vector<16xf32>
      %mul3A_305 = arith.constant 2.000000e+00 : f32
      %mul3A_306 = vector.broadcast %mul3A_305 : f32 to vector<16xf32>
      %mul3A_307 = arith.mulf %get3A_197, %mul3A_306 : vector<16xf32>
      %exp3A_308 = math.exp %mul3A_307 : vector<16xf32>
      %mul3A_309 = arith.mulf %mul3A_297, %mul3A_299 : vector<16xf32>
      %mul3A_310 = arith.mulf %exp3A_308, %mul3A_309 : vector<16xf32>
      %mul3A_311 = arith.constant 2.000000e+00 : f32
      %mul3A_312 = vector.broadcast %mul3A_311 : f32 to vector<16xf32>
      %mul3A_313 = arith.mulf %get3A_199, %mul3A_312 : vector<16xf32>
      %exp3A_314 = math.exp %mul3A_313 : vector<16xf32>
      %mul3A_315 = arith.mulf %mul3A_297, %mul3A_298 : vector<16xf32>
      %mul3A_316 = arith.mulf %exp3A_314, %mul3A_315 : vector<16xf32>
      %add3A_317 = arith.addf %mul3A_304, %mul3A_310 : vector<16xf32>
      %add3A_318 = arith.addf %add3A_317, %mul3A_316 : vector<16xf32>
      %div3A = arith.constant 1.000000e+00 : f32
      %div3A_319 = vector.broadcast %div3A : f32 to vector<16xf32>
      %div3A_320 = arith.divf %div3A_319, %add3A_318 : vector<16xf32>
      %mul3A_321 = arith.mulf %mul3A_304, %div3A_320 : vector<16xf32>
      %swap3A = arith.index_cast %add3A_190 : i32 to index
      %swap3A_322 = tpu.vector_load %arg9[%swap3A] {strides = array<i32>} : memref<18432xf32, #tpu.memory_space<vmem>>, vector<16xf32>,
      tpu.vector_store %arg9[%swap3A], %mul3A_321 {strides = array<i32>} : memref<18432xf32, #tpu.memory_space<vmem>>, vector<16xf32>,
      %mul3A_323 = arith.mulf %mul3A_310, %div3A_320 : vector<16xf32>
      %swap3A_324 = arith.index_cast %add3A_192 : i32 to index
      %swap3A_325 = tpu.vector_load %arg9[%swap3A_324] {strides = array<i32>} : memref<18432xf32, #tpu.memory_space<vmem>>, vector<16xf32>,
      tpu.vector_store %arg9[%swap3A_324], %mul3A_323 {strides = array<i32>} : memref<18432xf32, #tpu.memory_space<vmem>>, vector<16xf32>,
      %mul3A_326 = arith.mulf %mul3A_316, %div3A_320 : vector<16xf32>
      %swap3A_327 = arith.index_cast %add3A_194 : i32 to index
      %swap3A_328 = tpu.vector_load %arg9[%swap3A_327] {strides = array<i32>} : memref<18432xf32, #tpu.memory_space<vmem>>, vector<16xf32>,
      tpu.vector_store %arg9[%swap3A_327], %mul3A_326 {strides = array<i32>} : memref<18432xf32, #tpu.memory_space<vmem>>, vector<16xf32>,
    }
    %scan3A_76 = arith.constant 384 : i32
    %add3A_77 = arith.constant 96 : i32
    %add3A_78 = arith.addi %min3A_3, %add3A_77 : i32
    %mul3A_79 = arith.constant 384 : i32
    %mul3A_80 = arith.muli %add3A_78, %mul3A_79 : i32
    %dma_start3A_81 = tpu.memref_slice %arg4[%mul3A_80] : memref<3840000xf32, #tpu.memory_space<hbm>> -> memref<18432xf32, #tpu.memory_space<hbm>>
    %dma_start3A_82 = tpu.memref_slice %arg4[%mul3A_80] : memref<3840000xf32, #tpu.memory_space<hbm>> -> memref<18432xf32, #tpu.memory_space<hbm>>
    tpu.enqueue_dma source(%arg9 : memref<18432xf32, #tpu.memory_space<vmem>>) target(%dma_start3A_82 : memref<18432xf32, #tpu.memory_space<hbm>>) target_semaphore(%arg15 : memref<!tpu.dma_semaphore, #tpu.memory_space<semaphore_mem>>)
    %add3A_83 = arith.constant 192 : i32
    %add3A_84 = arith.addi %min3A_3, %add3A_83 : i32
    %mul3A_85 = arith.constant 384 : i32
    %mul3A_86 = arith.muli %add3A_84, %mul3A_85 : i32
    %dma_start3A_87 = tpu.memref_slice %arg2[%mul3A_86] : memref<3840000xf32, #tpu.memory_space<hbm>> -> memref<18432xf32, #tpu.memory_space<hbm>>
    %dma_start3A_88 = tpu.memref_slice %arg2[%mul3A_86] : memref<3840000xf32, #tpu.memory_space<hbm>> -> memref<18432xf32, #tpu.memory_space<hbm>>
    tpu.enqueue_dma source(%dma_start3A_88 : memref<18432xf32, #tpu.memory_space<hbm>>) target(%arg5 : memref<18432xf32, #tpu.memory_space<vmem>>) target_semaphore(%arg11 : memref<!tpu.dma_semaphore, #tpu.memory_space<semaphore_mem>>)
    %dma_start3A_89 = tpu.memref_slice %arg3[%mul3A_86] : memref<3840000xf32, #tpu.memory_space<hbm>> -> memref<18432xf32, #tpu.memory_space<hbm>>
    %dma_start3A_90 = tpu.memref_slice %arg3[%mul3A_86] : memref<3840000xf32, #tpu.memory_space<hbm>> -> memref<18432xf32, #tpu.memory_space<hbm>>
    tpu.enqueue_dma source(%dma_start3A_90 : memref<18432xf32, #tpu.memory_space<hbm>>) target(%arg7 : memref<18432xf32, #tpu.memory_space<vmem>>) target_semaphore(%arg13 : memref<!tpu.dma_semaphore, #tpu.memory_space<semaphore_mem>>)
    %dma_wait3A_91 = tpu.memref_slice %arg2[%mul3A_60] : memref<3840000xf32, #tpu.memory_space<hbm>> -> memref<18432xf32, #tpu.memory_space<hbm>>
    %dma_wait3A_92 = tpu.memref_slice %arg2[%mul3A_60] : memref<3840000xf32, #tpu.memory_space<hbm>> -> memref<18432xf32, #tpu.memory_space<hbm>>
    tpu.wait_dma2 semaphore(%arg12 : memref<!tpu.dma_semaphore, #tpu.memory_space<semaphore_mem>>) src(%dma_wait3A_92 : memref<18432xf32, #tpu.memory_space<hbm>>) dst(%arg6 : memref<18432xf32, #tpu.memory_space<vmem>>)
    %dma_wait3A_93 = tpu.memref_slice %arg3[%mul3A_60] : memref<3840000xf32, #tpu.memory_space<hbm>> -> memref<18432xf32, #tpu.memory_space<hbm>>
    %dma_wait3A_94 = tpu.memref_slice %arg3[%mul3A_60] : memref<3840000xf32, #tpu.memory_space<hbm>> -> memref<18432xf32, #tpu.memory_space<hbm>>
    tpu.wait_dma2 semaphore(%arg14 : memref<!tpu.dma_semaphore, #tpu.memory_space<semaphore_mem>>) src(%dma_wait3A_94 : memref<18432xf32, #tpu.memory_space<hbm>>) dst(%arg8 : memref<18432xf32, #tpu.memory_space<vmem>>)
    %dma_wait3A_95 = tpu.memref_slice %arg4[%mul3A_54] : memref<3840000xf32, #tpu.memory_space<hbm>> -> memref<18432xf32, #tpu.memory_space<hbm>>
    %dma_wait3A_96 = tpu.memref_slice %arg4[%mul3A_54] : memref<3840000xf32, #tpu.memory_space<hbm>> -> memref<18432xf32, #tpu.memory_space<hbm>>
    tpu.wait_dma2 semaphore(%arg16 : memref<!tpu.dma_semaphore, #tpu.memory_space<semaphore_mem>>) src(%arg10 : memref<18432xf32, #tpu.memory_space<vmem>>) dst(%dma_wait3A_96 : memref<18432xf32, #tpu.memory_space<hbm>>)
    %scan3A_97 = arith.constant 0 : i32
    %scan3A_98 = arith.constant 0 : i32
    %scan3A_99 = arith.constant 384 : i32
    %scan3A_100 = arith.addi %scan3A_98, %scan3A_99 : i32
    %scan3A_101 = arith.constant 1 : i32
    scf.for %scan3A_183 = %scan3A_98 to %scan3A_100 step %scan3A_101  : i32 {
      %shift_right_logical3A = arith.constant 3 : i32
      %shift_right_logical3A_184 = arith.shrui %scan3A_183, %shift_right_logical3A : i32
      %mul3A_185 = arith.constant 384 : i32
      %mul3A_186 = arith.muli %shift_right_logical3A_184, %mul3A_185 : i32
      %and3A = arith.constant 7 : i32
      %and3A_187 = arith.andi %scan3A_183, %and3A : i32
      %mul3A_188 = arith.constant 16 : i32
      %mul3A_189 = arith.muli %and3A_187, %mul3A_188 : i32
      %add3A_190 = arith.addi %mul3A_186, %mul3A_189 : i32
      %add3A_191 = arith.constant 128 : i32
      %add3A_192 = arith.addi %add3A_190, %add3A_191 : i32
      %add3A_193 = arith.constant 128 : i32
      %add3A_194 = arith.addi %add3A_192, %add3A_193 : i32
      %get3A = arith.index_cast %add3A_190 : i32 to index
      %get3A_195 = tpu.vector_load %arg6[%get3A] {strides = array<i32>} : memref<18432xf32, #tpu.memory_space<vmem>>, vector<16xf32>,
      %get3A_196 = arith.index_cast %add3A_192 : i32 to index
      %get3A_197 = tpu.vector_load %arg6[%get3A_196] {strides = array<i32>} : memref<18432xf32, #tpu.memory_space<vmem>>, vector<16xf32>,
      %get3A_198 = arith.index_cast %add3A_194 : i32 to index
      %get3A_199 = tpu.vector_load %arg6[%get3A_198] {strides = array<i32>} : memref<18432xf32, #tpu.memory_space<vmem>>, vector<16xf32>,
      %get3A_200 = arith.index_cast %add3A_190 : i32 to index
      %get3A_201 = tpu.vector_load %arg8[%get3A_200] {strides = array<i32>} : memref<18432xf32, #tpu.memory_space<vmem>>, vector<16xf32>,
      %get3A_202 = arith.index_cast %add3A_192 : i32 to index
      %get3A_203 = tpu.vector_load %arg8[%get3A_202] {strides = array<i32>} : memref<18432xf32, #tpu.memory_space<vmem>>, vector<16xf32>,
      %get3A_204 = arith.index_cast %add3A_194 : i32 to index
      %get3A_205 = tpu.vector_load %arg8[%get3A_204] {strides = array<i32>} : memref<18432xf32, #tpu.memory_space<vmem>>, vector<16xf32>,
      %bitcast_convert_type3A = tpu.bitcast %get3A_201 : vector<16xf32> -> vector<16xi32>
      %sub3A = arith.constant 1060439283 : i32
      %sub3A_206 = vector.broadcast %sub3A : i32 to vector<16xi32>
      %sub3A_207 = arith.subi %bitcast_convert_type3A, %sub3A_206 : vector<16xi32>
      %shift_right_arithmetic3A = arith.constant 23 : i32
      %shift_right_arithmetic3A_208 = vector.broadcast %shift_right_arithmetic3A : i32 to vector<16xi32>
      %shift_right_arithmetic3A_209 = arith.shrsi %sub3A_207, %shift_right_arithmetic3A_208 : vector<16xi32>
      %shift_left3A = arith.constant 23 : i32
      %shift_left3A_210 = vector.broadcast %shift_left3A : i32 to vector<16xi32>
      %shift_left3A_211 = arith.shli %shift_right_arithmetic3A_209, %shift_left3A_210 : vector<16xi32>
      %sub3A_212 = arith.subi %bitcast_convert_type3A, %shift_left3A_211 : vector<16xi32>
      %bitcast_convert_type3A_213 = tpu.bitcast %sub3A_212 : vector<16xi32> -> vector<16xf32>
      %convert_element_type3A = arith.sitofp %shift_right_arithmetic3A_209 : vector<16xi32> to vector<16xf32>
      %sub3A_214 = arith.constant 1.000000e+00 : f32
      %sub3A_215 = vector.broadcast %sub3A_214 : f32 to vector<16xf32>
      %sub3A_216 = arith.subf %bitcast_convert_type3A_213, %sub3A_215 : vector<16xf32>
      %mul3A_217 = arith.constant -0.325476557 : f32
      %mul3A_218 = vector.broadcast %mul3A_217 : f32 to vector<16xf32>
      %mul3A_219 = arith.mulf %mul3A_218, %sub3A_216 : vector<16xf32>
      %add3A_220 = arith.constant 0.506281137 : f32
      %add3A_221 = vector.broadcast %add3A_220 : f32 to vector<16xf32>
      %add3A_222 = arith.addf %mul3A_219, %add3A_221 : vector<16xf32>
      %mul3A_223 = arith.mulf %add3A_222, %sub3A_216 : vector<16xf32>
      %add3A_224 = arith.constant -0.72383517 : f32
      %add3A_225 = vector.broadcast %add3A_224 : f32 to vector<16xf32>
      %add3A_226 = arith.addf %mul3A_223, %add3A_225 : vector<16xf32>
      %mul3A_227 = arith.mulf %add3A_226, %sub3A_216 : vector<16xf32>
      %add3A_228 = arith.constant 1.44241703 : f32
      %add3A_229 = vector.broadcast %add3A_228 : f32 to vector<16xf32>
      %add3A_230 = arith.addf %mul3A_227, %add3A_229 : vector<16xf32>
      %mul3A_231 = arith.mulf %sub3A_216, %add3A_230 : vector<16xf32>
      %add3A_232 = arith.addf %convert_element_type3A, %mul3A_231 : vector<16xf32>
      %bitcast_convert_type3A_233 = tpu.bitcast %get3A_203 : vector<16xf32> -> vector<16xi32>
      %sub3A_234 = arith.constant 1060439283 : i32
      %sub3A_235 = vector.broadcast %sub3A_234 : i32 to vector<16xi32>
      %sub3A_236 = arith.subi %bitcast_convert_type3A_233, %sub3A_235 : vector<16xi32>
      %shift_right_arithmetic3A_237 = arith.constant 23 : i32
      %shift_right_arithmetic3A_238 = vector.broadcast %shift_right_arithmetic3A_237 : i32 to vector<16xi32>
      %shift_right_arithmetic3A_239 = arith.shrsi %sub3A_236, %shift_right_arithmetic3A_238 : vector<16xi32>
      %shift_left3A_240 = arith.constant 23 : i32
      %shift_left3A_241 = vector.broadcast %shift_left3A_240 : i32 to vector<16xi32>
      %shift_left3A_242 = arith.shli %shift_right_arithmetic3A_239, %shift_left3A_241 : vector<16xi32>
      %sub3A_243 = arith.subi %bitcast_convert_type3A_233, %shift_left3A_242 : vector<16xi32>
      %bitcast_convert_type3A_244 = tpu.bitcast %sub3A_243 : vector<16xi32> -> vector<16xf32>
      %convert_element_type3A_245 = arith.sitofp %shift_right_arithmetic3A_239 : vector<16xi32> to vector<16xf32>
      %sub3A_246 = arith.constant 1.000000e+00 : f32
      %sub3A_247 = vector.broadcast %sub3A_246 : f32 to vector<16xf32>
      %sub3A_248 = arith.subf %bitcast_convert_type3A_244, %sub3A_247 : vector<16xf32>
      %mul3A_249 = arith.constant -0.325476557 : f32
      %mul3A_250 = vector.broadcast %mul3A_249 : f32 to vector<16xf32>
      %mul3A_251 = arith.mulf %mul3A_250, %sub3A_248 : vector<16xf32>
      %add3A_252 = arith.constant 0.506281137 : f32
      %add3A_253 = vector.broadcast %add3A_252 : f32 to vector<16xf32>
      %add3A_254 = arith.addf %mul3A_251, %add3A_253 : vector<16xf32>
      %mul3A_255 = arith.mulf %add3A_254, %sub3A_248 : vector<16xf32>
      %add3A_256 = arith.constant -0.72383517 : f32
      %add3A_257 = vector.broadcast %add3A_256 : f32 to vector<16xf32>
      %add3A_258 = arith.addf %mul3A_255, %add3A_257 : vector<16xf32>
      %mul3A_259 = arith.mulf %add3A_258, %sub3A_248 : vector<16xf32>
      %add3A_260 = arith.constant 1.44241703 : f32
      %add3A_261 = vector.broadcast %add3A_260 : f32 to vector<16xf32>
      %add3A_262 = arith.addf %mul3A_259, %add3A_261 : vector<16xf32>
      %mul3A_263 = arith.mulf %sub3A_248, %add3A_262 : vector<16xf32>
      %add3A_264 = arith.addf %convert_element_type3A_245, %mul3A_263 : vector<16xf32>
      %bitcast_convert_type3A_265 = tpu.bitcast %get3A_205 : vector<16xf32> -> vector<16xi32>
      %sub3A_266 = arith.constant 1060439283 : i32
      %sub3A_267 = vector.broadcast %sub3A_266 : i32 to vector<16xi32>
      %sub3A_268 = arith.subi %bitcast_convert_type3A_265, %sub3A_267 : vector<16xi32>
      %shift_right_arithmetic3A_269 = arith.constant 23 : i32
      %shift_right_arithmetic3A_270 = vector.broadcast %shift_right_arithmetic3A_269 : i32 to vector<16xi32>
      %shift_right_arithmetic3A_271 = arith.shrsi %sub3A_268, %shift_right_arithmetic3A_270 : vector<16xi32>
      %shift_left3A_272 = arith.constant 23 : i32
      %shift_left3A_273 = vector.broadcast %shift_left3A_272 : i32 to vector<16xi32>
      %shift_left3A_274 = arith.shli %shift_right_arithmetic3A_271, %shift_left3A_273 : vector<16xi32>
      %sub3A_275 = arith.subi %bitcast_convert_type3A_265, %shift_left3A_274 : vector<16xi32>
      %bitcast_convert_type3A_276 = tpu.bitcast %sub3A_275 : vector<16xi32> -> vector<16xf32>
      %convert_element_type3A_277 = arith.sitofp %shift_right_arithmetic3A_271 : vector<16xi32> to vector<16xf32>
      %sub3A_278 = arith.constant 1.000000e+00 : f32
      %sub3A_279 = vector.broadcast %sub3A_278 : f32 to vector<16xf32>
      %sub3A_280 = arith.subf %bitcast_convert_type3A_276, %sub3A_279 : vector<16xf32>
      %mul3A_281 = arith.constant -0.325476557 : f32
      %mul3A_282 = vector.broadcast %mul3A_281 : f32 to vector<16xf32>
      %mul3A_283 = arith.mulf %mul3A_282, %sub3A_280 : vector<16xf32>
      %add3A_284 = arith.constant 0.506281137 : f32
      %add3A_285 = vector.broadcast %add3A_284 : f32 to vector<16xf32>
      %add3A_286 = arith.addf %mul3A_283, %add3A_285 : vector<16xf32>
      %mul3A_287 = arith.mulf %add3A_286, %sub3A_280 : vector<16xf32>
      %add3A_288 = arith.constant -0.72383517 : f32
      %add3A_289 = vector.broadcast %add3A_288 : f32 to vector<16xf32>
      %add3A_290 = arith.addf %mul3A_287, %add3A_289 : vector<16xf32>
      %mul3A_291 = arith.mulf %add3A_290, %sub3A_280 : vector<16xf32>
      %add3A_292 = arith.constant 1.44241703 : f32
      %add3A_293 = vector.broadcast %add3A_292 : f32 to vector<16xf32>
      %add3A_294 = arith.addf %mul3A_291, %add3A_293 : vector<16xf32>
      %mul3A_295 = arith.mulf %sub3A_280, %add3A_294 : vector<16xf32>
      %add3A_296 = arith.addf %convert_element_type3A_277, %mul3A_295 : vector<16xf32>
      %mul3A_297 = arith.mulf %add3A_232, %add3A_232 : vector<16xf32>
      %mul3A_298 = arith.mulf %add3A_264, %add3A_264 : vector<16xf32>
      %mul3A_299 = arith.mulf %add3A_296, %add3A_296 : vector<16xf32>
      %mul3A_300 = arith.constant 2.000000e+00 : f32
      %mul3A_301 = vector.broadcast %mul3A_300 : f32 to vector<16xf32>
      %mul3A_302 = arith.mulf %get3A_195, %mul3A_301 : vector<16xf32>
      %exp3A = math.exp %mul3A_302 : vector<16xf32>
      %mul3A_303 = arith.mulf %mul3A_298, %mul3A_299 : vector<16xf32>
      %mul3A_304 = arith.mulf %exp3A, %mul3A_303 : vector<16xf32>
      %mul3A_305 = arith.constant 2.000000e+00 : f32
      %mul3A_306 = vector.broadcast %mul3A_305 : f32 to vector<16xf32>
      %mul3A_307 = arith.mulf %get3A_197, %mul3A_306 : vector<16xf32>
      %exp3A_308 = math.exp %mul3A_307 : vector<16xf32>
      %mul3A_309 = arith.mulf %mul3A_297, %mul3A_299 : vector<16xf32>
      %mul3A_310 = arith.mulf %exp3A_308, %mul3A_309 : vector<16xf32>
      %mul3A_311 = arith.constant 2.000000e+00 : f32
      %mul3A_312 = vector.broadcast %mul3A_311 : f32 to vector<16xf32>
      %mul3A_313 = arith.mulf %get3A_199, %mul3A_312 : vector<16xf32>
      %exp3A_314 = math.exp %mul3A_313 : vector<16xf32>
      %mul3A_315 = arith.mulf %mul3A_297, %mul3A_298 : vector<16xf32>
      %mul3A_316 = arith.mulf %exp3A_314, %mul3A_315 : vector<16xf32>
      %add3A_317 = arith.addf %mul3A_304, %mul3A_310 : vector<16xf32>
      %add3A_318 = arith.addf %add3A_317, %mul3A_316 : vector<16xf32>
      %div3A = arith.constant 1.000000e+00 : f32
      %div3A_319 = vector.broadcast %div3A : f32 to vector<16xf32>
      %div3A_320 = arith.divf %div3A_319, %add3A_318 : vector<16xf32>
      %mul3A_321 = arith.mulf %mul3A_304, %div3A_320 : vector<16xf32>
      %swap3A = arith.index_cast %add3A_190 : i32 to index
      %swap3A_322 = tpu.vector_load %arg10[%swap3A] {strides = array<i32>} : memref<18432xf32, #tpu.memory_space<vmem>>, vector<16xf32>,
      tpu.vector_store %arg10[%swap3A], %mul3A_321 {strides = array<i32>} : memref<18432xf32, #tpu.memory_space<vmem>>, vector<16xf32>,
      %mul3A_323 = arith.mulf %mul3A_310, %div3A_320 : vector<16xf32>
      %swap3A_324 = arith.index_cast %add3A_192 : i32 to index
      %swap3A_325 = tpu.vector_load %arg10[%swap3A_324] {strides = array<i32>} : memref<18432xf32, #tpu.memory_space<vmem>>, vector<16xf32>,
      tpu.vector_store %arg10[%swap3A_324], %mul3A_323 {strides = array<i32>} : memref<18432xf32, #tpu.memory_space<vmem>>, vector<16xf32>,
      %mul3A_326 = arith.mulf %mul3A_316, %div3A_320 : vector<16xf32>
      %swap3A_327 = arith.index_cast %add3A_194 : i32 to index
      %swap3A_328 = tpu.vector_load %arg10[%swap3A_327] {strides = array<i32>} : memref<18432xf32, #tpu.memory_space<vmem>>, vector<16xf32>,
      tpu.vector_store %arg10[%swap3A_327], %mul3A_326 {strides = array<i32>} : memref<18432xf32, #tpu.memory_space<vmem>>, vector<16xf32>,
    }
    %scan3A_102 = arith.constant 384 : i32
    %add3A_103 = arith.constant 144 : i32
    %add3A_104 = arith.addi %min3A_3, %add3A_103 : i32
    %mul3A_105 = arith.constant 384 : i32
    %mul3A_106 = arith.muli %add3A_104, %mul3A_105 : i32
    %dma_start3A_107 = tpu.memref_slice %arg4[%mul3A_106] : memref<3840000xf32, #tpu.memory_space<hbm>> -> memref<18432xf32, #tpu.memory_space<hbm>>
    %dma_start3A_108 = tpu.memref_slice %arg4[%mul3A_106] : memref<3840000xf32, #tpu.memory_space<hbm>> -> memref<18432xf32, #tpu.memory_space<hbm>>
    tpu.enqueue_dma source(%arg10 : memref<18432xf32, #tpu.memory_space<vmem>>) target(%dma_start3A_108 : memref<18432xf32, #tpu.memory_space<hbm>>) target_semaphore(%arg16 : memref<!tpu.dma_semaphore, #tpu.memory_space<semaphore_mem>>)
    %add3A_109 = arith.constant 240 : i32
    %add3A_110 = arith.addi %min3A_3, %add3A_109 : i32
    %mul3A_111 = arith.constant 384 : i32
    %mul3A_112 = arith.muli %add3A_110, %mul3A_111 : i32
    %dma_start3A_113 = tpu.memref_slice %arg2[%mul3A_112] : memref<3840000xf32, #tpu.memory_space<hbm>> -> memref<18432xf32, #tpu.memory_space<hbm>>
    %dma_start3A_114 = tpu.memref_slice %arg2[%mul3A_112] : memref<3840000xf32, #tpu.memory_space<hbm>> -> memref<18432xf32, #tpu.memory_space<hbm>>
    tpu.enqueue_dma source(%dma_start3A_114 : memref<18432xf32, #tpu.memory_space<hbm>>) target(%arg6 : memref<18432xf32, #tpu.memory_space<vmem>>) target_semaphore(%arg12 : memref<!tpu.dma_semaphore, #tpu.memory_space<semaphore_mem>>)
    %dma_start3A_115 = tpu.memref_slice %arg3[%mul3A_112] : memref<3840000xf32, #tpu.memory_space<hbm>> -> memref<18432xf32, #tpu.memory_space<hbm>>
    %dma_start3A_116 = tpu.memref_slice %arg3[%mul3A_112] : memref<3840000xf32, #tpu.memory_space<hbm>> -> memref<18432xf32, #tpu.memory_space<hbm>>
    tpu.enqueue_dma source(%dma_start3A_116 : memref<18432xf32, #tpu.memory_space<hbm>>) target(%arg8 : memref<18432xf32, #tpu.memory_space<vmem>>) target_semaphore(%arg14 : memref<!tpu.dma_semaphore, #tpu.memory_space<semaphore_mem>>)
    %dma_wait3A_117 = tpu.memref_slice %arg2[%mul3A_86] : memref<3840000xf32, #tpu.memory_space<hbm>> -> memref<18432xf32, #tpu.memory_space<hbm>>
    %dma_wait3A_118 = tpu.memref_slice %arg2[%mul3A_86] : memref<3840000xf32, #tpu.memory_space<hbm>> -> memref<18432xf32, #tpu.memory_space<hbm>>
    tpu.wait_dma2 semaphore(%arg11 : memref<!tpu.dma_semaphore, #tpu.memory_space<semaphore_mem>>) src(%dma_wait3A_118 : memref<18432xf32, #tpu.memory_space<hbm>>) dst(%arg5 : memref<18432xf32, #tpu.memory_space<vmem>>)
    %dma_wait3A_119 = tpu.memref_slice %arg3[%mul3A_86] : memref<3840000xf32, #tpu.memory_space<hbm>> -> memref<18432xf32, #tpu.memory_space<hbm>>
    %dma_wait3A_120 = tpu.memref_slice %arg3[%mul3A_86] : memref<3840000xf32, #tpu.memory_space<hbm>> -> memref<18432xf32, #tpu.memory_space<hbm>>
    tpu.wait_dma2 semaphore(%arg13 : memref<!tpu.dma_semaphore, #tpu.memory_space<semaphore_mem>>) src(%dma_wait3A_120 : memref<18432xf32, #tpu.memory_space<hbm>>) dst(%arg7 : memref<18432xf32, #tpu.memory_space<vmem>>)
    %dma_wait3A_121 = tpu.memref_slice %arg4[%mul3A_80] : memref<3840000xf32, #tpu.memory_space<hbm>> -> memref<18432xf32, #tpu.memory_space<hbm>>
    %dma_wait3A_122 = tpu.memref_slice %arg4[%mul3A_80] : memref<3840000xf32, #tpu.memory_space<hbm>> -> memref<18432xf32, #tpu.memory_space<hbm>>
    tpu.wait_dma2 semaphore(%arg15 : memref<!tpu.dma_semaphore, #tpu.memory_space<semaphore_mem>>) src(%arg9 : memref<18432xf32, #tpu.memory_space<vmem>>) dst(%dma_wait3A_122 : memref<18432xf32, #tpu.memory_space<hbm>>)
    %scan3A_123 = arith.constant 0 : i32
    %scan3A_124 = arith.constant 0 : i32
    %scan3A_125 = arith.constant 384 : i32
    %scan3A_126 = arith.addi %scan3A_124, %scan3A_125 : i32
    %scan3A_127 = arith.constant 1 : i32
    scf.for %scan3A_183 = %scan3A_124 to %scan3A_126 step %scan3A_127  : i32 {
      %shift_right_logical3A = arith.constant 3 : i32
      %shift_right_logical3A_184 = arith.shrui %scan3A_183, %shift_right_logical3A : i32
      %mul3A_185 = arith.constant 384 : i32
      %mul3A_186 = arith.muli %shift_right_logical3A_184, %mul3A_185 : i32
      %and3A = arith.constant 7 : i32
      %and3A_187 = arith.andi %scan3A_183, %and3A : i32
      %mul3A_188 = arith.constant 16 : i32
      %mul3A_189 = arith.muli %and3A_187, %mul3A_188 : i32
      %add3A_190 = arith.addi %mul3A_186, %mul3A_189 : i32
      %add3A_191 = arith.constant 128 : i32
      %add3A_192 = arith.addi %add3A_190, %add3A_191 : i32
      %add3A_193 = arith.constant 128 : i32
      %add3A_194 = arith.addi %add3A_192, %add3A_193 : i32
      %get3A = arith.index_cast %add3A_190 : i32 to index
      %get3A_195 = tpu.vector_load %arg5[%get3A] {strides = array<i32>} : memref<18432xf32, #tpu.memory_space<vmem>>, vector<16xf32>,
      %get3A_196 = arith.index_cast %add3A_192 : i32 to index
      %get3A_197 = tpu.vector_load %arg5[%get3A_196] {strides = array<i32>} : memref<18432xf32, #tpu.memory_space<vmem>>, vector<16xf32>,
      %get3A_198 = arith.index_cast %add3A_194 : i32 to index
      %get3A_199 = tpu.vector_load %arg5[%get3A_198] {strides = array<i32>} : memref<18432xf32, #tpu.memory_space<vmem>>, vector<16xf32>,
      %get3A_200 = arith.index_cast %add3A_190 : i32 to index
      %get3A_201 = tpu.vector_load %arg7[%get3A_200] {strides = array<i32>} : memref<18432xf32, #tpu.memory_space<vmem>>, vector<16xf32>,
      %get3A_202 = arith.index_cast %add3A_192 : i32 to index
      %get3A_203 = tpu.vector_load %arg7[%get3A_202] {strides = array<i32>} : memref<18432xf32, #tpu.memory_space<vmem>>, vector<16xf32>,
      %get3A_204 = arith.index_cast %add3A_194 : i32 to index
      %get3A_205 = tpu.vector_load %arg7[%get3A_204] {strides = array<i32>} : memref<18432xf32, #tpu.memory_space<vmem>>, vector<16xf32>,
      %bitcast_convert_type3A = tpu.bitcast %get3A_201 : vector<16xf32> -> vector<16xi32>
      %sub3A = arith.constant 1060439283 : i32
      %sub3A_206 = vector.broadcast %sub3A : i32 to vector<16xi32>
      %sub3A_207 = arith.subi %bitcast_convert_type3A, %sub3A_206 : vector<16xi32>
      %shift_right_arithmetic3A = arith.constant 23 : i32
      %shift_right_arithmetic3A_208 = vector.broadcast %shift_right_arithmetic3A : i32 to vector<16xi32>
      %shift_right_arithmetic3A_209 = arith.shrsi %sub3A_207, %shift_right_arithmetic3A_208 : vector<16xi32>
      %shift_left3A = arith.constant 23 : i32
      %shift_left3A_210 = vector.broadcast %shift_left3A : i32 to vector<16xi32>
      %shift_left3A_211 = arith.shli %shift_right_arithmetic3A_209, %shift_left3A_210 : vector<16xi32>
      %sub3A_212 = arith.subi %bitcast_convert_type3A, %shift_left3A_211 : vector<16xi32>
      %bitcast_convert_type3A_213 = tpu.bitcast %sub3A_212 : vector<16xi32> -> vector<16xf32>
      %convert_element_type3A = arith.sitofp %shift_right_arithmetic3A_209 : vector<16xi32> to vector<16xf32>
      %sub3A_214 = arith.constant 1.000000e+00 : f32
      %sub3A_215 = vector.broadcast %sub3A_214 : f32 to vector<16xf32>
      %sub3A_216 = arith.subf %bitcast_convert_type3A_213, %sub3A_215 : vector<16xf32>
      %mul3A_217 = arith.constant -0.325476557 : f32
      %mul3A_218 = vector.broadcast %mul3A_217 : f32 to vector<16xf32>
      %mul3A_219 = arith.mulf %mul3A_218, %sub3A_216 : vector<16xf32>
      %add3A_220 = arith.constant 0.506281137 : f32
      %add3A_221 = vector.broadcast %add3A_220 : f32 to vector<16xf32>
      %add3A_222 = arith.addf %mul3A_219, %add3A_221 : vector<16xf32>
      %mul3A_223 = arith.mulf %add3A_222, %sub3A_216 : vector<16xf32>
      %add3A_224 = arith.constant -0.72383517 : f32
      %add3A_225 = vector.broadcast %add3A_224 : f32 to vector<16xf32>
      %add3A_226 = arith.addf %mul3A_223, %add3A_225 : vector<16xf32>
      %mul3A_227 = arith.mulf %add3A_226, %sub3A_216 : vector<16xf32>
      %add3A_228 = arith.constant 1.44241703 : f32
      %add3A_229 = vector.broadcast %add3A_228 : f32 to vector<16xf32>
      %add3A_230 = arith.addf %mul3A_227, %add3A_229 : vector<16xf32>
      %mul3A_231 = arith.mulf %sub3A_216, %add3A_230 : vector<16xf32>
      %add3A_232 = arith.addf %convert_element_type3A, %mul3A_231 : vector<16xf32>
      %bitcast_convert_type3A_233 = tpu.bitcast %get3A_203 : vector<16xf32> -> vector<16xi32>
      %sub3A_234 = arith.constant 1060439283 : i32
      %sub3A_235 = vector.broadcast %sub3A_234 : i32 to vector<16xi32>
      %sub3A_236 = arith.subi %bitcast_convert_type3A_233, %sub3A_235 : vector<16xi32>
      %shift_right_arithmetic3A_237 = arith.constant 23 : i32
      %shift_right_arithmetic3A_238 = vector.broadcast %shift_right_arithmetic3A_237 : i32 to vector<16xi32>
      %shift_right_arithmetic3A_239 = arith.shrsi %sub3A_236, %shift_right_arithmetic3A_238 : vector<16xi32>
      %shift_left3A_240 = arith.constant 23 : i32
      %shift_left3A_241 = vector.broadcast %shift_left3A_240 : i32 to vector<16xi32>
      %shift_left3A_242 = arith.shli %shift_right_arithmetic3A_239, %shift_left3A_241 : vector<16xi32>
      %sub3A_243 = arith.subi %bitcast_convert_type3A_233, %shift_left3A_242 : vector<16xi32>
      %bitcast_convert_type3A_244 = tpu.bitcast %sub3A_243 : vector<16xi32> -> vector<16xf32>
      %convert_element_type3A_245 = arith.sitofp %shift_right_arithmetic3A_239 : vector<16xi32> to vector<16xf32>
      %sub3A_246 = arith.constant 1.000000e+00 : f32
      %sub3A_247 = vector.broadcast %sub3A_246 : f32 to vector<16xf32>
      %sub3A_248 = arith.subf %bitcast_convert_type3A_244, %sub3A_247 : vector<16xf32>
      %mul3A_249 = arith.constant -0.325476557 : f32
      %mul3A_250 = vector.broadcast %mul3A_249 : f32 to vector<16xf32>
      %mul3A_251 = arith.mulf %mul3A_250, %sub3A_248 : vector<16xf32>
      %add3A_252 = arith.constant 0.506281137 : f32
      %add3A_253 = vector.broadcast %add3A_252 : f32 to vector<16xf32>
      %add3A_254 = arith.addf %mul3A_251, %add3A_253 : vector<16xf32>
      %mul3A_255 = arith.mulf %add3A_254, %sub3A_248 : vector<16xf32>
      %add3A_256 = arith.constant -0.72383517 : f32
      %add3A_257 = vector.broadcast %add3A_256 : f32 to vector<16xf32>
      %add3A_258 = arith.addf %mul3A_255, %add3A_257 : vector<16xf32>
      %mul3A_259 = arith.mulf %add3A_258, %sub3A_248 : vector<16xf32>
      %add3A_260 = arith.constant 1.44241703 : f32
      %add3A_261 = vector.broadcast %add3A_260 : f32 to vector<16xf32>
      %add3A_262 = arith.addf %mul3A_259, %add3A_261 : vector<16xf32>
      %mul3A_263 = arith.mulf %sub3A_248, %add3A_262 : vector<16xf32>
      %add3A_264 = arith.addf %convert_element_type3A_245, %mul3A_263 : vector<16xf32>
      %bitcast_convert_type3A_265 = tpu.bitcast %get3A_205 : vector<16xf32> -> vector<16xi32>
      %sub3A_266 = arith.constant 1060439283 : i32
      %sub3A_267 = vector.broadcast %sub3A_266 : i32 to vector<16xi32>
      %sub3A_268 = arith.subi %bitcast_convert_type3A_265, %sub3A_267 : vector<16xi32>
      %shift_right_arithmetic3A_269 = arith.constant 23 : i32
      %shift_right_arithmetic3A_270 = vector.broadcast %shift_right_arithmetic3A_269 : i32 to vector<16xi32>
      %shift_right_arithmetic3A_271 = arith.shrsi %sub3A_268, %shift_right_arithmetic3A_270 : vector<16xi32>
      %shift_left3A_272 = arith.constant 23 : i32
      %shift_left3A_273 = vector.broadcast %shift_left3A_272 : i32 to vector<16xi32>
      %shift_left3A_274 = arith.shli %shift_right_arithmetic3A_271, %shift_left3A_273 : vector<16xi32>
      %sub3A_275 = arith.subi %bitcast_convert_type3A_265, %shift_left3A_274 : vector<16xi32>
      %bitcast_convert_type3A_276 = tpu.bitcast %sub3A_275 : vector<16xi32> -> vector<16xf32>
      %convert_element_type3A_277 = arith.sitofp %shift_right_arithmetic3A_271 : vector<16xi32> to vector<16xf32>
      %sub3A_278 = arith.constant 1.000000e+00 : f32
      %sub3A_279 = vector.broadcast %sub3A_278 : f32 to vector<16xf32>
      %sub3A_280 = arith.subf %bitcast_convert_type3A_276, %sub3A_279 : vector<16xf32>
      %mul3A_281 = arith.constant -0.325476557 : f32
      %mul3A_282 = vector.broadcast %mul3A_281 : f32 to vector<16xf32>
      %mul3A_283 = arith.mulf %mul3A_282, %sub3A_280 : vector<16xf32>
      %add3A_284 = arith.constant 0.506281137 : f32
      %add3A_285 = vector.broadcast %add3A_284 : f32 to vector<16xf32>
      %add3A_286 = arith.addf %mul3A_283, %add3A_285 : vector<16xf32>
      %mul3A_287 = arith.mulf %add3A_286, %sub3A_280 : vector<16xf32>
      %add3A_288 = arith.constant -0.72383517 : f32
      %add3A_289 = vector.broadcast %add3A_288 : f32 to vector<16xf32>
      %add3A_290 = arith.addf %mul3A_287, %add3A_289 : vector<16xf32>
      %mul3A_291 = arith.mulf %add3A_290, %sub3A_280 : vector<16xf32>
      %add3A_292 = arith.constant 1.44241703 : f32
      %add3A_293 = vector.broadcast %add3A_292 : f32 to vector<16xf32>
      %add3A_294 = arith.addf %mul3A_291, %add3A_293 : vector<16xf32>
      %mul3A_295 = arith.mulf %sub3A_280, %add3A_294 : vector<16xf32>
      %add3A_296 = arith.addf %convert_element_type3A_277, %mul3A_295 : vector<16xf32>
      %mul3A_297 = arith.mulf %add3A_232, %add3A_232 : vector<16xf32>
      %mul3A_298 = arith.mulf %add3A_264, %add3A_264 : vector<16xf32>
      %mul3A_299 = arith.mulf %add3A_296, %add3A_296 : vector<16xf32>
      %mul3A_300 = arith.constant 2.000000e+00 : f32
      %mul3A_301 = vector.broadcast %mul3A_300 : f32 to vector<16xf32>
      %mul3A_302 = arith.mulf %get3A_195, %mul3A_301 : vector<16xf32>
      %exp3A = math.exp %mul3A_302 : vector<16xf32>
      %mul3A_303 = arith.mulf %mul3A_298, %mul3A_299 : vector<16xf32>
      %mul3A_304 = arith.mulf %exp3A, %mul3A_303 : vector<16xf32>
      %mul3A_305 = arith.constant 2.000000e+00 : f32
      %mul3A_306 = vector.broadcast %mul3A_305 : f32 to vector<16xf32>
      %mul3A_307 = arith.mulf %get3A_197, %mul3A_306 : vector<16xf32>
      %exp3A_308 = math.exp %mul3A_307 : vector<16xf32>
      %mul3A_309 = arith.mulf %mul3A_297, %mul3A_299 : vector<16xf32>
      %mul3A_310 = arith.mulf %exp3A_308, %mul3A_309 : vector<16xf32>
      %mul3A_311 = arith.constant 2.000000e+00 : f32
      %mul3A_312 = vector.broadcast %mul3A_311 : f32 to vector<16xf32>
      %mul3A_313 = arith.mulf %get3A_199, %mul3A_312 : vector<16xf32>
      %exp3A_314 = math.exp %mul3A_313 : vector<16xf32>
      %mul3A_315 = arith.mulf %mul3A_297, %mul3A_298 : vector<16xf32>
      %mul3A_316 = arith.mulf %exp3A_314, %mul3A_315 : vector<16xf32>
      %add3A_317 = arith.addf %mul3A_304, %mul3A_310 : vector<16xf32>
      %add3A_318 = arith.addf %add3A_317, %mul3A_316 : vector<16xf32>
      %div3A = arith.constant 1.000000e+00 : f32
      %div3A_319 = vector.broadcast %div3A : f32 to vector<16xf32>
      %div3A_320 = arith.divf %div3A_319, %add3A_318 : vector<16xf32>
      %mul3A_321 = arith.mulf %mul3A_304, %div3A_320 : vector<16xf32>
      %swap3A = arith.index_cast %add3A_190 : i32 to index
      %swap3A_322 = tpu.vector_load %arg9[%swap3A] {strides = array<i32>} : memref<18432xf32, #tpu.memory_space<vmem>>, vector<16xf32>,
      tpu.vector_store %arg9[%swap3A], %mul3A_321 {strides = array<i32>} : memref<18432xf32, #tpu.memory_space<vmem>>, vector<16xf32>,
      %mul3A_323 = arith.mulf %mul3A_310, %div3A_320 : vector<16xf32>
      %swap3A_324 = arith.index_cast %add3A_192 : i32 to index
      %swap3A_325 = tpu.vector_load %arg9[%swap3A_324] {strides = array<i32>} : memref<18432xf32, #tpu.memory_space<vmem>>, vector<16xf32>,
      tpu.vector_store %arg9[%swap3A_324], %mul3A_323 {strides = array<i32>} : memref<18432xf32, #tpu.memory_space<vmem>>, vector<16xf32>,
      %mul3A_326 = arith.mulf %mul3A_316, %div3A_320 : vector<16xf32>
      %swap3A_327 = arith.index_cast %add3A_194 : i32 to index
      %swap3A_328 = tpu.vector_load %arg9[%swap3A_327] {strides = array<i32>} : memref<18432xf32, #tpu.memory_space<vmem>>, vector<16xf32>,
      tpu.vector_store %arg9[%swap3A_327], %mul3A_326 {strides = array<i32>} : memref<18432xf32, #tpu.memory_space<vmem>>, vector<16xf32>,
    }
    %scan3A_128 = arith.constant 384 : i32
    %add3A_129 = arith.constant 192 : i32
    %add3A_130 = arith.addi %min3A_3, %add3A_129 : i32
    %mul3A_131 = arith.constant 384 : i32
    %mul3A_132 = arith.muli %add3A_130, %mul3A_131 : i32
    %dma_start3A_133 = tpu.memref_slice %arg4[%mul3A_132] : memref<3840000xf32, #tpu.memory_space<hbm>> -> memref<18432xf32, #tpu.memory_space<hbm>>
    %dma_start3A_134 = tpu.memref_slice %arg4[%mul3A_132] : memref<3840000xf32, #tpu.memory_space<hbm>> -> memref<18432xf32, #tpu.memory_space<hbm>>
    tpu.enqueue_dma source(%arg9 : memref<18432xf32, #tpu.memory_space<vmem>>) target(%dma_start3A_134 : memref<18432xf32, #tpu.memory_space<hbm>>) target_semaphore(%arg15 : memref<!tpu.dma_semaphore, #tpu.memory_space<semaphore_mem>>)
    %add3A_135 = arith.constant 265 : i32
    %add3A_136 = arith.addi %min3A_3, %add3A_135 : i32
    %mul3A_137 = arith.constant 384 : i32
    %mul3A_138 = arith.muli %add3A_136, %mul3A_137 : i32
    %dma_start3A_139 = tpu.memref_slice %arg2[%mul3A_138] : memref<3840000xf32, #tpu.memory_space<hbm>> -> memref<18432xf32, #tpu.memory_space<hbm>>
    %dma_start3A_140 = tpu.memref_slice %arg2[%mul3A_138] : memref<3840000xf32, #tpu.memory_space<hbm>> -> memref<18432xf32, #tpu.memory_space<hbm>>
    tpu.enqueue_dma source(%dma_start3A_140 : memref<18432xf32, #tpu.memory_space<hbm>>) target(%arg5 : memref<18432xf32, #tpu.memory_space<vmem>>) target_semaphore(%arg11 : memref<!tpu.dma_semaphore, #tpu.memory_space<semaphore_mem>>)
    %dma_start3A_141 = tpu.memref_slice %arg3[%mul3A_138] : memref<3840000xf32, #tpu.memory_space<hbm>> -> memref<18432xf32, #tpu.memory_space<hbm>>
    %dma_start3A_142 = tpu.memref_slice %arg3[%mul3A_138] : memref<3840000xf32, #tpu.memory_space<hbm>> -> memref<18432xf32, #tpu.memory_space<hbm>>
    tpu.enqueue_dma source(%dma_start3A_142 : memref<18432xf32, #tpu.memory_space<hbm>>) target(%arg7 : memref<18432xf32, #tpu.memory_space<vmem>>) target_semaphore(%arg13 : memref<!tpu.dma_semaphore, #tpu.memory_space<semaphore_mem>>)
    %dma_wait3A_143 = tpu.memref_slice %arg2[%mul3A_112] : memref<3840000xf32, #tpu.memory_space<hbm>> -> memref<18432xf32, #tpu.memory_space<hbm>>
    %dma_wait3A_144 = tpu.memref_slice %arg2[%mul3A_112] : memref<3840000xf32, #tpu.memory_space<hbm>> -> memref<18432xf32, #tpu.memory_space<hbm>>
    tpu.wait_dma2 semaphore(%arg12 : memref<!tpu.dma_semaphore, #tpu.memory_space<semaphore_mem>>) src(%dma_wait3A_144 : memref<18432xf32, #tpu.memory_space<hbm>>) dst(%arg6 : memref<18432xf32, #tpu.memory_space<vmem>>)
    %dma_wait3A_145 = tpu.memref_slice %arg3[%mul3A_112] : memref<3840000xf32, #tpu.memory_space<hbm>> -> memref<18432xf32, #tpu.memory_space<hbm>>
    %dma_wait3A_146 = tpu.memref_slice %arg3[%mul3A_112] : memref<3840000xf32, #tpu.memory_space<hbm>> -> memref<18432xf32, #tpu.memory_space<hbm>>
    tpu.wait_dma2 semaphore(%arg14 : memref<!tpu.dma_semaphore, #tpu.memory_space<semaphore_mem>>) src(%dma_wait3A_146 : memref<18432xf32, #tpu.memory_space<hbm>>) dst(%arg8 : memref<18432xf32, #tpu.memory_space<vmem>>)
    %dma_wait3A_147 = tpu.memref_slice %arg4[%mul3A_106] : memref<3840000xf32, #tpu.memory_space<hbm>> -> memref<18432xf32, #tpu.memory_space<hbm>>
    %dma_wait3A_148 = tpu.memref_slice %arg4[%mul3A_106] : memref<3840000xf32, #tpu.memory_space<hbm>> -> memref<18432xf32, #tpu.memory_space<hbm>>
    tpu.wait_dma2 semaphore(%arg16 : memref<!tpu.dma_semaphore, #tpu.memory_space<semaphore_mem>>) src(%arg10 : memref<18432xf32, #tpu.memory_space<vmem>>) dst(%dma_wait3A_148 : memref<18432xf32, #tpu.memory_space<hbm>>)
    %scan3A_149 = arith.constant 0 : i32
    %scan3A_150 = arith.constant 0 : i32
    %scan3A_151 = arith.constant 384 : i32
    %scan3A_152 = arith.addi %scan3A_150, %scan3A_151 : i32
    %scan3A_153 = arith.constant 1 : i32
    scf.for %scan3A_183 = %scan3A_150 to %scan3A_152 step %scan3A_153  : i32 {
      %shift_right_logical3A = arith.constant 3 : i32
      %shift_right_logical3A_184 = arith.shrui %scan3A_183, %shift_right_logical3A : i32
      %mul3A_185 = arith.constant 384 : i32
      %mul3A_186 = arith.muli %shift_right_logical3A_184, %mul3A_185 : i32
      %and3A = arith.constant 7 : i32
      %and3A_187 = arith.andi %scan3A_183, %and3A : i32
      %mul3A_188 = arith.constant 16 : i32
      %mul3A_189 = arith.muli %and3A_187, %mul3A_188 : i32
      %add3A_190 = arith.addi %mul3A_186, %mul3A_189 : i32
      %add3A_191 = arith.constant 128 : i32
      %add3A_192 = arith.addi %add3A_190, %add3A_191 : i32
      %add3A_193 = arith.constant 128 : i32
      %add3A_194 = arith.addi %add3A_192, %add3A_193 : i32
      %get3A = arith.index_cast %add3A_190 : i32 to index
      %get3A_195 = tpu.vector_load %arg6[%get3A] {strides = array<i32>} : memref<18432xf32, #tpu.memory_space<vmem>>, vector<16xf32>,
      %get3A_196 = arith.index_cast %add3A_192 : i32 to index
      %get3A_197 = tpu.vector_load %arg6[%get3A_196] {strides = array<i32>} : memref<18432xf32, #tpu.memory_space<vmem>>, vector<16xf32>,
      %get3A_198 = arith.index_cast %add3A_194 : i32 to index
      %get3A_199 = tpu.vector_load %arg6[%get3A_198] {strides = array<i32>} : memref<18432xf32, #tpu.memory_space<vmem>>, vector<16xf32>,
      %get3A_200 = arith.index_cast %add3A_190 : i32 to index
      %get3A_201 = tpu.vector_load %arg8[%get3A_200] {strides = array<i32>} : memref<18432xf32, #tpu.memory_space<vmem>>, vector<16xf32>,
      %get3A_202 = arith.index_cast %add3A_192 : i32 to index
      %get3A_203 = tpu.vector_load %arg8[%get3A_202] {strides = array<i32>} : memref<18432xf32, #tpu.memory_space<vmem>>, vector<16xf32>,
      %get3A_204 = arith.index_cast %add3A_194 : i32 to index
      %get3A_205 = tpu.vector_load %arg8[%get3A_204] {strides = array<i32>} : memref<18432xf32, #tpu.memory_space<vmem>>, vector<16xf32>,
      %bitcast_convert_type3A = tpu.bitcast %get3A_201 : vector<16xf32> -> vector<16xi32>
      %sub3A = arith.constant 1060439283 : i32
      %sub3A_206 = vector.broadcast %sub3A : i32 to vector<16xi32>
      %sub3A_207 = arith.subi %bitcast_convert_type3A, %sub3A_206 : vector<16xi32>
      %shift_right_arithmetic3A = arith.constant 23 : i32
      %shift_right_arithmetic3A_208 = vector.broadcast %shift_right_arithmetic3A : i32 to vector<16xi32>
      %shift_right_arithmetic3A_209 = arith.shrsi %sub3A_207, %shift_right_arithmetic3A_208 : vector<16xi32>
      %shift_left3A = arith.constant 23 : i32
      %shift_left3A_210 = vector.broadcast %shift_left3A : i32 to vector<16xi32>
      %shift_left3A_211 = arith.shli %shift_right_arithmetic3A_209, %shift_left3A_210 : vector<16xi32>
      %sub3A_212 = arith.subi %bitcast_convert_type3A, %shift_left3A_211 : vector<16xi32>
      %bitcast_convert_type3A_213 = tpu.bitcast %sub3A_212 : vector<16xi32> -> vector<16xf32>
      %convert_element_type3A = arith.sitofp %shift_right_arithmetic3A_209 : vector<16xi32> to vector<16xf32>
      %sub3A_214 = arith.constant 1.000000e+00 : f32
      %sub3A_215 = vector.broadcast %sub3A_214 : f32 to vector<16xf32>
      %sub3A_216 = arith.subf %bitcast_convert_type3A_213, %sub3A_215 : vector<16xf32>
      %mul3A_217 = arith.constant -0.325476557 : f32
      %mul3A_218 = vector.broadcast %mul3A_217 : f32 to vector<16xf32>
      %mul3A_219 = arith.mulf %mul3A_218, %sub3A_216 : vector<16xf32>
      %add3A_220 = arith.constant 0.506281137 : f32
      %add3A_221 = vector.broadcast %add3A_220 : f32 to vector<16xf32>
      %add3A_222 = arith.addf %mul3A_219, %add3A_221 : vector<16xf32>
      %mul3A_223 = arith.mulf %add3A_222, %sub3A_216 : vector<16xf32>
      %add3A_224 = arith.constant -0.72383517 : f32
      %add3A_225 = vector.broadcast %add3A_224 : f32 to vector<16xf32>
      %add3A_226 = arith.addf %mul3A_223, %add3A_225 : vector<16xf32>
      %mul3A_227 = arith.mulf %add3A_226, %sub3A_216 : vector<16xf32>
      %add3A_228 = arith.constant 1.44241703 : f32
      %add3A_229 = vector.broadcast %add3A_228 : f32 to vector<16xf32>
      %add3A_230 = arith.addf %mul3A_227, %add3A_229 : vector<16xf32>
      %mul3A_231 = arith.mulf %sub3A_216, %add3A_230 : vector<16xf32>
      %add3A_232 = arith.addf %convert_element_type3A, %mul3A_231 : vector<16xf32>
      %bitcast_convert_type3A_233 = tpu.bitcast %get3A_203 : vector<16xf32> -> vector<16xi32>
      %sub3A_234 = arith.constant 1060439283 : i32
      %sub3A_235 = vector.broadcast %sub3A_234 : i32 to vector<16xi32>
      %sub3A_236 = arith.subi %bitcast_convert_type3A_233, %sub3A_235 : vector<16xi32>
      %shift_right_arithmetic3A_237 = arith.constant 23 : i32
      %shift_right_arithmetic3A_238 = vector.broadcast %shift_right_arithmetic3A_237 : i32 to vector<16xi32>
      %shift_right_arithmetic3A_239 = arith.shrsi %sub3A_236, %shift_right_arithmetic3A_238 : vector<16xi32>
      %shift_left3A_240 = arith.constant 23 : i32
      %shift_left3A_241 = vector.broadcast %shift_left3A_240 : i32 to vector<16xi32>
      %shift_left3A_242 = arith.shli %shift_right_arithmetic3A_239, %shift_left3A_241 : vector<16xi32>
      %sub3A_243 = arith.subi %bitcast_convert_type3A_233, %shift_left3A_242 : vector<16xi32>
      %bitcast_convert_type3A_244 = tpu.bitcast %sub3A_243 : vector<16xi32> -> vector<16xf32>
      %convert_element_type3A_245 = arith.sitofp %shift_right_arithmetic3A_239 : vector<16xi32> to vector<16xf32>
      %sub3A_246 = arith.constant 1.000000e+00 : f32
      %sub3A_247 = vector.broadcast %sub3A_246 : f32 to vector<16xf32>
      %sub3A_248 = arith.subf %bitcast_convert_type3A_244, %sub3A_247 : vector<16xf32>
      %mul3A_249 = arith.constant -0.325476557 : f32
      %mul3A_250 = vector.broadcast %mul3A_249 : f32 to vector<16xf32>
      %mul3A_251 = arith.mulf %mul3A_250, %sub3A_248 : vector<16xf32>
      %add3A_252 = arith.constant 0.506281137 : f32
      %add3A_253 = vector.broadcast %add3A_252 : f32 to vector<16xf32>
      %add3A_254 = arith.addf %mul3A_251, %add3A_253 : vector<16xf32>
      %mul3A_255 = arith.mulf %add3A_254, %sub3A_248 : vector<16xf32>
      %add3A_256 = arith.constant -0.72383517 : f32
      %add3A_257 = vector.broadcast %add3A_256 : f32 to vector<16xf32>
      %add3A_258 = arith.addf %mul3A_255, %add3A_257 : vector<16xf32>
      %mul3A_259 = arith.mulf %add3A_258, %sub3A_248 : vector<16xf32>
      %add3A_260 = arith.constant 1.44241703 : f32
      %add3A_261 = vector.broadcast %add3A_260 : f32 to vector<16xf32>
      %add3A_262 = arith.addf %mul3A_259, %add3A_261 : vector<16xf32>
      %mul3A_263 = arith.mulf %sub3A_248, %add3A_262 : vector<16xf32>
      %add3A_264 = arith.addf %convert_element_type3A_245, %mul3A_263 : vector<16xf32>
      %bitcast_convert_type3A_265 = tpu.bitcast %get3A_205 : vector<16xf32> -> vector<16xi32>
      %sub3A_266 = arith.constant 1060439283 : i32
      %sub3A_267 = vector.broadcast %sub3A_266 : i32 to vector<16xi32>
      %sub3A_268 = arith.subi %bitcast_convert_type3A_265, %sub3A_267 : vector<16xi32>
      %shift_right_arithmetic3A_269 = arith.constant 23 : i32
      %shift_right_arithmetic3A_270 = vector.broadcast %shift_right_arithmetic3A_269 : i32 to vector<16xi32>
      %shift_right_arithmetic3A_271 = arith.shrsi %sub3A_268, %shift_right_arithmetic3A_270 : vector<16xi32>
      %shift_left3A_272 = arith.constant 23 : i32
      %shift_left3A_273 = vector.broadcast %shift_left3A_272 : i32 to vector<16xi32>
      %shift_left3A_274 = arith.shli %shift_right_arithmetic3A_271, %shift_left3A_273 : vector<16xi32>
      %sub3A_275 = arith.subi %bitcast_convert_type3A_265, %shift_left3A_274 : vector<16xi32>
      %bitcast_convert_type3A_276 = tpu.bitcast %sub3A_275 : vector<16xi32> -> vector<16xf32>
      %convert_element_type3A_277 = arith.sitofp %shift_right_arithmetic3A_271 : vector<16xi32> to vector<16xf32>
      %sub3A_278 = arith.constant 1.000000e+00 : f32
      %sub3A_279 = vector.broadcast %sub3A_278 : f32 to vector<16xf32>
      %sub3A_280 = arith.subf %bitcast_convert_type3A_276, %sub3A_279 : vector<16xf32>
      %mul3A_281 = arith.constant -0.325476557 : f32
      %mul3A_282 = vector.broadcast %mul3A_281 : f32 to vector<16xf32>
      %mul3A_283 = arith.mulf %mul3A_282, %sub3A_280 : vector<16xf32>
      %add3A_284 = arith.constant 0.506281137 : f32
      %add3A_285 = vector.broadcast %add3A_284 : f32 to vector<16xf32>
      %add3A_286 = arith.addf %mul3A_283, %add3A_285 : vector<16xf32>
      %mul3A_287 = arith.mulf %add3A_286, %sub3A_280 : vector<16xf32>
      %add3A_288 = arith.constant -0.72383517 : f32
      %add3A_289 = vector.broadcast %add3A_288 : f32 to vector<16xf32>
      %add3A_290 = arith.addf %mul3A_287, %add3A_289 : vector<16xf32>
      %mul3A_291 = arith.mulf %add3A_290, %sub3A_280 : vector<16xf32>
      %add3A_292 = arith.constant 1.44241703 : f32
      %add3A_293 = vector.broadcast %add3A_292 : f32 to vector<16xf32>
      %add3A_294 = arith.addf %mul3A_291, %add3A_293 : vector<16xf32>
      %mul3A_295 = arith.mulf %sub3A_280, %add3A_294 : vector<16xf32>
      %add3A_296 = arith.addf %convert_element_type3A_277, %mul3A_295 : vector<16xf32>
      %mul3A_297 = arith.mulf %add3A_232, %add3A_232 : vector<16xf32>
      %mul3A_298 = arith.mulf %add3A_264, %add3A_264 : vector<16xf32>
      %mul3A_299 = arith.mulf %add3A_296, %add3A_296 : vector<16xf32>
      %mul3A_300 = arith.constant 2.000000e+00 : f32
      %mul3A_301 = vector.broadcast %mul3A_300 : f32 to vector<16xf32>
      %mul3A_302 = arith.mulf %get3A_195, %mul3A_301 : vector<16xf32>
      %exp3A = math.exp %mul3A_302 : vector<16xf32>
      %mul3A_303 = arith.mulf %mul3A_298, %mul3A_299 : vector<16xf32>
      %mul3A_304 = arith.mulf %exp3A, %mul3A_303 : vector<16xf32>
      %mul3A_305 = arith.constant 2.000000e+00 : f32
      %mul3A_306 = vector.broadcast %mul3A_305 : f32 to vector<16xf32>
      %mul3A_307 = arith.mulf %get3A_197, %mul3A_306 : vector<16xf32>
      %exp3A_308 = math.exp %mul3A_307 : vector<16xf32>
      %mul3A_309 = arith.mulf %mul3A_297, %mul3A_299 : vector<16xf32>
      %mul3A_310 = arith.mulf %exp3A_308, %mul3A_309 : vector<16xf32>
      %mul3A_311 = arith.constant 2.000000e+00 : f32
      %mul3A_312 = vector.broadcast %mul3A_311 : f32 to vector<16xf32>
      %mul3A_313 = arith.mulf %get3A_199, %mul3A_312 : vector<16xf32>
      %exp3A_314 = math.exp %mul3A_313 : vector<16xf32>
      %mul3A_315 = arith.mulf %mul3A_297, %mul3A_298 : vector<16xf32>
      %mul3A_316 = arith.mulf %exp3A_314, %mul3A_315 : vector<16xf32>
      %add3A_317 = arith.addf %mul3A_304, %mul3A_310 : vector<16xf32>
      %add3A_318 = arith.addf %add3A_317, %mul3A_316 : vector<16xf32>
      %div3A = arith.constant 1.000000e+00 : f32
      %div3A_319 = vector.broadcast %div3A : f32 to vector<16xf32>
      %div3A_320 = arith.divf %div3A_319, %add3A_318 : vector<16xf32>
      %mul3A_321 = arith.mulf %mul3A_304, %div3A_320 : vector<16xf32>
      %swap3A = arith.index_cast %add3A_190 : i32 to index
      %swap3A_322 = tpu.vector_load %arg10[%swap3A] {strides = array<i32>} : memref<18432xf32, #tpu.memory_space<vmem>>, vector<16xf32>,
      tpu.vector_store %arg10[%swap3A], %mul3A_321 {strides = array<i32>} : memref<18432xf32, #tpu.memory_space<vmem>>, vector<16xf32>,
      %mul3A_323 = arith.mulf %mul3A_310, %div3A_320 : vector<16xf32>
      %swap3A_324 = arith.index_cast %add3A_192 : i32 to index
      %swap3A_325 = tpu.vector_load %arg10[%swap3A_324] {strides = array<i32>} : memref<18432xf32, #tpu.memory_space<vmem>>, vector<16xf32>,
      tpu.vector_store %arg10[%swap3A_324], %mul3A_323 {strides = array<i32>} : memref<18432xf32, #tpu.memory_space<vmem>>, vector<16xf32>,
      %mul3A_326 = arith.mulf %mul3A_316, %div3A_320 : vector<16xf32>
      %swap3A_327 = arith.index_cast %add3A_194 : i32 to index
      %swap3A_328 = tpu.vector_load %arg10[%swap3A_327] {strides = array<i32>} : memref<18432xf32, #tpu.memory_space<vmem>>, vector<16xf32>,
      tpu.vector_store %arg10[%swap3A_327], %mul3A_326 {strides = array<i32>} : memref<18432xf32, #tpu.memory_space<vmem>>, vector<16xf32>,
    }
    %scan3A_154 = arith.constant 384 : i32
    %add3A_155 = arith.constant 240 : i32
    %add3A_156 = arith.addi %min3A_3, %add3A_155 : i32
    %mul3A_157 = arith.constant 384 : i32
    %mul3A_158 = arith.muli %add3A_156, %mul3A_157 : i32
    %dma_start3A_159 = tpu.memref_slice %arg4[%mul3A_158] : memref<3840000xf32, #tpu.memory_space<hbm>> -> memref<18432xf32, #tpu.memory_space<hbm>>
    %dma_start3A_160 = tpu.memref_slice %arg4[%mul3A_158] : memref<3840000xf32, #tpu.memory_space<hbm>> -> memref<18432xf32, #tpu.memory_space<hbm>>
    tpu.enqueue_dma source(%arg10 : memref<18432xf32, #tpu.memory_space<vmem>>) target(%dma_start3A_160 : memref<18432xf32, #tpu.memory_space<hbm>>) target_semaphore(%arg16 : memref<!tpu.dma_semaphore, #tpu.memory_space<semaphore_mem>>)
    %dma_wait3A_161 = tpu.memref_slice %arg2[%mul3A_138] : memref<3840000xf32, #tpu.memory_space<hbm>> -> memref<18432xf32, #tpu.memory_space<hbm>>
    %dma_wait3A_162 = tpu.memref_slice %arg2[%mul3A_138] : memref<3840000xf32, #tpu.memory_space<hbm>> -> memref<18432xf32, #tpu.memory_space<hbm>>
    tpu.wait_dma2 semaphore(%arg11 : memref<!tpu.dma_semaphore, #tpu.memory_space<semaphore_mem>>) src(%dma_wait3A_162 : memref<18432xf32, #tpu.memory_space<hbm>>) dst(%arg5 : memref<18432xf32, #tpu.memory_space<vmem>>)
    %dma_wait3A_163 = tpu.memref_slice %arg3[%mul3A_138] : memref<3840000xf32, #tpu.memory_space<hbm>> -> memref<18432xf32, #tpu.memory_space<hbm>>
    %dma_wait3A_164 = tpu.memref_slice %arg3[%mul3A_138] : memref<3840000xf32, #tpu.memory_space<hbm>> -> memref<18432xf32, #tpu.memory_space<hbm>>
    tpu.wait_dma2 semaphore(%arg13 : memref<!tpu.dma_semaphore, #tpu.memory_space<semaphore_mem>>) src(%dma_wait3A_164 : memref<18432xf32, #tpu.memory_space<hbm>>) dst(%arg7 : memref<18432xf32, #tpu.memory_space<vmem>>)
    %dma_wait3A_165 = tpu.memref_slice %arg4[%mul3A_132] : memref<3840000xf32, #tpu.memory_space<hbm>> -> memref<18432xf32, #tpu.memory_space<hbm>>
    %dma_wait3A_166 = tpu.memref_slice %arg4[%mul3A_132] : memref<3840000xf32, #tpu.memory_space<hbm>> -> memref<18432xf32, #tpu.memory_space<hbm>>
    tpu.wait_dma2 semaphore(%arg15 : memref<!tpu.dma_semaphore, #tpu.memory_space<semaphore_mem>>) src(%arg9 : memref<18432xf32, #tpu.memory_space<vmem>>) dst(%dma_wait3A_166 : memref<18432xf32, #tpu.memory_space<hbm>>)
    %scan3A_167 = arith.constant 0 : i32
    %scan3A_168 = arith.constant 0 : i32
    %scan3A_169 = arith.constant 384 : i32
    %scan3A_170 = arith.addi %scan3A_168, %scan3A_169 : i32
    %scan3A_171 = arith.constant 1 : i32
    scf.for %scan3A_183 = %scan3A_168 to %scan3A_170 step %scan3A_171  : i32 {
      %shift_right_logical3A = arith.constant 3 : i32
      %shift_right_logical3A_184 = arith.shrui %scan3A_183, %shift_right_logical3A : i32
      %mul3A_185 = arith.constant 384 : i32
      %mul3A_186 = arith.muli %shift_right_logical3A_184, %mul3A_185 : i32
      %and3A = arith.constant 7 : i32
      %and3A_187 = arith.andi %scan3A_183, %and3A : i32
      %mul3A_188 = arith.constant 16 : i32
      %mul3A_189 = arith.muli %and3A_187, %mul3A_188 : i32
      %add3A_190 = arith.addi %mul3A_186, %mul3A_189 : i32
      %add3A_191 = arith.constant 128 : i32
      %add3A_192 = arith.addi %add3A_190, %add3A_191 : i32
      %add3A_193 = arith.constant 128 : i32
      %add3A_194 = arith.addi %add3A_192, %add3A_193 : i32
      %get3A = arith.index_cast %add3A_190 : i32 to index
      %get3A_195 = tpu.vector_load %arg5[%get3A] {strides = array<i32>} : memref<18432xf32, #tpu.memory_space<vmem>>, vector<16xf32>,
      %get3A_196 = arith.index_cast %add3A_192 : i32 to index
      %get3A_197 = tpu.vector_load %arg5[%get3A_196] {strides = array<i32>} : memref<18432xf32, #tpu.memory_space<vmem>>, vector<16xf32>,
      %get3A_198 = arith.index_cast %add3A_194 : i32 to index
      %get3A_199 = tpu.vector_load %arg5[%get3A_198] {strides = array<i32>} : memref<18432xf32, #tpu.memory_space<vmem>>, vector<16xf32>,
      %get3A_200 = arith.index_cast %add3A_190 : i32 to index
      %get3A_201 = tpu.vector_load %arg7[%get3A_200] {strides = array<i32>} : memref<18432xf32, #tpu.memory_space<vmem>>, vector<16xf32>,
      %get3A_202 = arith.index_cast %add3A_192 : i32 to index
      %get3A_203 = tpu.vector_load %arg7[%get3A_202] {strides = array<i32>} : memref<18432xf32, #tpu.memory_space<vmem>>, vector<16xf32>,
      %get3A_204 = arith.index_cast %add3A_194 : i32 to index
      %get3A_205 = tpu.vector_load %arg7[%get3A_204] {strides = array<i32>} : memref<18432xf32, #tpu.memory_space<vmem>>, vector<16xf32>,
      %bitcast_convert_type3A = tpu.bitcast %get3A_201 : vector<16xf32> -> vector<16xi32>
      %sub3A = arith.constant 1060439283 : i32
      %sub3A_206 = vector.broadcast %sub3A : i32 to vector<16xi32>
      %sub3A_207 = arith.subi %bitcast_convert_type3A, %sub3A_206 : vector<16xi32>
      %shift_right_arithmetic3A = arith.constant 23 : i32
      %shift_right_arithmetic3A_208 = vector.broadcast %shift_right_arithmetic3A : i32 to vector<16xi32>
      %shift_right_arithmetic3A_209 = arith.shrsi %sub3A_207, %shift_right_arithmetic3A_208 : vector<16xi32>
      %shift_left3A = arith.constant 23 : i32
      %shift_left3A_210 = vector.broadcast %shift_left3A : i32 to vector<16xi32>
      %shift_left3A_211 = arith.shli %shift_right_arithmetic3A_209, %shift_left3A_210 : vector<16xi32>
      %sub3A_212 = arith.subi %bitcast_convert_type3A, %shift_left3A_211 : vector<16xi32>
      %bitcast_convert_type3A_213 = tpu.bitcast %sub3A_212 : vector<16xi32> -> vector<16xf32>
      %convert_element_type3A = arith.sitofp %shift_right_arithmetic3A_209 : vector<16xi32> to vector<16xf32>
      %sub3A_214 = arith.constant 1.000000e+00 : f32
      %sub3A_215 = vector.broadcast %sub3A_214 : f32 to vector<16xf32>
      %sub3A_216 = arith.subf %bitcast_convert_type3A_213, %sub3A_215 : vector<16xf32>
      %mul3A_217 = arith.constant -0.325476557 : f32
      %mul3A_218 = vector.broadcast %mul3A_217 : f32 to vector<16xf32>
      %mul3A_219 = arith.mulf %mul3A_218, %sub3A_216 : vector<16xf32>
      %add3A_220 = arith.constant 0.506281137 : f32
      %add3A_221 = vector.broadcast %add3A_220 : f32 to vector<16xf32>
      %add3A_222 = arith.addf %mul3A_219, %add3A_221 : vector<16xf32>
      %mul3A_223 = arith.mulf %add3A_222, %sub3A_216 : vector<16xf32>
      %add3A_224 = arith.constant -0.72383517 : f32
      %add3A_225 = vector.broadcast %add3A_224 : f32 to vector<16xf32>
      %add3A_226 = arith.addf %mul3A_223, %add3A_225 : vector<16xf32>
      %mul3A_227 = arith.mulf %add3A_226, %sub3A_216 : vector<16xf32>
      %add3A_228 = arith.constant 1.44241703 : f32
      %add3A_229 = vector.broadcast %add3A_228 : f32 to vector<16xf32>
      %add3A_230 = arith.addf %mul3A_227, %add3A_229 : vector<16xf32>
      %mul3A_231 = arith.mulf %sub3A_216, %add3A_230 : vector<16xf32>
      %add3A_232 = arith.addf %convert_element_type3A, %mul3A_231 : vector<16xf32>
      %bitcast_convert_type3A_233 = tpu.bitcast %get3A_203 : vector<16xf32> -> vector<16xi32>
      %sub3A_234 = arith.constant 1060439283 : i32
      %sub3A_235 = vector.broadcast %sub3A_234 : i32 to vector<16xi32>
      %sub3A_236 = arith.subi %bitcast_convert_type3A_233, %sub3A_235 : vector<16xi32>
      %shift_right_arithmetic3A_237 = arith.constant 23 : i32
      %shift_right_arithmetic3A_238 = vector.broadcast %shift_right_arithmetic3A_237 : i32 to vector<16xi32>
      %shift_right_arithmetic3A_239 = arith.shrsi %sub3A_236, %shift_right_arithmetic3A_238 : vector<16xi32>
      %shift_left3A_240 = arith.constant 23 : i32
      %shift_left3A_241 = vector.broadcast %shift_left3A_240 : i32 to vector<16xi32>
      %shift_left3A_242 = arith.shli %shift_right_arithmetic3A_239, %shift_left3A_241 : vector<16xi32>
      %sub3A_243 = arith.subi %bitcast_convert_type3A_233, %shift_left3A_242 : vector<16xi32>
      %bitcast_convert_type3A_244 = tpu.bitcast %sub3A_243 : vector<16xi32> -> vector<16xf32>
      %convert_element_type3A_245 = arith.sitofp %shift_right_arithmetic3A_239 : vector<16xi32> to vector<16xf32>
      %sub3A_246 = arith.constant 1.000000e+00 : f32
      %sub3A_247 = vector.broadcast %sub3A_246 : f32 to vector<16xf32>
      %sub3A_248 = arith.subf %bitcast_convert_type3A_244, %sub3A_247 : vector<16xf32>
      %mul3A_249 = arith.constant -0.325476557 : f32
      %mul3A_250 = vector.broadcast %mul3A_249 : f32 to vector<16xf32>
      %mul3A_251 = arith.mulf %mul3A_250, %sub3A_248 : vector<16xf32>
      %add3A_252 = arith.constant 0.506281137 : f32
      %add3A_253 = vector.broadcast %add3A_252 : f32 to vector<16xf32>
      %add3A_254 = arith.addf %mul3A_251, %add3A_253 : vector<16xf32>
      %mul3A_255 = arith.mulf %add3A_254, %sub3A_248 : vector<16xf32>
      %add3A_256 = arith.constant -0.72383517 : f32
      %add3A_257 = vector.broadcast %add3A_256 : f32 to vector<16xf32>
      %add3A_258 = arith.addf %mul3A_255, %add3A_257 : vector<16xf32>
      %mul3A_259 = arith.mulf %add3A_258, %sub3A_248 : vector<16xf32>
      %add3A_260 = arith.constant 1.44241703 : f32
      %add3A_261 = vector.broadcast %add3A_260 : f32 to vector<16xf32>
      %add3A_262 = arith.addf %mul3A_259, %add3A_261 : vector<16xf32>
      %mul3A_263 = arith.mulf %sub3A_248, %add3A_262 : vector<16xf32>
      %add3A_264 = arith.addf %convert_element_type3A_245, %mul3A_263 : vector<16xf32>
      %bitcast_convert_type3A_265 = tpu.bitcast %get3A_205 : vector<16xf32> -> vector<16xi32>
      %sub3A_266 = arith.constant 1060439283 : i32
      %sub3A_267 = vector.broadcast %sub3A_266 : i32 to vector<16xi32>
      %sub3A_268 = arith.subi %bitcast_convert_type3A_265, %sub3A_267 : vector<16xi32>
      %shift_right_arithmetic3A_269 = arith.constant 23 : i32
      %shift_right_arithmetic3A_270 = vector.broadcast %shift_right_arithmetic3A_269 : i32 to vector<16xi32>
      %shift_right_arithmetic3A_271 = arith.shrsi %sub3A_268, %shift_right_arithmetic3A_270 : vector<16xi32>
      %shift_left3A_272 = arith.constant 23 : i32
      %shift_left3A_273 = vector.broadcast %shift_left3A_272 : i32 to vector<16xi32>
      %shift_left3A_274 = arith.shli %shift_right_arithmetic3A_271, %shift_left3A_273 : vector<16xi32>
      %sub3A_275 = arith.subi %bitcast_convert_type3A_265, %shift_left3A_274 : vector<16xi32>
      %bitcast_convert_type3A_276 = tpu.bitcast %sub3A_275 : vector<16xi32> -> vector<16xf32>
      %convert_element_type3A_277 = arith.sitofp %shift_right_arithmetic3A_271 : vector<16xi32> to vector<16xf32>
      %sub3A_278 = arith.constant 1.000000e+00 : f32
      %sub3A_279 = vector.broadcast %sub3A_278 : f32 to vector<16xf32>
      %sub3A_280 = arith.subf %bitcast_convert_type3A_276, %sub3A_279 : vector<16xf32>
      %mul3A_281 = arith.constant -0.325476557 : f32
      %mul3A_282 = vector.broadcast %mul3A_281 : f32 to vector<16xf32>
      %mul3A_283 = arith.mulf %mul3A_282, %sub3A_280 : vector<16xf32>
      %add3A_284 = arith.constant 0.506281137 : f32
      %add3A_285 = vector.broadcast %add3A_284 : f32 to vector<16xf32>
      %add3A_286 = arith.addf %mul3A_283, %add3A_285 : vector<16xf32>
      %mul3A_287 = arith.mulf %add3A_286, %sub3A_280 : vector<16xf32>
      %add3A_288 = arith.constant -0.72383517 : f32
      %add3A_289 = vector.broadcast %add3A_288 : f32 to vector<16xf32>
      %add3A_290 = arith.addf %mul3A_287, %add3A_289 : vector<16xf32>
      %mul3A_291 = arith.mulf %add3A_290, %sub3A_280 : vector<16xf32>
      %add3A_292 = arith.constant 1.44241703 : f32
      %add3A_293 = vector.broadcast %add3A_292 : f32 to vector<16xf32>
      %add3A_294 = arith.addf %mul3A_291, %add3A_293 : vector<16xf32>
      %mul3A_295 = arith.mulf %sub3A_280, %add3A_294 : vector<16xf32>
      %add3A_296 = arith.addf %convert_element_type3A_277, %mul3A_295 : vector<16xf32>
      %mul3A_297 = arith.mulf %add3A_232, %add3A_232 : vector<16xf32>
      %mul3A_298 = arith.mulf %add3A_264, %add3A_264 : vector<16xf32>
      %mul3A_299 = arith.mulf %add3A_296, %add3A_296 : vector<16xf32>
      %mul3A_300 = arith.constant 2.000000e+00 : f32
      %mul3A_301 = vector.broadcast %mul3A_300 : f32 to vector<16xf32>
      %mul3A_302 = arith.mulf %get3A_195, %mul3A_301 : vector<16xf32>
      %exp3A = math.exp %mul3A_302 : vector<16xf32>
      %mul3A_303 = arith.mulf %mul3A_298, %mul3A_299 : vector<16xf32>
      %mul3A_304 = arith.mulf %exp3A, %mul3A_303 : vector<16xf32>
      %mul3A_305 = arith.constant 2.000000e+00 : f32
      %mul3A_306 = vector.broadcast %mul3A_305 : f32 to vector<16xf32>
      %mul3A_307 = arith.mulf %get3A_197, %mul3A_306 : vector<16xf32>
      %exp3A_308 = math.exp %mul3A_307 : vector<16xf32>
      %mul3A_309 = arith.mulf %mul3A_297, %mul3A_299 : vector<16xf32>
      %mul3A_310 = arith.mulf %exp3A_308, %mul3A_309 : vector<16xf32>
      %mul3A_311 = arith.constant 2.000000e+00 : f32
      %mul3A_312 = vector.broadcast %mul3A_311 : f32 to vector<16xf32>
      %mul3A_313 = arith.mulf %get3A_199, %mul3A_312 : vector<16xf32>
      %exp3A_314 = math.exp %mul3A_313 : vector<16xf32>
      %mul3A_315 = arith.mulf %mul3A_297, %mul3A_298 : vector<16xf32>
      %mul3A_316 = arith.mulf %exp3A_314, %mul3A_315 : vector<16xf32>
      %add3A_317 = arith.addf %mul3A_304, %mul3A_310 : vector<16xf32>
      %add3A_318 = arith.addf %add3A_317, %mul3A_316 : vector<16xf32>
      %div3A = arith.constant 1.000000e+00 : f32
      %div3A_319 = vector.broadcast %div3A : f32 to vector<16xf32>
      %div3A_320 = arith.divf %div3A_319, %add3A_318 : vector<16xf32>
      %mul3A_321 = arith.mulf %mul3A_304, %div3A_320 : vector<16xf32>
      %swap3A = arith.index_cast %add3A_190 : i32 to index
      %swap3A_322 = tpu.vector_load %arg9[%swap3A] {strides = array<i32>} : memref<18432xf32, #tpu.memory_space<vmem>>, vector<16xf32>,
      tpu.vector_store %arg9[%swap3A], %mul3A_321 {strides = array<i32>} : memref<18432xf32, #tpu.memory_space<vmem>>, vector<16xf32>,
      %mul3A_323 = arith.mulf %mul3A_310, %div3A_320 : vector<16xf32>
      %swap3A_324 = arith.index_cast %add3A_192 : i32 to index
      %swap3A_325 = tpu.vector_load %arg9[%swap3A_324] {strides = array<i32>} : memref<18432xf32, #tpu.memory_space<vmem>>, vector<16xf32>,
      tpu.vector_store %arg9[%swap3A_324], %mul3A_323 {strides = array<i32>} : memref<18432xf32, #tpu.memory_space<vmem>>, vector<16xf32>,
      %mul3A_326 = arith.mulf %mul3A_316, %div3A_320 : vector<16xf32>
      %swap3A_327 = arith.index_cast %add3A_194 : i32 to index
      %swap3A_328 = tpu.vector_load %arg9[%swap3A_327] {strides = array<i32>} : memref<18432xf32, #tpu.memory_space<vmem>>, vector<16xf32>,
      tpu.vector_store %arg9[%swap3A_327], %mul3A_326 {strides = array<i32>} : memref<18432xf32, #tpu.memory_space<vmem>>, vector<16xf32>,
    }
    %scan3A_172 = arith.constant 384 : i32
    %add3A_173 = arith.constant 265 : i32
    %add3A_174 = arith.addi %min3A_3, %add3A_173 : i32
    %mul3A_175 = arith.constant 384 : i32
    %mul3A_176 = arith.muli %add3A_174, %mul3A_175 : i32
    %dma_start3A_177 = tpu.memref_slice %arg4[%mul3A_176] : memref<3840000xf32, #tpu.memory_space<hbm>> -> memref<18432xf32, #tpu.memory_space<hbm>>
    %dma_start3A_178 = tpu.memref_slice %arg4[%mul3A_176] : memref<3840000xf32, #tpu.memory_space<hbm>> -> memref<18432xf32, #tpu.memory_space<hbm>>
    tpu.enqueue_dma source(%arg9 : memref<18432xf32, #tpu.memory_space<vmem>>) target(%dma_start3A_178 : memref<18432xf32, #tpu.memory_space<hbm>>) target_semaphore(%arg15 : memref<!tpu.dma_semaphore, #tpu.memory_space<semaphore_mem>>)
    %dma_wait3A_179 = tpu.memref_slice %arg4[%mul3A_158] : memref<3840000xf32, #tpu.memory_space<hbm>> -> memref<18432xf32, #tpu.memory_space<hbm>>
    %dma_wait3A_180 = tpu.memref_slice %arg4[%mul3A_158] : memref<3840000xf32, #tpu.memory_space<hbm>> -> memref<18432xf32, #tpu.memory_space<hbm>>
    tpu.wait_dma2 semaphore(%arg16 : memref<!tpu.dma_semaphore, #tpu.memory_space<semaphore_mem>>) src(%arg10 : memref<18432xf32, #tpu.memory_space<vmem>>) dst(%dma_wait3A_180 : memref<18432xf32, #tpu.memory_space<hbm>>)
    %dma_wait3A_181 = tpu.memref_slice %arg4[%mul3A_176] : memref<3840000xf32, #tpu.memory_space<hbm>> -> memref<18432xf32, #tpu.memory_space<hbm>>
    %dma_wait3A_182 = tpu.memref_slice %arg4[%mul3A_176] : memref<3840000xf32, #tpu.memory_space<hbm>> -> memref<18432xf32, #tpu.memory_space<hbm>>
    tpu.wait_dma2 semaphore(%arg15 : memref<!tpu.dma_semaphore, #tpu.memory_space<semaphore_mem>>) src(%arg9 : memref<18432xf32, #tpu.memory_space<vmem>>) dst(%dma_wait3A_182 : memref<18432xf32, #tpu.memory_space<hbm>>)
    return
  }
}

</mosaic_0001>

<sc_bundles>
// kernel: kernel.3.cloned.1.call-start
scs
__scs_entry_jumppad:
0x0: {  	(pc) =	sbr.rel $0x88, $3  }
0x1: {  	(tag) =	ssettag $0x0;
	lr =	simm.s32 $0x1  }
0x2: {  	[smem:$0x3F9F] =	sst lr;
	_ =	strace $0xD0000000  }
0x3: {  	_ = 	snop  }
0x4: {  	_ = 	snop  }
0x5: {  	_ = 	snop  }
0x6: {  	_ = 	snop  }
0x7: {  	_ = 	snop  }
__scs_overlays_trampoline_lowered:
0x8: {  	[smem:$0x3FAE] =	sst s0  }
0x9: {  	[smem:$0x3FAF] =	sst s1  }
0xa: {  	[smem:$0x3FB0] =	sst s2  }
0xb: {  	[smem:$0x3FB1] =	sst s3  }
0xc: {  	[smem:$0x3FB2] =	sst s4  }
0xd: {  	[smem:$0x3FB3] =	sst s5  }
0xe: {  	[smem:$0x3FB4] =	sst s6  }
0xf: {  	[smem:$0x3FB5] =	sst s7  }
0x10: {  	[smem:$0x3FB6] =	sst s8  }
0x11: {  	[smem:$0x3FB7] =	sst s9;
	s0 =	simm.s32 @!p0 $0x0  }
0x12: {  	s1 =	sld [smem:$0x3F9D];
	s0 =	simm.s32 @p0 $0x1  }
0x13: {  	[smem:$0x3FB8] =	sst s0;
	s0 =	simm.s32 @!p1 $0x0  }
0x14: {  	s2 =	sld [smem:$0x3F9C];
	s0 =	simm.s32 @p1 $0x1  }
0x15: {  	[smem:$0x3FB9] =	sst s0;
	s0 =	simm.s32 @!p2 $0x0  }
0x16: {  	s3 =	sld [smem:$0x3FDB];
	s0 =	simm.s32 @p2 $0x1  }
0x17: {  	s4 =	simm.s32 $0x1BF5;
	[smem:$0x3FBB] =	sst s0  }
0x18: {  	s0 =	sld [smem:$0x3F9E];
	_ =	swait.ge [sflag:s4], $0x0  }
0x19: {  	s7 =	sld [smem:$0x3F9F]  }
0x1a: {  	s8 =	sadd.s32 $0xFFFFE003, lr  }
0x1b: {  	s9 =	sadd.s32 $0xFFFFFEF7, lr;
	s5 =	simm.s32 $0xFFFFFFFF;
	p2 =	slt.u32 s8, $0xFFFFF086  }
0x1c: {  	p1 =	slt.u32 s9, $0xF7A;
	s5 =	simm.s32 @!p2 $0x0  }
0x1d: {  	s5 =	simm.s32 @p1 $0x1;
	p0 =	seq.s32 s7, s2  }
0x1e: {  	s7 =	smul.u32 @!p0 $0xF7A, s2;
	p2 =	seq.s32 @!p0 s5, $0x0  }
0x1f: {  	s9 =	smul.u32 $0xF7A, s1;
	s8 =	simm.s32 @!p0 $0x1BF5;
	p2 =	por !p2, p0  }
0x20: {  	[sflag:s8] =	ssyncset.s32 @!p0 $0xFFFFF086;
	s6 =	sadd.s32 @!p0 s3, s7;
	s7 =	simm.s32 @!p0 $0x108  }
0x21: {  	s3 =	sadd.s32 s3, s9;
	s6 =	sadd.s32 @!p0 $0x88, s6;
	s7 =	simm.s32 @p2 $0x1082  }
0x22: {  	[simem:s7], [sflag:s8] =	dma.local @!p0 [hbm:s6], $0xF7A  }
0x23: {  	s9 =	sor.u32 $0xD0000000, s2;
	s6 =	simm.s32 $0x108;
	_ =	swait.ge @!p0 [sflag:s8], $0x0  }
0x24: {  	s3 =	sadd.s32 $0x88, s3;
	s6 =	simm.s32 @!p1 $0x1082;
	[sflag:s4] =	ssyncset.s32 $0xFFFFF086  }
0x25: {  	[simem:s6], [sflag:s4] =	dma.local [hbm:s3], $0xF7A  }
0x26: {  	[smem:$0x3F9F] =	sst s1;
	(tag) =	ssettag s2;
	_ =	strace s9  }
0x27: {  	s1 =	sld [smem:$0x3FAF]  }
0x28: {  	s2 =	sld [smem:$0x3FB0]  }
0x29: {  	s4 =	sld [smem:$0x3FB2]  }
0x2a: {  	p0 =	seq.s32 s5, $0x0;
	s5 =	sld [smem:$0x3FB3]  }
0x2b: {  	s6 =	sld [smem:$0x3FB4]  }
0x2c: {  	s7 =	sld [smem:$0x3FB5]  }
0x2d: {  	s3 =	simm.s32 $0x108;
	s8 =	sld [smem:$0x3FB6]  }
0x2e: {  	s3 =	simm.s32 @!p0 $0x1082;
	s9 =	sld [smem:$0x3FB7]  }
0x2f: {  	lr =	sadd.s32 s0, s3;
	s0 =	sld [smem:$0x3FAE]  }
0x30: {  	s3 =	sld [smem:$0x3FB1]  }
0x31: {  	[smem:$0x3FBA] =	sst s10  }
0x32: {  	s10 =	sld [smem:$0x3FB8];
	_ =	sdelay $0x3  }
0x33: {  	p0 =	seq.s32 s10, $0x1;
	s10 =	sld [smem:$0x3FBA];
	_ =	sdelay $0x3  }
0x34: {  	[smem:$0x3FBA] =	sst s10  }
0x35: {  	s10 =	sld [smem:$0x3FB9];
	_ =	sdelay $0x3  }
0x36: {  	p1 =	seq.s32 s10, $0x1;
	s10 =	sld [smem:$0x3FBA];
	_ =	sdelay $0x3  }
0x37: {  	[smem:$0x3FBA] =	sst s10  }
0x38: {  	s10 =	sld [smem:$0x3FBB]  }
0x39: {  	_ = 	snop;
	(pc) =	sbr.ind lr, $3  }
0x3a: {  	_ = 	snop  }
0x3b: {  	_ = 	snop  }
0x3c: {  	p2 =	seq.s32 s10, $0x1;
	s10 =	sld [smem:$0x3FBA]  }
0x3d: {  	_ =	shalt  }
0x3e: {  	_ =	shalt  }
0x3f: {  	_ =	shalt  }
0x40: {  	_ =	shalt  }
0x41: {  	_ =	shalt  }
0x42: {  	_ =	shalt  }
0x43: {  	_ =	shalt  }
0x44: {  	_ =	shalt  }
0x45: {  	_ =	shalt  }
0x46: {  	_ =	shalt  }
0x47: {  	_ =	shalt  }
0x48: {  	_ =	shalt  }
0x49: {  	_ =	shalt  }
0x4a: {  	_ =	shalt  }
0x4b: {  	_ =	shalt  }
0x4c: {  	_ =	shalt  }
0x4d: {  	_ =	shalt  }
0x4e: {  	_ =	shalt  }
0x4f: {  	_ =	shalt  }
0x50: {  	_ =	shalt  }
0x51: {  	_ =	shalt  }
0x52: {  	_ =	shalt  }
0x53: {  	_ =	shalt  }
0x54: {  	_ =	shalt  }
0x55: {  	_ =	shalt  }
0x56: {  	_ =	shalt  }
0x57: {  	_ =	shalt  }
0x58: {  	_ =	shalt  }
0x59: {  	_ =	shalt  }
0x5a: {  	_ =	shalt  }
0x5b: {  	_ =	shalt  }
0x5c: {  	_ =	shalt  }
0x5d: {  	_ =	shalt  }
0x5e: {  	_ =	shalt  }
0x5f: {  	_ =	shalt  }
0x60: {  	_ =	shalt  }
0x61: {  	_ =	shalt  }
0x62: {  	_ =	shalt  }
0x63: {  	_ =	shalt  }
0x64: {  	_ =	shalt  }
0x65: {  	_ =	shalt  }
0x66: {  	_ =	shalt  }
0x67: {  	_ =	shalt  }
0x68: {  	_ =	shalt  }
0x69: {  	_ =	shalt  }
0x6a: {  	_ =	shalt  }
0x6b: {  	_ =	shalt  }
0x6c: {  	_ =	shalt  }
0x6d: {  	_ =	shalt  }
0x6e: {  	_ =	shalt  }
0x6f: {  	_ =	shalt  }
0x70: {  	_ =	shalt  }
0x71: {  	_ =	shalt  }
0x72: {  	_ =	shalt  }
0x73: {  	_ =	shalt  }
0x74: {  	_ =	shalt  }
0x75: {  	_ =	shalt  }
0x76: {  	_ =	shalt  }
0x77: {  	_ =	shalt  }
0x78: {  	_ =	shalt  }
0x79: {  	_ =	shalt  }
0x7a: {  	_ =	shalt  }
0x7b: {  	_ =	shalt  }
0x7c: {  	_ =	shalt  }
0x7d: {  	_ =	shalt  }
0x7e: {  	_ =	shalt  }
0x7f: {  	_ =	shalt  }
0x80: {  	_ =	shalt  }
0x81: {  	_ =	shalt  }
0x82: {  	_ =	shalt  }
0x83: {  	_ =	shalt  }
0x84: {  	_ =	shalt  }
0x85: {  	_ =	shalt  }
0x86: {  	_ =	shalt  }
0x87: {  	_ =	shalt  }
.Lfunc_end0:
.L_simem_size_0:
called_computation_lowered:
.L_overlay_start_0:
0x88: {  	s2 =	sld [smem:$0x3FD9]  }
0x89: {  	s3 =	sld [smem:$0x3FFE];
	_ =	sdelay $0x1  }
0x8a: {  	s1 =	srdreg.scid  }
0x8b: {  	s0 =	sand.u32 $0x1, s1  }
0x8c: {  	s18 =	sshll.u32 s0, $0xA;
	s2 =	sadd.s32 s3, s2  }
0x8d: {  	s2 =	sadd.s32 s2, s18  }
0x8e: {  	[smem:$0x3FC6] =	sst s2  }
0x8f: {  	_ = 	snop  }
0x90: {  	s2 =	sld [smem:$0x3FC9]  }
0x91: {  	s19 =	sld [smem:$0x3FC8]  }
0x92: {  	s4 =	sld [smem:$0x3FD0];
	(tm) =	ssettm $0x1  }
0x93: {  	s5 =	sld [smem:$0x3FFB];
	_ =	sdelay $0x3  }
0x94: {  	_ =	strace s5  }
0x95: {  	s5 =	sld [smem:$0x3FFC];
	_ =	sdelay $0x3  }
0x96: {  	_ =	strace s5  }
0x97: {  	s5 =	sld [smem:$0x3FFD];
	_ =	sdelay $0x3  }
0x98: {  	_ =	strace s5  }
0x99: {  	_ =	strace $0x8FFFFFFF  }
0x9a: {  	s20 =	sld [smem:$0x3FDB];
	_ =	sdelay $0x1  }
0x9b: {  	s6 =	simm.s32 $_scs_section_size  }
0x9c: {  	s7 =	simm.s32 $_size__tile_overlayer_lowered;
	s8 =	simm.s32 $_tile_overlayer_lowered  }
0x9d: {  	s23 =	simm.s32 $0x1BFF;
	s22 =	sshll.u32 s8, $0x1;
	s5 =	sadd.s32 s6, s20  }
0x9e: {  	s9 =	simm.s32 $0x0;
	s21 =	sshll.u32 s7, $0x1;
	s7 =	sadd.s32 s22, s5  }
0x9f: {  	[timem:s9], [sflag:s23] =	dma.local [hbm:s7], s21  }
0xa0: {  	_ =	swait.ge [sflag:s23], s21  }
0xa1: {  	s6 =	ssub.s32 $0x0, s21;
	[sflag:s23] =	ssyncset.done $0x0  }
0xa2: {  	[sflag:s23] =	ssyncadd.s32 s6;
	_ =	sdelay $0x1  }
0xa3: {  	s24 =	simm.s32 $0x1B8B  }
0xa4: {  	_ =	swait.ge [sflag:s24], $0x1  }
0xa5: {  	[sflag:s24] =	ssyncset.done $0x0  }
0xa6: {  	s25 =	simm.s32 $0x1B8E;
	[sflag:s24] =	ssyncadd.s32 $0xFFFFFFFF  }
0xa7: {  	s26 =	simm.s32 $execute0_lowered;
	[smem:$0x3FD2] =	sst s25  }
0xa8: {  	s6 =	sshll.u32 s26, $0x1;
	_ =	strace $0x80000046;
	[dreg:$0x1] =	wrdreg $0xFFFFFFFF  }
0xa9: {  	s28 =	simm.s32 $_size_execute0_lowered;
	s5 =	sadd.s32 s5, s6;
	[dreg:$0x0] =	wrdreg $0x0  }
0xaa: {  	s6 =	sshll.u32 s28, $0x1;
	[dreg:$0x2] =	wrdreg s5  }
0xab: {  	[dreg:$0x3] =	wrdreg s6  }
0xac: {  	[dreg:$0x4] =	wrdreg $0xC0  }
0xad: {  	_ =	task [dreg:s9], $0x5FFFF  }
0xae: {  	[dreg:$0x1] =	wrdreg $0xFFFFFFFF  }
0xaf: {  	[dreg:$0x0] =	wrdreg $0x60  }
0xb0: {  	[dreg:$0x2] =	wrdreg s2  }
0xb1: {  	[dreg:$0x3] =	wrdreg s19  }
0xb2: {  	[dreg:$0x4] =	wrdreg s4  }
0xb3: {  	[dreg:$0x5] =	wrdreg $0x9  }
0xb4: {  	_ =	task.clear_ibuf [dreg:s9], $0x6FFFF;
	_ =	strace $0x90000046  }
0xb5: {  	s29 =	simm.s32 $0x9;
	_ =	strace $0x80000048  }
0xb6: {  	_ =	swait.ge [sflag:s29], $0x1  }
0xb7: {  	[sflag:s29] =	ssyncadd.s32 $0xFFFFFFFF  }
0xb8: {  	_ =	strace $0x90000048  }
0xb9: {  	_ =	sfence  }
0xba: {  	s30 =	sld [smem:$0x0];
	_ =	sdelay $0x2  }
0xbb: {  	s31 =	sshll.u32 s1, $0xD;
	s1 =	sshrl.u32 s1, $0x2  }
0xbc: {  	s3 =	sand.u32 $0x4000, s31;
	s1 =	sadd.s32 s1, s30  }
0xbd: {  	s0 =	sor.u32 s3, s0;
	s1 =	sshll.u32 s1, $0x11  }
0xbe: {  	s0 =	sor.u32 s1, s0  }
0xbf: {  	s0 =	sadd.s32 $0x8F2B, s0  }
0xc0: {  	[sflag:s0] =	ssyncadd.remote.s32 $0x1  }
0xc1: {  	_ =	sfence.sel $0xFFFF  }
0xc2: {  	[dreg:$0x0] =	wrdreg $0xFFFFFFFF;
	(pc) =	sbr.abs _section_cstart, $3  }
0xc3: {  	[dreg:$0x1] =	wrdreg $0xFFFFFFFF  }
0xc4: {  	_ =	task.clear_ibuf [dreg:s9], $0x2FFFF;
	_ =	strace $0x9FFFFFFF  }
0xc5: {  	(tm) =	ssettm $0x7FFFFFFF  }
tec
execute0_lowered:
.L_overlay_start_1:
0x0: {  	(tag) =	ssettag $0x1  }
0x1: {  	s0 =	srdreg.scid;
	s1 =	stileid.u32  }
0x2: {  	s0 =	sand.u32 $0x1, s0;
	s1 =	sshll.u32 s1, $0x1  }
0x3: {  	s1 =	sor.u32 s0, s1  }
0x4: {  	s3 =	rddreg [dreg:$0x0];
	s1 =	smul.u32 $0x139, s1  }
0x5: {  	s4 =	rddreg [dreg:$0x1]  }
0x6: {  	s5 =	rddreg [dreg:$0x2];
	s2 =	simm.s32 $0x0;
	s1 =	smin.u32 s1, $0x25D7  }
0x7: {  	s28 =	simm.s32 $0xD800;
	s29 =	simm.s32 $0x1;
	s6 =	smul.u32 $0x180, s1  }
0x8: {  	s30 =	simm.s32 $0x3;
	s0 =	ssub.s32 $0x2, s0;
	s1 =	smul.u32 $0x30, s1  }
0x9: {  	s31 =	simm.s32 $0x12000;
	[smem:$0x7FF] =	sst s2;
	s7 =	sshrl.u32 s0, $0x1  }
0xa: {  	_ =	strace $0x80000047;
	s0 =	ssub.s32 s0, s7;
	s8 =	sadd.s32 s3, s1  }
0xb: {  	s6 =	sshrl.u32 s6, $0x3;
	s16 =	sadd.s32 s4, s1;
	[dreg:$0x4] =	wrdreg s8  }
0xc: {  	s1 =	sadd.s32 s5, s1;
	s15 =	sadd.s32 $0x900, s6;
	[dreg:$0x5] =	wrdreg s16  }
0xd: {  	[dreg:$0x8] =	wrdreg s1;
	s19 =	sadd.s32 $0x1200, s6;
	s17 =	sadd.s32 s3, s15  }
0xe: {  	s22 =	sadd.s32 $0x1B00, s6;
	s18 =	sadd.s32 s4, s15;
	[dreg:$0x6] =	wrdreg s17  }
0xf: {  	s24 =	sadd.s32 $0x2400, s6;
	s20 =	sadd.s32 s3, s19;
	[dreg:$0x7] =	wrdreg s18  }
0x10: {  	s26 =	sadd.s32 $0x2D00, s6;
	s21 =	sadd.s32 s4, s19;
	[dreg:$0x9] =	wrdreg s20  }
0x11: {  	s6 =	sadd.s32 $0x31B0, s6;
	s7 =	sadd.s32 s5, s15;
	[dreg:$0xa] =	wrdreg s21  }
0x12: {  	s23 =	sadd.s32 s3, s22;
	s9 =	sadd.s32 s4, s22;
	[dreg:$0xb] =	wrdreg s7  }
0x13: {  	s1 =	sadd.s32 s5, s19;
	s25 =	sadd.s32 s3, s24;
	[dreg:$0xc] =	wrdreg s23  }
0x14: {  	s15 =	sadd.s32 s4, s24;
	s16 =	sadd.s32 s5, s22;
	[dreg:$0xd] =	wrdreg s9  }
0x15: {  	s19 =	sadd.s32 s5, s24;
	s22 =	sadd.s32 s5, s26;
	[dreg:$0xe] =	wrdreg s1  }
0x16: {  	s24 =	smax.u32 s0, $0x1;
	s0 =	simm.s32 $0x4;
	[dreg:$0xf] =	wrdreg s25  }
0x17: {  	s17 =	sadd.s32 s3, s26;
	s18 =	sadd.s32 s4, s26;
	s20 =	sadd.s32 s3, s6  }
0x18: {  	s21 =	sadd.s32 s4, s6;
	s23 =	sadd.s32 s5, s6;
	s25 =	simm.s32 $0x9000  }
0x19: {  	s26 =	simm.s32 $0x4800;
	s1 =	simm.s32 $0x2;
	s3 =	simm.s32 $0x16800  }
0x1a: {  	s4 =	simm.s32 $0x5;
	s5 =	simm.s32 $0x6;
	s6 =	simm.s32 $0x0  }
.LBB2_1:
0x1b: {  	s7 =	rddreg [dreg:$0x4]  }
0x1c: {  	[tilespmem:s2], [sflag:$0x1] =	stream.linear.gather [hbm4b:s7+s2], $0x4800, $0x38;
	[tilespmem:$0x1B000] =	vst v63  }
0x1d: {  	s8 =	rddreg [dreg:$0x5]  }
0x1e: {  	[tilespmem:s25], [sflag:$0x3] =	stream.linear.gather [hbm4b:s8+s2], $0x4800, $0x38;
	[tilespmem:$0x1B000] =	vst v63  }
0x1f: {  	s9 =	rddreg [dreg:$0x6]  }
0x20: {  	[tilespmem:s26], [sflag:$0x2] =	stream.linear.gather [hbm4b:s9+s2], $0x4800, $0x38;
	[tilespmem:$0x1B000] =	vst v63  }
0x21: {  	s10 =	rddreg [dreg:$0x7]  }
0x22: {  	[tilespmem:s28], [sflag:$0x4] =	stream.linear.gather [hbm4b:s10+s2], $0x4800, $0x38;
	[tilespmem:$0x1B000] =	vst v63  }
0x23: {  	_ =	swait.ge [sflag:s29], $0x4800  }
0x24: {  	[sflag:s29] =	ssyncset.done $0x0  }
0x25: {  	s11 =	simm.s32 $0x0;
	[sflag:s29] =	ssyncadd.s32 $0xFFFFB800  }
0x26: {  	s7 =	smul.u32 $0x180, s11;
	_ =	swait.ge [sflag:s30], $0x4800  }
0x27: {  	s8 =	sand.u32 $0x70, s2;
	[sflag:s30] =	ssyncset.done $0x0  }
0x28: {  	s7 =	sor.u32 s8, s7;
	[sflag:s30] =	ssyncadd.s32 $0xFFFFB800  }
0x29: {  	s12 =	simm.s32 $0x0;
	v0 =	vld [tilespmem:s7+$0x9100]  }
0x2a: {  	s8 =	smul.u32 $0x180, s12;
	s9 =	simm.s32 $0x10;
	v1 =	vld [tilespmem:s7+$0x9000]  }
0x2b: {  	s9 =	sand.u32 $0x70, s9;
	v4 =	vld [tilespmem:s7+$0x0]  }
0x2c: {  	s8 =	sor.u32 s9, s8;
	v10 =	vld [tilespmem:s7+$0x100]  }
0x2d: {  	v12 =	vld [tilespmem:s8+$0x0]  }
0x2e: {  	v13 =	vld [tilespmem:s8+$0x9080]  }
0x2f: {  	v2 =	vld [tilespmem:s7+$0x9080]  }
0x30: {  	v3 =	vadd.s32 $0xC0CAFB0D, v0  }
0x31: {  	v6 =	vadd.s32 $0xC0CAFB0D, v1;
	v4 =	vadd.f32 v4, v4;
	v5 =	vand.u32 $0xFF800000, v3  }
0x32: {  	v10 =	vadd.f32 v10, v10;
	v0 =	vsub.s32 v0, v5;
	v5 =	vand.u32 $0xFF800000, v6  }
0x33: {  	v15 =	vadd.s32 $0xC0CAFB0D, v13;
	v12 =	vadd.f32 v12, v12;
	v1 =	vsub.s32 v1, v5  }
0x34: {  	v3 =	vshra.s32 v3, $0x17;
	v5 =	vadd.s32 $0xC0CAFB0D, v2;
	v1 =	vadd.f32 $-1.000000000e+00, v1  }
0x35: {  	v17 =	vand.u32 $0xFF800000, v15;
	v4 =	vmul.f32 $1.442695020e+00, v4;
	v7 =	vand.u32 $0xFF800000, v5  }
0x36: {  	v6 =	vshra.s32 v6, $0x17;
	v2 =	vsub.s32 v2, v7;
	v7 =	vld [tilespmem:s7+$0x80];
	v9 =	vmul.f32 $3.254765570e-01, v1  }
0x37: {  	v3 =	vcvt.s32.f32 v3;
	v10 =	vmul.f32 $1.442695020e+00, v10;
	v0 =	vadd.f32 $-1.000000000e+00, v0  }
0x38: {  	v12 =	vmul.f32 $1.442695020e+00, v12;
	v2 =	vadd.f32 $-1.000000000e+00, v2;
	v9 =	vsub.f32 $5.062811370e-01, v9  }
0x39: {  	v13 =	vsub.s32 v13, v17;
	v6 =	vcvt.s32.f32 v6;
	v8 =	vmul.f32 $3.254765570e-01, v0  }
0x3a: {  	v5 =	vshra.s32 v5, $0x17;
	v11 =	vmul.f32 $3.254765570e-01, v2;
	v9 =	vmul.f32 v9, v1  }
0x3b: {  	(erf) = vpow2.f32 v4;
	v4 =	vld [tilespmem:s8+$0x9100];
	v8 =	vsub.f32 $5.062811370e-01, v8;
	v7 =	vadd.f32 v7, v7  }
0x3c: {  	v5 =	vcvt.s32.f32 v5;
	v11 =	vsub.f32 $5.062811370e-01, v11;
	v9 =	vadd.f32 $-7.238351700e-01, v9  }
0x3d: {  	v14 =	vld [tilespmem:s8+$0x9000];
	v13 =	vadd.f32 $-1.000000000e+00, v13;
	v8 =	vmul.f32 v8, v0;
	v7 =	vmul.f32 $1.442695020e+00, v7  }
0x3e: {  	v15 =	vshra.s32 v15, $0x17;
	v11 =	vmul.f32 v11, v2;
	v9 =	vmul.f32 v9, v1  }
0x3f: {  	v19 =	vmul.f32 $3.254765570e-01, v13;
	v8 =	vadd.f32 $-7.238351700e-01, v8;
	(erf) = vpow2.f32 v7  }
0x40: {  	v7 =	vadd.f32 $1.442417030e+00, v9;
	v9 =	vadd.f32 $-7.238351700e-01, v11;
	v11 =	vadd.s32 $0xC0CAFB0D, v4  }
0x41: {  	v8 =	vmul.f32 v8, v0;
	(erf) = vpow2.f32 v10;
	v16 =	vand.u32 $0xFF800000, v11  }
0x42: {  	v4 =	vsub.s32 v4, v16;
	v16 =	vadd.s32 $0xC0CAFB0D, v14;
	v1 =	vmul.f32 v7, v1  }
0x43: {  	v7 =	vld [tilespmem:s8+$0x80];
	v9 =	vmul.f32 v9, v2;
	v17 =	vadd.f32 $-1.000000000e+00, v4;
	v4 =	vand.u32 $0xFF800000, v16  }
0x44: {  	(erf) = vpow2.f32 v12;
	v12 =	vsub.f32 $5.062811370e-01, v19;
	v4 =	vsub.s32 v14, v4  }
0x45: {  	v16 =	vshra.s32 v16, $0x17;
	v9 =	vadd.f32 $1.442417030e+00, v9;
	v18 =	vadd.f32 $-1.000000000e+00, v4  }
0x46: {  	s13 =	simm.s32 $0x0;
	v1 =	vadd.f32 v6, v1;
	v14 =	vmul.f32 $3.254765570e-01, v17;
	v4 =	vadd.f32 $1.442417030e+00, v8;
	v8 =	vld [tilespmem:s8+$0x100]  }
0x47: {  	s9 =	smul.u32 $0x180, s13;
	s10 =	simm.s32 $0x20;
	v2 =	vmul.f32 v9, v2;
	v9 =	vshra.s32 v11, $0x17;
	v20 =	vmul.f32 $3.254765570e-01, v18  }
0x48: {  	s10 =	sand.u32 $0x70, s10;
	v14 =	vsub.f32 $5.062811370e-01, v14;
	v0 =	vmul.f32 v4, v0;
	v7 =	vadd.f32 v7, v7  }
0x49: {  	s9 =	sor.u32 s10, s9;
	v9 =	vcvt.s32.f32 v9;
	v2 =	vadd.f32 v5, v2;
	v10 =	vsub.f32 $5.062811370e-01, v20  }
0x4a: {  	v11 =	vld [tilespmem:s9+$0x9080];
	v6 =	vmul.f32 v14, v17;
	v14 =	vmul.f32 v1, v1;
	v0 =	vadd.f32 v3, v0  }
0x4b: {  	v3 =	vmul.f32 $1.442695020e+00, v7;
	v1 =	vadd.f32 v8, v8;
	v4 =	vmul.f32 v10, v18;
	v10 =	vld [tilespmem:s9+$0x0]  }
0x4c: {  	v7 =	vmul.f32 v12, v13;
	v8 =	vcvt.s32.f32 v15;
	v5 =	vadd.f32 $-7.238351700e-01, v6;
	v6 =	vld [tilespmem:s9+$0x9000]  }
0x4d: {  	v15 =	vcvt.s32.f32 v16;
	v16 =	vmul.f32 $1.442695020e+00, v1;
	v1 =	vld [tilespmem:s9+$0x9100]  }
0x4e: {  	v12 =	vmul.f32 v2, v2;
	v0 =	vmul.f32 v0, v0;
	v4 =	vadd.f32 $-7.238351700e-01, v4  }
0x4f: {  	(erf) = vpow2.f32 v3;
	v7 =	vadd.f32 $-7.238351700e-01, v7;
	v5 =	vmul.f32 v5, v17  }
0x50: {  	v19 =	vadd.s32 $0xC0CAFB0D, v11;
	v20 =	vmul.f32 v0, v12;
	v4 =	vmul.f32 v4, v18  }
0x51: {  	v7 =	vmul.f32 v7, v13;
	v5 =	vadd.f32 $1.442417030e+00, v5;
	v2 =	vadd.f32 v10, v10  }
0x52: {  	v22 =	vadd.s32 $0xC0CAFB0D, v6;
	v3 =	vadd.f32 $1.442417030e+00, v4;
	v10 =	vadd.s32 $0xC0CAFB0D, v1  }
0x53: {  	v4 =	vand.u32 $0xFF800000, v19;
	v19 =	vshra.s32 v19, $0x17;
	v21 =	vand.u32 $0xFF800000, v10  }
0x54: {  	v4 =	vsub.s32 v11, v4;
	v11 =	vmul.f32 $1.442695020e+00, v2;
	v1 =	vsub.s32 v1, v21  }
0x55: {  	v21 =	vmul.f32 v0, v14;
	v0 =	vpop (erf);
	v4 =	vadd.f32 $-1.000000000e+00, v4;
	v3 =	vmul.f32 v3, v18  }
0x56: {  	v24 =	vld [tilespmem:s9+$0x100];
	(erf) = vpow2.f32 v16;
	v2 =	vadd.f32 $-1.000000000e+00, v1;
	v0 =	vmul.f32 v20, v0  }
0x57: {  	v1 =	vand.u32 $0xFF800000, v22;
	v23 =	vpop (erf);
	(erf) = vpow2.f32 v11;
	v25 =	vmul.f32 $3.254765570e-01, v4  }
0x58: {  	v1 =	vsub.s32 v6, v1;
	v3 =	vadd.f32 v15, v3;
	v6 =	vmul.f32 $3.254765570e-01, v2  }
0x59: {  	v20 =	vadd.f32 $-1.000000000e+00, v1;
	v1 =	vmul.f32 v21, v23;
	v21 =	vld [tilespmem:s9+$0x80];
	v11 =	vsub.f32 $5.062811370e-01, v25  }
0x5a: {  	v18 =	vshra.s32 v22, $0x17;
	v28 =	vmul.f32 v3, v3;
	v6 =	vsub.f32 $5.062811370e-01, v6  }
0x5b: {  	s14 =	simm.s32 $0x0;
	v15 =	vadd.f32 v24, v24;
	v22 =	vmul.f32 $3.254765570e-01, v20;
	v11 =	vmul.f32 v11, v4  }
0x5c: {  	s11 =	simm.s32 $0x30;
	s10 =	smul.u32 $0x180, s14;
	v23 =	vmul.f32 v6, v2;
	v6 =	vadd.f32 $1.442417030e+00, v7;
	v7 =	vmul.f32 v12, v14  }
0x5d: {  	s12 =	sand.u32 $0x70, s11;
	v12 =	vsub.f32 $5.062811370e-01, v22;
	v14 =	vmul.f32 v5, v17;
	v5 =	vcvt.s32.f32 v19  }
0x5e: {  	s10 =	sor.u32 s12, s10;
	v19 =	vcvt.s32.f32 v18;
	v22 =	vmul.f32 $1.442695020e+00, v15;
	v3 =	vadd.f32 v21, v21  }
0x5f: {  	v15 =	vld [tilespmem:s10+$0x9100];
	v26 =	vadd.f32 $-7.238351700e-01, v11;
	v13 =	vmul.f32 v6, v13;
	v6 =	vshra.s32 v10, $0x17  }
0x60: {  	v16 =	vld [tilespmem:s10+$0x9080];
	v12 =	vmul.f32 v12, v20;
	v9 =	vadd.f32 v9, v14;
	v6 =	vcvt.s32.f32 v6  }
0x61: {  	v10 =	vld [tilespmem:s10+$0x0];
	v17 =	vmul.f32 $1.442695020e+00, v3;
	v30 =	vmul.f32 v26, v4  }
0x62: {  	v12 =	vadd.f32 $-7.238351700e-01, v12;
	v14 =	vpop (erf);
	v8 =	vadd.f32 v8, v13;
	v9 =	vmul.f32 v9, v9  }
0x63: {  	v13 =	vadd.f32 $-7.238351700e-01, v23;
	v3 =	vmul.f32 v7, v14;
	(erf) = vpow2.f32 v17;
	v17 =	vld [tilespmem:s10+$0x9000]  }
0x64: {  	v7 =	vadd.f32 v1, v0;
	v14 =	vadd.s32 $0xC0CAFB0D, v15;
	v12 =	vmul.f32 v12, v20  }
0x65: {  	v29 =	vmul.f32 v8, v8;
	v8 =	vadd.s32 $0xC0CAFB0D, v16;
	v11 =	vmul.f32 v13, v2  }
0x66: {  	v13 =	vand.u32 $0xFF800000, v14;
	v10 =	vadd.f32 v10, v10;
	v7 =	vadd.f32 v7, v3  }
0x67: {  	v13 =	vsub.s32 v15, v13;
	v24 =	vadd.f32 $1.442417030e+00, v12;
	v12 =	vand.u32 $0xFF800000, v8  }
0x68: {  	v15 =	vadd.f32 $-1.000000000e+00, v13;
	v12 =	vsub.s32 v16, v12;
	v25 =	vadd.s32 $0xC0CAFB0D, v17  }
0x69: {  	v16 =	vmul.f32 $1.442695020e+00, v10;
	(erf) = vrcp.f32 v7;
	v10 =	vand.u32 $0xFF800000, v25  }
0x6a: {  	v27 =	vld [tilespmem:s10+$0x100];
	v18 =	vmul.f32 v9, v29;
	v10 =	vsub.s32 v17, v10;
	v17 =	vmul.f32 $3.254765570e-01, v15  }
0x6b: {  	v9 =	vmul.f32 v9, v28;
	v21 =	vadd.f32 $1.442417030e+00, v11;
	v24 =	vmul.f32 v24, v20  }
0x6c: {  	v23 =	vshra.s32 v8, $0x17;
	v13 =	vadd.f32 $-1.000000000e+00, v12;
	v7 =	vpop (erf);
	v8 =	vsub.f32 $5.062811370e-01, v17  }
0x6d: {  	v12 =	vpop (erf);
	v11 =	vmul.f32 v18, v7;
	v26 =	vadd.f32 v19, v24;
	v24 =	vld [tilespmem:s10+$0x80];
	v7 =	vadd.f32 $-1.000000000e+00, v10  }
0x6e: {  	v20 =	vshra.s32 v25, $0x17;
	(erf) = vpow2.f32 v22;
	v18 =	vmul.f32 $3.254765570e-01, v13;
	v10 =	vpop (erf)  }
0x6f: {  	v22 =	vadd.f32 v27, v27;
	v12 =	vmul.f32 v9, v12;
	v25 =	vmul.f32 $3.254765570e-01, v7;
	v9 =	vpop (erf)  }
0x70: {  	s12 =	simm.s32 $0x4;
	v27 =	vadd.f32 $1.442417030e+00, v30;
	v19 =	vmul.f32 v29, v28;
	v17 =	vmul.f32 v8, v15;
	v8 =	vpop (erf)  }
.LBB2_2:
0x71: {  	s13 =	sshrl.u32 s12, $0x3;
	p0 =	sne.s32 s12, $0x17F;
	s12 =	sadd.s32 $0x1, s12;
	v25 =	vsub.f32 $5.062811370e-01, v25;
	v21 =	vmul.f32 v21, v2;
	v28 =	vmul.f32 v26, v26;
	v2 =	vmovc v15  }
0x72: {  	v15 =	vcvt.s32.f32 v23;
	s11 =	sadd.s32 $0x10, s11;
	s13 =	smul.u32 $0x180, s13;
	v23 =	vadd.f32 v24, v24;
	v24 =	vmul.f32 v27, v4;
	v26 =	vpop (erf)  }
0x73: {  	v14 =	vshra.s32 v14, $0x17;
	s14 =	sand.u32 $0x70, s11;
	v4 =	vmovc v13;
	v25 =	vmul.f32 v25, v7;
	v27 =	vmul.f32 v26, v0;
	v0 =	vmovc v11  }
0x74: {  	v11 =	vadd.f32 v6, v21;
	v13 =	vmul.f32 v26, v1;
	v1 =	vmovc v12;
	s13 =	sor.u32 s14, s13;
	(erf) = vpow2.f32 v16  }
0x75: {  	v6 =	vcvt.s32.f32 v14;
	v3 =	vmul.f32 v26, v3;
	v16 =	vsub.f32 $5.062811370e-01, v18;
	v12 =	vld [tilespmem:s13+$0x0];
	[tilespmem:s7+$0x12000] =	vst v27  }
0x76: {  	v22 =	vmul.f32 $1.442695020e+00, v22;
	v26 =	vcvt.s32.f32 v20;
	v14 =	vadd.f32 $-7.238351700e-01, v25;
	v18 =	vld [tilespmem:s13+$0x9080];
	[tilespmem:s7+$0x12080] =	vst v13  }
0x77: {  	v20 =	vmul.f32 $1.442695020e+00, v23;
	v21 =	vadd.f32 v5, v24;
	v5 =	vmovc v15;
	v16 =	vmul.f32 v16, v4;
	v13 =	vld [tilespmem:s13+$0x9100];
	[tilespmem:s7+$0x12100] =	vst v3;
	s7 =	smov.u32 s8;
	s8 =	smov.u32 s9;
	s9 =	smov.u32 s10  }
0x78: {  	v15 =	vadd.f32 v1, v0;
	v14 =	vmul.f32 v14, v7;
	v3 =	vmul.f32 v19, v10;
	s10 =	smov.u32 s13;
	v23 =	vld [tilespmem:s13+$0x9000];
	v10 =	vpop (erf)  }
0x79: {  	v17 =	vadd.f32 $-7.238351700e-01, v17;
	v11 =	vmul.f32 v11, v11;
	(erf) = vpow2.f32 v20  }
0x7a: {  	v29 =	vmul.f32 v21, v21;
	v27 =	vadd.f32 $-7.238351700e-01, v16;
	v19 =	vadd.f32 $1.442417030e+00, v14  }
0x7b: {  	v17 =	vmul.f32 v17, v2;
	v12 =	vadd.f32 v12, v12;
	v20 =	vadd.s32 $0xC0CAFB0D, v18  }
0x7c: {  	v24 =	vmul.f32 v11, v29;
	v16 =	vand.u32 $0xFF800000, v20;
	v14 =	vadd.s32 $0xC0CAFB0D, v13  }
0x7d: {  	v21 =	vadd.f32 v15, v3;
	v18 =	vsub.s32 v18, v16;
	v16 =	vand.u32 $0xFF800000, v14;
	v25 =	vpop (erf)  }
0x7e: {  	v13 =	vsub.s32 v13, v16;
	v16 =	vmul.f32 $1.442695020e+00, v12;
	v12 =	vmul.f32 v11, v28  }
0x7f: {  	v30 =	vadd.s32 $0xC0CAFB0D, v23;
	v15 =	vadd.f32 $-1.000000000e+00, v13;
	(erf) = vrcp.f32 v21  }
0x80: {  	v11 =	vand.u32 $0xFF800000, v30;
	v13 =	vadd.f32 $-1.000000000e+00, v18;
	v21 =	vadd.f32 $1.442417030e+00, v17  }
0x81: {  	v17 =	vsub.s32 v23, v11;
	v11 =	vmul.f32 v24, v9;
	v9 =	vmovc v25;
	v31 =	vld [tilespmem:s10+$0x100];
	v32 =	vmul.f32 $3.254765570e-01, v15  }
.Ltmp0:
0x82: {  	v17 =	vadd.f32 $-1.000000000e+00, v17;
	v12 =	vmul.f32 v12, v8;
	v18 =	vmul.f32 $3.254765570e-01, v13;
	v8 =	vpop (erf);
	(pc) =	sbr.rel @p0 .LBB2_2-.Ltmp0, $4  }
0x83: {  	v19 =	vmul.f32 v19, v7;
	v23 =	vshra.s32 v20, $0x17;
	v24 =	vld [tilespmem:s10+$0x80];
	v32 =	vsub.f32 $5.062811370e-01, v32  }
0x84: {  	v27 =	vmul.f32 v27, v4;
	v20 =	vshra.s32 v30, $0x17;
	v25 =	vmul.f32 $3.254765570e-01, v17;
	v7 =	vmovc v17  }
0x85: {  	v26 =	vadd.f32 v26, v19;
	v17 =	vmul.f32 v32, v15;
	(erf) = vpow2.f32 v22  }
0x86: {  	v27 =	vadd.f32 $1.442417030e+00, v27;
	v19 =	vmul.f32 v29, v28;
	v22 =	vadd.f32 v31, v31  }
0x87: {  	v25 =	vsub.f32 $5.062811370e-01, v25;
	v2 =	vmul.f32 v21, v2;
	v18 =	vsub.f32 $5.062811370e-01, v18  }
0x88: {  	v21 =	vmul.f32 v26, v26;
	v23 =	vcvt.s32.f32 v23;
	v14 =	vshra.s32 v14, $0x17  }
0x89: {  	(erf) = vpow2.f32 v16;
	v17 =	vadd.f32 $-7.238351700e-01, v17;
	v16 =	vmul.f32 v18, v13  }
0x8a: {  	v4 =	vmul.f32 v27, v4;
	v24 =	vadd.f32 v24, v24;
	v14 =	vcvt.s32.f32 v14  }
0x8b: {  	v10 =	vmul.f32 v19, v10;
	v25 =	vmul.f32 v25, v7;
	v16 =	vadd.f32 $-7.238351700e-01, v16  }
0x8c: {  	v19 =	vadd.f32 v12, v11;
	v2 =	vadd.f32 v6, v2;
	v6 =	vcvt.s32.f32 v20  }
0x8d: {  	v20 =	vmul.f32 $1.442695020e+00, v22;
	v18 =	vadd.f32 $-7.238351700e-01, v25;
	v16 =	vmul.f32 v16, v13  }
0x8e: {  	v17 =	vmul.f32 v17, v15;
	v4 =	vadd.f32 v5, v4;
	v5 =	vmul.f32 $1.442695020e+00, v24  }
0x8f: {  	v19 =	vadd.f32 v19, v10;
	v18 =	vmul.f32 v18, v7;
	v16 =	vadd.f32 $1.442417030e+00, v16  }
0x90: {  	v2 =	vmul.f32 v2, v2;
	(erf) = vpow2.f32 v5;
	v5 =	vadd.f32 $1.442417030e+00, v17  }
0x91: {  	v4 =	vmul.f32 v4, v4;
	v17 =	vadd.f32 $1.442417030e+00, v18;
	v13 =	vmul.f32 v16, v13  }
0x92: {  	(erf) = vrcp.f32 v19;
	v5 =	vmul.f32 v5, v15  }
0x93: {  	(erf) = vpow2.f32 v20;
	v7 =	vmul.f32 v17, v7;
	v13 =	vadd.f32 v23, v13  }
0x94: {  	v5 =	vadd.f32 v14, v5  }
0x95: {  	v18 =	vmul.f32 v2, v4;
	v2 =	vmul.f32 v2, v21;
	v6 =	vadd.f32 v6, v7  }
0x96: {  	v4 =	vmul.f32 v4, v21;
	v5 =	vmul.f32 v5, v5  }
0x97: {  	v7 =	vmul.f32 v13, v13;
	v6 =	vmul.f32 v6, v6;
	v13 =	vpop (erf)  }
0x98: {  	v9 =	vmul.f32 v18, v9;
	v2 =	vmul.f32 v2, v8;
	v8 =	vpop (erf)  }
0x99: {  	v14 =	vmul.f32 v5, v7;
	v5 =	vmul.f32 v5, v6;
	v15 =	vpop (erf)  }
0x9a: {  	v6 =	vmul.f32 v7, v6;
	v4 =	vmul.f32 v4, v8;
	v8 =	vadd.f32 v2, v9;
	v16 =	vpop (erf)  }
0x9b: {  	v14 =	vmul.f32 v14, v15;
	v15 =	vpop (erf);
	v5 =	vmul.f32 v5, v16  }
0x9c: {  	v8 =	vadd.f32 v8, v4;
	v7 =	vpop (erf)  }
0x9d: {  	v6 =	vmul.f32 v6, v7;
	v7 =	vadd.f32 v5, v14  }
0x9e: {  	(erf) = vrcp.f32 v8  }
0x9f: {  	v7 =	vadd.f32 v7, v6;
	_ =	sdelay $0x1  }
0xa0: {  	(erf) = vrcp.f32 v7  }
0xa1: {  	v0 =	vmul.f32 v13, v0  }
0xa2: {  	v1 =	vmul.f32 v13, v1  }
0xa3: {  	[tilespmem:s7+$0x12000] =	vst v0;
	v0 =	vmul.f32 v13, v3  }
0xa4: {  	[tilespmem:s7+$0x12080] =	vst v1;
	v1 =	vmul.f32 v15, v11  }
0xa5: {  	[tilespmem:s7+$0x12100] =	vst v0;
	v0 =	vmul.f32 v15, v12  }
0xa6: {  	[tilespmem:s8+$0x12000] =	vst v1;
	v1 =	vmul.f32 v15, v10;
	v3 =	vpop (erf)  }
0xa7: {  	[tilespmem:s8+$0x12080] =	vst v0;
	v0 =	vmul.f32 v3, v9  }
0xa8: {  	[tilespmem:s8+$0x12100] =	vst v1;
	v1 =	vmul.f32 v3, v2  }
0xa9: {  	[tilespmem:s9+$0x12000] =	vst v0;
	v0 =	vmul.f32 v3, v4;
	v2 =	vpop (erf)  }
0xaa: {  	[tilespmem:s9+$0x12080] =	vst v1;
	v1 =	vmul.f32 v2, v14  }
0xab: {  	[tilespmem:s9+$0x12100] =	vst v0;
	v0 =	vmul.f32 v2, v5  }
0xac: {  	[tilespmem:s10+$0x12000] =	vst v1;
	v1 =	vmul.f32 v2, v6  }
0xad: {  	[tilespmem:s10+$0x12080] =	vst v0  }
0xae: {  	s11 =	simm.s32 $0x0;
	s12 =	rddreg [dreg:$0x8];
	[tilespmem:s10+$0x12100] =	vst v1  }
0xaf: {  	[hbm4b:s12+s11] =	stream.linear.scatter [tilespmem:s31], [sflag:$0x5], $0x4800, $0x38;
	[tilespmem:$0x1B000] =	vst v63  }
0xb0: {  	s13 =	rddreg [dreg:$0x9]  }
0xb1: {  	[tilespmem:s11], [sflag:$0x1] =	stream.linear.gather [hbm4b:s13+s11], $0x4800, $0x38;
	[tilespmem:$0x1B000] =	vst v63  }
0xb2: {  	s14 =	rddreg [dreg:$0xa]  }
0xb3: {  	[tilespmem:s25], [sflag:$0x3] =	stream.linear.gather [hbm4b:s14+s11], $0x4800, $0x38;
	[tilespmem:$0x1B000] =	vst v63  }
0xb4: {  	_ =	swait.ge [sflag:s1], $0x4800  }
0xb5: {  	[sflag:s1] =	ssyncset.done $0x0  }
0xb6: {  	s9 =	simm.s32 $0x0;
	[sflag:s1] =	ssyncadd.s32 $0xFFFFB800  }
0xb7: {  	s8 =	smul.u32 $0x180, s9;
	_ =	swait.ge [sflag:s0], $0x4800  }
0xb8: {  	s7 =	sand.u32 $0x70, s11;
	[sflag:s0] =	ssyncset.done $0x0  }
0xb9: {  	s7 =	sor.u32 s7, s8;
	[sflag:s0] =	ssyncadd.s32 $0xFFFFB800  }
0xba: {  	s10 =	simm.s32 $0x0;
	v0 =	vld [tilespmem:s7+$0xD900]  }
0xbb: {  	s8 =	smul.u32 $0x180, s10;
	s11 =	simm.s32 $0x10;
	v1 =	vld [tilespmem:s7+$0xD800]  }
0xbc: {  	s9 =	sand.u32 $0x70, s11;
	v4 =	vld [tilespmem:s7+$0x4800]  }
0xbd: {  	s8 =	sor.u32 s9, s8;
	v10 =	vld [tilespmem:s7+$0x4900]  }
0xbe: {  	v12 =	vld [tilespmem:s8+$0x4800]  }
0xbf: {  	v13 =	vld [tilespmem:s8+$0xD880];
	_ =	sdelay $0x1  }
0xc0: {  	v2 =	vld [tilespmem:s7+$0xD880]  }
0xc1: {  	v3 =	vadd.s32 $0xC0CAFB0D, v0  }
0xc2: {  	v6 =	vadd.s32 $0xC0CAFB0D, v1;
	v4 =	vadd.f32 v4, v4;
	v10 =	vadd.f32 v10, v10  }
0xc3: {  	v15 =	vadd.s32 $0xC0CAFB0D, v13;
	v12 =	vadd.f32 v12, v12;
	v5 =	vand.u32 $0xFF800000, v3  }
0xc4: {  	v3 =	vshra.s32 v3, $0x17;
	v0 =	vsub.s32 v0, v5;
	v5 =	vand.u32 $0xFF800000, v6  }
0xc5: {  	v17 =	vand.u32 $0xFF800000, v15;
	v1 =	vsub.s32 v1, v5;
	v5 =	vadd.s32 $0xC0CAFB0D, v2  }
0xc6: {  	v4 =	vmul.f32 $1.442695020e+00, v4;
	v1 =	vadd.f32 $-1.000000000e+00, v1;
	v7 =	vand.u32 $0xFF800000, v5  }
0xc7: {  	v3 =	vcvt.s32.f32 v3;
	v0 =	vadd.f32 $-1.000000000e+00, v0;
	v2 =	vsub.s32 v2, v7;
	v7 =	vld [tilespmem:s7+$0x4880]  }
0xc8: {  	v6 =	vshra.s32 v6, $0x17;
	v10 =	vmul.f32 $1.442695020e+00, v10;
	v9 =	vmul.f32 $3.254765570e-01, v1  }
0xc9: {  	v13 =	vsub.s32 v13, v17;
	v8 =	vmul.f32 $3.254765570e-01, v0;
	v2 =	vadd.f32 $-1.000000000e+00, v2  }
0xca: {  	v12 =	vmul.f32 $1.442695020e+00, v12;
	v6 =	vcvt.s32.f32 v6;
	v9 =	vsub.f32 $5.062811370e-01, v9  }
0xcb: {  	v13 =	vadd.f32 $-1.000000000e+00, v13;
	v8 =	vsub.f32 $5.062811370e-01, v8;
	v11 =	vmul.f32 $3.254765570e-01, v2  }
0xcc: {  	v5 =	vshra.s32 v5, $0x17;
	v9 =	vmul.f32 v9, v1;
	v7 =	vadd.f32 v7, v7  }
0xcd: {  	(erf) = vpow2.f32 v4;
	v4 =	vld [tilespmem:s8+$0xD900];
	v8 =	vmul.f32 v8, v0;
	v11 =	vsub.f32 $5.062811370e-01, v11  }
0xce: {  	v5 =	vcvt.s32.f32 v5;
	v9 =	vadd.f32 $-7.238351700e-01, v9;
	v7 =	vmul.f32 $1.442695020e+00, v7  }
0xcf: {  	v14 =	vld [tilespmem:s8+$0xD800];
	v19 =	vmul.f32 $3.254765570e-01, v13;
	v8 =	vadd.f32 $-7.238351700e-01, v8;
	v11 =	vmul.f32 v11, v2  }
0xd0: {  	v9 =	vmul.f32 v9, v1;
	(erf) = vpow2.f32 v7  }
0xd1: {  	v15 =	vshra.s32 v15, $0x17;
	v8 =	vmul.f32 v8, v0;
	(erf) = vpow2.f32 v10  }
0xd2: {  	v7 =	vadd.f32 $1.442417030e+00, v9;
	v9 =	vadd.f32 $-7.238351700e-01, v11;
	v11 =	vadd.s32 $0xC0CAFB0D, v4  }
0xd3: {  	(erf) = vpow2.f32 v12;
	v12 =	vsub.f32 $5.062811370e-01, v19;
	v16 =	vand.u32 $0xFF800000, v11  }
0xd4: {  	v4 =	vsub.s32 v4, v16;
	v16 =	vadd.s32 $0xC0CAFB0D, v14;
	v9 =	vmul.f32 v9, v2  }
0xd5: {  	v1 =	vmul.f32 v7, v1;
	v7 =	vld [tilespmem:s8+$0x4880];
	v17 =	vadd.f32 $-1.000000000e+00, v4;
	v4 =	vand.u32 $0xFF800000, v16  }
0xd6: {  	v16 =	vshra.s32 v16, $0x17;
	v4 =	vsub.s32 v14, v4;
	v9 =	vadd.f32 $1.442417030e+00, v9  }
0xd7: {  	v14 =	vmul.f32 $3.254765570e-01, v17;
	v18 =	vadd.f32 $-1.000000000e+00, v4;
	v4 =	vadd.f32 $1.442417030e+00, v8  }
0xd8: {  	s12 =	simm.s32 $0x0;
	v1 =	vadd.f32 v6, v1;
	v8 =	vld [tilespmem:s8+$0x4900];
	v2 =	vmul.f32 v9, v2;
	v9 =	vshra.s32 v11, $0x17  }
0xd9: {  	s13 =	simm.s32 $0x20;
	s9 =	smul.u32 $0x180, s12;
	v14 =	vsub.f32 $5.062811370e-01, v14;
	v20 =	vmul.f32 $3.254765570e-01, v18;
	v0 =	vmul.f32 v4, v0  }
0xda: {  	s10 =	sand.u32 $0x70, s13;
	v7 =	vadd.f32 v7, v7;
	v9 =	vcvt.s32.f32 v9;
	v2 =	vadd.f32 v5, v2  }
0xdb: {  	s9 =	sor.u32 s10, s9;
	v6 =	vmul.f32 v14, v17;
	v10 =	vsub.f32 $5.062811370e-01, v20;
	v14 =	vmul.f32 v1, v1  }
0xdc: {  	v11 =	vld [tilespmem:s9+$0xD880];
	v0 =	vadd.f32 v3, v0;
	v3 =	vmul.f32 $1.442695020e+00, v7;
	v7 =	vmul.f32 v12, v13  }
0xdd: {  	v1 =	vadd.f32 v8, v8;
	v8 =	vcvt.s32.f32 v15;
	v4 =	vmul.f32 v10, v18;
	v10 =	vld [tilespmem:s9+$0x4800]  }
0xde: {  	v15 =	vcvt.s32.f32 v16;
	v12 =	vmul.f32 v2, v2;
	v5 =	vadd.f32 $-7.238351700e-01, v6;
	v6 =	vld [tilespmem:s9+$0xD800]  }
0xdf: {  	v0 =	vmul.f32 v0, v0;
	v16 =	vmul.f32 $1.442695020e+00, v1;
	v1 =	vld [tilespmem:s9+$0xD900];
	v4 =	vadd.f32 $-7.238351700e-01, v4  }
0xe0: {  	(erf) = vpow2.f32 v3;
	v7 =	vadd.f32 $-7.238351700e-01, v7;
	v5 =	vmul.f32 v5, v17  }
0xe1: {  	v19 =	vadd.s32 $0xC0CAFB0D, v11;
	v20 =	vmul.f32 v0, v12;
	v4 =	vmul.f32 v4, v18  }
0xe2: {  	v7 =	vmul.f32 v7, v13;
	(erf) = vpow2.f32 v16;
	v5 =	vadd.f32 $1.442417030e+00, v5  }
0xe3: {  	v2 =	vadd.f32 v10, v10;
	v22 =	vadd.s32 $0xC0CAFB0D, v6;
	v3 =	vadd.f32 $1.442417030e+00, v4  }
0xe4: {  	v10 =	vadd.s32 $0xC0CAFB0D, v1;
	v4 =	vand.u32 $0xFF800000, v19;
	v19 =	vshra.s32 v19, $0x17  }
0xe5: {  	v21 =	vand.u32 $0xFF800000, v10;
	v4 =	vsub.s32 v11, v4;
	v11 =	vmul.f32 $1.442695020e+00, v2  }
0xe6: {  	v1 =	vsub.s32 v1, v21;
	v21 =	vmul.f32 v0, v14;
	v0 =	vpop (erf);
	v4 =	vadd.f32 $-1.000000000e+00, v4  }
0xe7: {  	v24 =	vld [tilespmem:s9+$0x4900];
	v3 =	vmul.f32 v3, v18;
	v2 =	vadd.f32 $-1.000000000e+00, v1;
	v0 =	vmul.f32 v20, v0  }
0xe8: {  	v1 =	vand.u32 $0xFF800000, v22;
	(erf) = vpow2.f32 v11;
	v25 =	vmul.f32 $3.254765570e-01, v4  }
0xe9: {  	v23 =	vpop (erf);
	v1 =	vsub.s32 v6, v1;
	v3 =	vadd.f32 v15, v3;
	v6 =	vmul.f32 $3.254765570e-01, v2  }
0xea: {  	v20 =	vadd.f32 $-1.000000000e+00, v1;
	v1 =	vmul.f32 v21, v23;
	v21 =	vld [tilespmem:s9+$0x4880];
	v11 =	vsub.f32 $5.062811370e-01, v25  }
0xeb: {  	v18 =	vshra.s32 v22, $0x17;
	v28 =	vmul.f32 v3, v3;
	v6 =	vsub.f32 $5.062811370e-01, v6  }
0xec: {  	s14 =	simm.s32 $0x0;
	v15 =	vadd.f32 v24, v24;
	v22 =	vmul.f32 $3.254765570e-01, v20;
	v11 =	vmul.f32 v11, v4  }
0xed: {  	s11 =	simm.s32 $0x30;
	s10 =	smul.u32 $0x180, s14;
	v23 =	vmul.f32 v6, v2;
	v6 =	vadd.f32 $1.442417030e+00, v7;
	v7 =	vmul.f32 v12, v14  }
0xee: {  	s12 =	sand.u32 $0x70, s11;
	v12 =	vsub.f32 $5.062811370e-01, v22;
	v14 =	vmul.f32 v5, v17;
	v5 =	vcvt.s32.f32 v19  }
0xef: {  	s10 =	sor.u32 s12, s10;
	v19 =	vcvt.s32.f32 v18;
	v22 =	vmul.f32 $1.442695020e+00, v15;
	v3 =	vadd.f32 v21, v21  }
0xf0: {  	v15 =	vld [tilespmem:s10+$0xD900];
	v26 =	vadd.f32 $-7.238351700e-01, v11;
	v13 =	vmul.f32 v6, v13;
	v6 =	vshra.s32 v10, $0x17  }
0xf1: {  	v16 =	vld [tilespmem:s10+$0xD880];
	v12 =	vmul.f32 v12, v20;
	v9 =	vadd.f32 v9, v14;
	v6 =	vcvt.s32.f32 v6  }
0xf2: {  	v10 =	vld [tilespmem:s10+$0x4800];
	v17 =	vmul.f32 $1.442695020e+00, v3;
	v30 =	vmul.f32 v26, v4  }
0xf3: {  	v12 =	vadd.f32 $-7.238351700e-01, v12;
	v14 =	vpop (erf);
	v8 =	vadd.f32 v8, v13;
	v9 =	vmul.f32 v9, v9  }
0xf4: {  	v13 =	vadd.f32 $-7.238351700e-01, v23;
	v3 =	vmul.f32 v7, v14;
	(erf) = vpow2.f32 v17;
	v17 =	vld [tilespmem:s10+$0xD800]  }
0xf5: {  	v7 =	vadd.f32 v1, v0;
	v14 =	vadd.s32 $0xC0CAFB0D, v15;
	v12 =	vmul.f32 v12, v20  }
0xf6: {  	v29 =	vmul.f32 v8, v8;
	v8 =	vadd.s32 $0xC0CAFB0D, v16;
	v11 =	vmul.f32 v13, v2  }
0xf7: {  	v13 =	vand.u32 $0xFF800000, v14;
	v10 =	vadd.f32 v10, v10;
	v7 =	vadd.f32 v7, v3  }
0xf8: {  	v13 =	vsub.s32 v15, v13;
	v24 =	vadd.f32 $1.442417030e+00, v12;
	v12 =	vand.u32 $0xFF800000, v8  }
0xf9: {  	v15 =	vadd.f32 $-1.000000000e+00, v13;
	v12 =	vsub.s32 v16, v12;
	v25 =	vadd.s32 $0xC0CAFB0D, v17  }
0xfa: {  	v16 =	vmul.f32 $1.442695020e+00, v10;
	(erf) = vrcp.f32 v7;
	v10 =	vand.u32 $0xFF800000, v25  }
0xfb: {  	v27 =	vld [tilespmem:s10+$0x4900];
	v18 =	vmul.f32 v9, v29;
	v10 =	vsub.s32 v17, v10;
	v17 =	vmul.f32 $3.254765570e-01, v15  }
0xfc: {  	v9 =	vmul.f32 v9, v28;
	v21 =	vadd.f32 $1.442417030e+00, v11;
	v24 =	vmul.f32 v24, v20  }
0xfd: {  	v23 =	vshra.s32 v8, $0x17;
	v13 =	vadd.f32 $-1.000000000e+00, v12;
	v7 =	vpop (erf);
	v8 =	vsub.f32 $5.062811370e-01, v17  }
0xfe: {  	v12 =	vpop (erf);
	v11 =	vmul.f32 v18, v7;
	v26 =	vadd.f32 v19, v24;
	v24 =	vld [tilespmem:s10+$0x4880];
	v7 =	vadd.f32 $-1.000000000e+00, v10  }
0xff: {  	v20 =	vshra.s32 v25, $0x17;
	(erf) = vpow2.f32 v22;
	v18 =	vmul.f32 $3.254765570e-01, v13;
	v10 =	vpop (erf)  }
0x100: {  	v22 =	vadd.f32 v27, v27;
	v12 =	vmul.f32 v9, v12;
	v25 =	vmul.f32 $3.254765570e-01, v7;
	v9 =	vpop (erf)  }
0x101: {  	s12 =	simm.s32 $0x4;
	v27 =	vadd.f32 $1.442417030e+00, v30;
	v19 =	vmul.f32 v29, v28;
	v17 =	vmul.f32 v8, v15;
	v8 =	vpop (erf)  }
.LBB2_4:
0x102: {  	s13 =	sshrl.u32 s12, $0x3;
	p0 =	sne.s32 s12, $0x17F;
	s12 =	sadd.s32 $0x1, s12;
	v25 =	vsub.f32 $5.062811370e-01, v25;
	v21 =	vmul.f32 v21, v2;
	v28 =	vmul.f32 v26, v26;
	v2 =	vmovc v15  }
0x103: {  	v15 =	vcvt.s32.f32 v23;
	s11 =	sadd.s32 $0x10, s11;
	s13 =	smul.u32 $0x180, s13;
	v23 =	vadd.f32 v24, v24;
	v24 =	vmul.f32 v27, v4;
	v26 =	vpop (erf)  }
0x104: {  	v14 =	vshra.s32 v14, $0x17;
	s14 =	sand.u32 $0x70, s11;
	v4 =	vmovc v13;
	v25 =	vmul.f32 v25, v7;
	v27 =	vmul.f32 v26, v0;
	v0 =	vmovc v11  }
0x105: {  	v11 =	vadd.f32 v6, v21;
	v13 =	vmul.f32 v26, v1;
	v1 =	vmovc v12;
	s13 =	sor.u32 s14, s13;
	(erf) = vpow2.f32 v16  }
0x106: {  	v6 =	vcvt.s32.f32 v14;
	v3 =	vmul.f32 v26, v3;
	v16 =	vsub.f32 $5.062811370e-01, v18;
	v12 =	vld [tilespmem:s13+$0x4800];
	[tilespmem:s7+$0x16800] =	vst v27  }
0x107: {  	v22 =	vmul.f32 $1.442695020e+00, v22;
	v26 =	vcvt.s32.f32 v20;
	v14 =	vadd.f32 $-7.238351700e-01, v25;
	v18 =	vld [tilespmem:s13+$0xD880];
	[tilespmem:s7+$0x16880] =	vst v13  }
0x108: {  	v20 =	vmul.f32 $1.442695020e+00, v23;
	v21 =	vadd.f32 v5, v24;
	v5 =	vmovc v15;
	v16 =	vmul.f32 v16, v4;
	v13 =	vld [tilespmem:s13+$0xD900];
	[tilespmem:s7+$0x16900] =	vst v3;
	s7 =	smov.u32 s8;
	s8 =	smov.u32 s9;
	s9 =	smov.u32 s10  }
0x109: {  	v15 =	vadd.f32 v1, v0;
	v14 =	vmul.f32 v14, v7;
	v3 =	vmul.f32 v19, v10;
	s10 =	smov.u32 s13;
	v23 =	vld [tilespmem:s13+$0xD800];
	v10 =	vpop (erf)  }
0x10a: {  	v17 =	vadd.f32 $-7.238351700e-01, v17;
	v11 =	vmul.f32 v11, v11;
	(erf) = vpow2.f32 v20  }
0x10b: {  	v29 =	vmul.f32 v21, v21;
	v27 =	vadd.f32 $-7.238351700e-01, v16;
	v19 =	vadd.f32 $1.442417030e+00, v14  }
0x10c: {  	v17 =	vmul.f32 v17, v2;
	v12 =	vadd.f32 v12, v12;
	v20 =	vadd.s32 $0xC0CAFB0D, v18  }
0x10d: {  	v24 =	vmul.f32 v11, v29;
	v16 =	vand.u32 $0xFF800000, v20;
	v14 =	vadd.s32 $0xC0CAFB0D, v13  }
0x10e: {  	v21 =	vadd.f32 v15, v3;
	v18 =	vsub.s32 v18, v16;
	v16 =	vand.u32 $0xFF800000, v14;
	v25 =	vpop (erf)  }
0x10f: {  	v13 =	vsub.s32 v13, v16;
	v16 =	vmul.f32 $1.442695020e+00, v12;
	v12 =	vmul.f32 v11, v28  }
0x110: {  	v30 =	vadd.s32 $0xC0CAFB0D, v23;
	v15 =	vadd.f32 $-1.000000000e+00, v13;
	(erf) = vrcp.f32 v21  }
0x111: {  	v11 =	vand.u32 $0xFF800000, v30;
	v13 =	vadd.f32 $-1.000000000e+00, v18;
	v21 =	vadd.f32 $1.442417030e+00, v17  }
0x112: {  	v17 =	vsub.s32 v23, v11;
	v11 =	vmul.f32 v24, v9;
	v9 =	vmovc v25;
	v31 =	vld [tilespmem:s10+$0x4900];
	v32 =	vmul.f32 $3.254765570e-01, v15  }
.Ltmp1:
0x113: {  	v17 =	vadd.f32 $-1.000000000e+00, v17;
	v12 =	vmul.f32 v12, v8;
	v18 =	vmul.f32 $3.254765570e-01, v13;
	v8 =	vpop (erf);
	(pc) =	sbr.rel @p0 .LBB2_4-.Ltmp1, $4  }
0x114: {  	v19 =	vmul.f32 v19, v7;
	v23 =	vshra.s32 v20, $0x17;
	v24 =	vld [tilespmem:s10+$0x4880];
	v32 =	vsub.f32 $5.062811370e-01, v32  }
0x115: {  	v27 =	vmul.f32 v27, v4;
	v20 =	vshra.s32 v30, $0x17;
	v25 =	vmul.f32 $3.254765570e-01, v17;
	v7 =	vmovc v17  }
0x116: {  	v26 =	vadd.f32 v26, v19;
	v17 =	vmul.f32 v32, v15;
	(erf) = vpow2.f32 v22  }
0x117: {  	v27 =	vadd.f32 $1.442417030e+00, v27;
	v19 =	vmul.f32 v29, v28;
	v22 =	vadd.f32 v31, v31  }
0x118: {  	v25 =	vsub.f32 $5.062811370e-01, v25;
	v2 =	vmul.f32 v21, v2;
	v18 =	vsub.f32 $5.062811370e-01, v18  }
0x119: {  	v21 =	vmul.f32 v26, v26;
	v23 =	vcvt.s32.f32 v23;
	v14 =	vshra.s32 v14, $0x17  }
0x11a: {  	(erf) = vpow2.f32 v16;
	v17 =	vadd.f32 $-7.238351700e-01, v17;
	v16 =	vmul.f32 v18, v13  }
0x11b: {  	v4 =	vmul.f32 v27, v4;
	v24 =	vadd.f32 v24, v24;
	v14 =	vcvt.s32.f32 v14  }
0x11c: {  	v10 =	vmul.f32 v19, v10;
	v25 =	vmul.f32 v25, v7;
	v16 =	vadd.f32 $-7.238351700e-01, v16  }
0x11d: {  	v19 =	vadd.f32 v12, v11;
	v2 =	vadd.f32 v6, v2;
	v6 =	vcvt.s32.f32 v20  }
0x11e: {  	v20 =	vmul.f32 $1.442695020e+00, v22;
	v18 =	vadd.f32 $-7.238351700e-01, v25;
	v16 =	vmul.f32 v16, v13  }
0x11f: {  	v17 =	vmul.f32 v17, v15;
	v4 =	vadd.f32 v5, v4;
	v5 =	vmul.f32 $1.442695020e+00, v24  }
0x120: {  	v19 =	vadd.f32 v19, v10;
	v18 =	vmul.f32 v18, v7;
	v16 =	vadd.f32 $1.442417030e+00, v16  }
0x121: {  	v2 =	vmul.f32 v2, v2;
	(erf) = vpow2.f32 v5;
	v5 =	vadd.f32 $1.442417030e+00, v17  }
0x122: {  	v4 =	vmul.f32 v4, v4;
	v17 =	vadd.f32 $1.442417030e+00, v18;
	v13 =	vmul.f32 v16, v13  }
0x123: {  	(erf) = vrcp.f32 v19;
	v5 =	vmul.f32 v5, v15  }
0x124: {  	(erf) = vpow2.f32 v20;
	v7 =	vmul.f32 v17, v7;
	v13 =	vadd.f32 v23, v13  }
0x125: {  	v5 =	vadd.f32 v14, v5  }
0x126: {  	v18 =	vmul.f32 v2, v4;
	v2 =	vmul.f32 v2, v21;
	v6 =	vadd.f32 v6, v7  }
0x127: {  	v4 =	vmul.f32 v4, v21;
	v5 =	vmul.f32 v5, v5  }
0x128: {  	v7 =	vmul.f32 v13, v13;
	v6 =	vmul.f32 v6, v6;
	v13 =	vpop (erf)  }
0x129: {  	v9 =	vmul.f32 v18, v9;
	v2 =	vmul.f32 v2, v8;
	v8 =	vpop (erf)  }
0x12a: {  	v14 =	vmul.f32 v5, v7;
	v5 =	vmul.f32 v5, v6;
	v15 =	vpop (erf)  }
0x12b: {  	v6 =	vmul.f32 v7, v6;
	v4 =	vmul.f32 v4, v8;
	v8 =	vadd.f32 v2, v9;
	v16 =	vpop (erf)  }
0x12c: {  	v14 =	vmul.f32 v14, v15;
	v15 =	vpop (erf);
	v5 =	vmul.f32 v5, v16  }
0x12d: {  	v8 =	vadd.f32 v8, v4;
	v7 =	vpop (erf)  }
0x12e: {  	v6 =	vmul.f32 v6, v7;
	v7 =	vadd.f32 v5, v14  }
0x12f: {  	(erf) = vrcp.f32 v8  }
0x130: {  	v7 =	vadd.f32 v7, v6;
	_ =	sdelay $0x1  }
0x131: {  	(erf) = vrcp.f32 v7  }
0x132: {  	v0 =	vmul.f32 v13, v0  }
0x133: {  	v1 =	vmul.f32 v13, v1  }
0x134: {  	[tilespmem:s7+$0x16800] =	vst v0;
	v0 =	vmul.f32 v13, v3  }
0x135: {  	[tilespmem:s7+$0x16880] =	vst v1;
	v1 =	vmul.f32 v15, v11  }
0x136: {  	[tilespmem:s7+$0x16900] =	vst v0;
	v0 =	vmul.f32 v15, v12  }
0x137: {  	[tilespmem:s8+$0x16800] =	vst v1;
	v1 =	vmul.f32 v15, v10;
	v3 =	vpop (erf)  }
0x138: {  	[tilespmem:s8+$0x16880] =	vst v0;
	v0 =	vmul.f32 v3, v9  }
0x139: {  	[tilespmem:s8+$0x16900] =	vst v1;
	v1 =	vmul.f32 v3, v2  }
0x13a: {  	[tilespmem:s9+$0x16800] =	vst v0;
	v0 =	vmul.f32 v3, v4;
	v2 =	vpop (erf)  }
0x13b: {  	[tilespmem:s9+$0x16880] =	vst v1;
	v1 =	vmul.f32 v2, v14  }
0x13c: {  	[tilespmem:s9+$0x16900] =	vst v0;
	v0 =	vmul.f32 v2, v5  }
0x13d: {  	[tilespmem:s10+$0x16800] =	vst v1;
	v1 =	vmul.f32 v2, v6  }
0x13e: {  	[tilespmem:s10+$0x16880] =	vst v0  }
0x13f: {  	s11 =	simm.s32 $0x0;
	s12 =	rddreg [dreg:$0xb];
	[tilespmem:s10+$0x16900] =	vst v1  }
0x140: {  	[hbm4b:s12+s11] =	stream.linear.scatter [tilespmem:s3], [sflag:$0x6], $0x4800, $0x38;
	[tilespmem:$0x1B000] =	vst v63  }
0x141: {  	s13 =	rddreg [dreg:$0xc]  }
0x142: {  	[tilespmem:s26], [sflag:$0x2] =	stream.linear.gather [hbm4b:s13+s11], $0x4800, $0x38;
	[tilespmem:$0x1B000] =	vst v63  }
0x143: {  	s14 =	rddreg [dreg:$0xd]  }
0x144: {  	[tilespmem:s28], [sflag:$0x4] =	stream.linear.gather [hbm4b:s14+s11], $0x4800, $0x38;
	[tilespmem:$0x1B000] =	vst v63  }
0x145: {  	_ =	swait.ge [sflag:s29], $0x4800  }
0x146: {  	[sflag:s29] =	ssyncset.done $0x0  }
0x147: {  	[sflag:s29] =	ssyncadd.s32 $0xFFFFB800  }
0x148: {  	_ =	swait.ge [sflag:s30], $0x4800  }
0x149: {  	[sflag:s30] =	ssyncset.done $0x0  }
0x14a: {  	s9 =	simm.s32 $0x0;
	[sflag:s30] =	ssyncadd.s32 $0xFFFFB800  }
0x14b: {  	s8 =	smul.u32 $0x180, s9;
	_ =	swait.ge [sflag:s4], $0x4800  }
0x14c: {  	s7 =	sand.u32 $0x70, s11;
	[sflag:s4] =	ssyncset.done $0x0  }
0x14d: {  	s7 =	sor.u32 s7, s8;
	[sflag:s4] =	ssyncadd.s32 $0xFFFFB800  }
0x14e: {  	s10 =	simm.s32 $0x0;
	v0 =	vld [tilespmem:s7+$0x9100]  }
0x14f: {  	s8 =	smul.u32 $0x180, s10;
	s11 =	simm.s32 $0x10;
	v1 =	vld [tilespmem:s7+$0x9000]  }
0x150: {  	s9 =	sand.u32 $0x70, s11;
	v4 =	vld [tilespmem:s7+$0x0]  }
0x151: {  	s8 =	sor.u32 s9, s8;
	v10 =	vld [tilespmem:s7+$0x100]  }
0x152: {  	v12 =	vld [tilespmem:s8+$0x0]  }
0x153: {  	v13 =	vld [tilespmem:s8+$0x9080];
	_ =	sdelay $0x1  }
0x154: {  	v2 =	vld [tilespmem:s7+$0x9080]  }
0x155: {  	v3 =	vadd.s32 $0xC0CAFB0D, v0  }
0x156: {  	v6 =	vadd.s32 $0xC0CAFB0D, v1;
	v4 =	vadd.f32 v4, v4;
	v10 =	vadd.f32 v10, v10  }
0x157: {  	v15 =	vadd.s32 $0xC0CAFB0D, v13;
	v12 =	vadd.f32 v12, v12;
	v5 =	vand.u32 $0xFF800000, v3  }
0x158: {  	v3 =	vshra.s32 v3, $0x17;
	v0 =	vsub.s32 v0, v5;
	v5 =	vand.u32 $0xFF800000, v6  }
0x159: {  	v17 =	vand.u32 $0xFF800000, v15;
	v1 =	vsub.s32 v1, v5;
	v5 =	vadd.s32 $0xC0CAFB0D, v2  }
0x15a: {  	v4 =	vmul.f32 $1.442695020e+00, v4;
	v1 =	vadd.f32 $-1.000000000e+00, v1;
	v7 =	vand.u32 $0xFF800000, v5  }
0x15b: {  	v3 =	vcvt.s32.f32 v3;
	v0 =	vadd.f32 $-1.000000000e+00, v0;
	v2 =	vsub.s32 v2, v7;
	v7 =	vld [tilespmem:s7+$0x80]  }
0x15c: {  	v6 =	vshra.s32 v6, $0x17;
	v10 =	vmul.f32 $1.442695020e+00, v10;
	v9 =	vmul.f32 $3.254765570e-01, v1  }
0x15d: {  	v13 =	vsub.s32 v13, v17;
	v8 =	vmul.f32 $3.254765570e-01, v0;
	v2 =	vadd.f32 $-1.000000000e+00, v2  }
0x15e: {  	v12 =	vmul.f32 $1.442695020e+00, v12;
	v6 =	vcvt.s32.f32 v6;
	v9 =	vsub.f32 $5.062811370e-01, v9  }
0x15f: {  	v13 =	vadd.f32 $-1.000000000e+00, v13;
	v8 =	vsub.f32 $5.062811370e-01, v8;
	v11 =	vmul.f32 $3.254765570e-01, v2  }
0x160: {  	v5 =	vshra.s32 v5, $0x17;
	v9 =	vmul.f32 v9, v1;
	v7 =	vadd.f32 v7, v7  }
0x161: {  	(erf) = vpow2.f32 v4;
	v4 =	vld [tilespmem:s8+$0x9100];
	v8 =	vmul.f32 v8, v0;
	v11 =	vsub.f32 $5.062811370e-01, v11  }
0x162: {  	v5 =	vcvt.s32.f32 v5;
	v9 =	vadd.f32 $-7.238351700e-01, v9;
	v7 =	vmul.f32 $1.442695020e+00, v7  }
0x163: {  	v14 =	vld [tilespmem:s8+$0x9000];
	v19 =	vmul.f32 $3.254765570e-01, v13;
	v8 =	vadd.f32 $-7.238351700e-01, v8;
	v11 =	vmul.f32 v11, v2  }
0x164: {  	v9 =	vmul.f32 v9, v1;
	(erf) = vpow2.f32 v7  }
0x165: {  	v15 =	vshra.s32 v15, $0x17;
	v8 =	vmul.f32 v8, v0;
	(erf) = vpow2.f32 v10  }
0x166: {  	v7 =	vadd.f32 $1.442417030e+00, v9;
	v9 =	vadd.f32 $-7.238351700e-01, v11;
	v11 =	vadd.s32 $0xC0CAFB0D, v4  }
0x167: {  	(erf) = vpow2.f32 v12;
	v12 =	vsub.f32 $5.062811370e-01, v19;
	v16 =	vand.u32 $0xFF800000, v11  }
0x168: {  	v4 =	vsub.s32 v4, v16;
	v16 =	vadd.s32 $0xC0CAFB0D, v14;
	v9 =	vmul.f32 v9, v2  }
0x169: {  	v1 =	vmul.f32 v7, v1;
	v7 =	vld [tilespmem:s8+$0x80];
	v17 =	vadd.f32 $-1.000000000e+00, v4;
	v4 =	vand.u32 $0xFF800000, v16  }
0x16a: {  	v16 =	vshra.s32 v16, $0x17;
	v4 =	vsub.s32 v14, v4;
	v9 =	vadd.f32 $1.442417030e+00, v9  }
0x16b: {  	v14 =	vmul.f32 $3.254765570e-01, v17;
	v18 =	vadd.f32 $-1.000000000e+00, v4;
	v4 =	vadd.f32 $1.442417030e+00, v8  }
0x16c: {  	s12 =	simm.s32 $0x0;
	v1 =	vadd.f32 v6, v1;
	v8 =	vld [tilespmem:s8+$0x100];
	v2 =	vmul.f32 v9, v2;
	v9 =	vshra.s32 v11, $0x17  }
0x16d: {  	s13 =	simm.s32 $0x20;
	s9 =	smul.u32 $0x180, s12;
	v14 =	vsub.f32 $5.062811370e-01, v14;
	v20 =	vmul.f32 $3.254765570e-01, v18;
	v0 =	vmul.f32 v4, v0  }
0x16e: {  	s10 =	sand.u32 $0x70, s13;
	v7 =	vadd.f32 v7, v7;
	v9 =	vcvt.s32.f32 v9;
	v2 =	vadd.f32 v5, v2  }
0x16f: {  	s9 =	sor.u32 s10, s9;
	v6 =	vmul.f32 v14, v17;
	v10 =	vsub.f32 $5.062811370e-01, v20;
	v14 =	vmul.f32 v1, v1  }
0x170: {  	v11 =	vld [tilespmem:s9+$0x9080];
	v0 =	vadd.f32 v3, v0;
	v3 =	vmul.f32 $1.442695020e+00, v7;
	v7 =	vmul.f32 v12, v13  }
0x171: {  	v1 =	vadd.f32 v8, v8;
	v8 =	vcvt.s32.f32 v15;
	v4 =	vmul.f32 v10, v18;
	v10 =	vld [tilespmem:s9+$0x0]  }
0x172: {  	v15 =	vcvt.s32.f32 v16;
	v12 =	vmul.f32 v2, v2;
	v5 =	vadd.f32 $-7.238351700e-01, v6;
	v6 =	vld [tilespmem:s9+$0x9000]  }
0x173: {  	v0 =	vmul.f32 v0, v0;
	v16 =	vmul.f32 $1.442695020e+00, v1;
	v1 =	vld [tilespmem:s9+$0x9100];
	v4 =	vadd.f32 $-7.238351700e-01, v4  }
0x174: {  	(erf) = vpow2.f32 v3;
	v7 =	vadd.f32 $-7.238351700e-01, v7;
	v5 =	vmul.f32 v5, v17  }
0x175: {  	v19 =	vadd.s32 $0xC0CAFB0D, v11;
	v20 =	vmul.f32 v0, v12;
	v4 =	vmul.f32 v4, v18  }
0x176: {  	v7 =	vmul.f32 v7, v13;
	(erf) = vpow2.f32 v16;
	v5 =	vadd.f32 $1.442417030e+00, v5  }
0x177: {  	v2 =	vadd.f32 v10, v10;
	v22 =	vadd.s32 $0xC0CAFB0D, v6;
	v3 =	vadd.f32 $1.442417030e+00, v4  }
0x178: {  	v10 =	vadd.s32 $0xC0CAFB0D, v1;
	v4 =	vand.u32 $0xFF800000, v19;
	v19 =	vshra.s32 v19, $0x17  }
0x179: {  	v21 =	vand.u32 $0xFF800000, v10;
	v4 =	vsub.s32 v11, v4;
	v11 =	vmul.f32 $1.442695020e+00, v2  }
0x17a: {  	v1 =	vsub.s32 v1, v21;
	v21 =	vmul.f32 v0, v14;
	v0 =	vpop (erf);
	v4 =	vadd.f32 $-1.000000000e+00, v4  }
0x17b: {  	v24 =	vld [tilespmem:s9+$0x100];
	v3 =	vmul.f32 v3, v18;
	v2 =	vadd.f32 $-1.000000000e+00, v1;
	v0 =	vmul.f32 v20, v0  }
0x17c: {  	v1 =	vand.u32 $0xFF800000, v22;
	(erf) = vpow2.f32 v11;
	v25 =	vmul.f32 $3.254765570e-01, v4  }
0x17d: {  	v23 =	vpop (erf);
	v1 =	vsub.s32 v6, v1;
	v3 =	vadd.f32 v15, v3;
	v6 =	vmul.f32 $3.254765570e-01, v2  }
0x17e: {  	v20 =	vadd.f32 $-1.000000000e+00, v1;
	v1 =	vmul.f32 v21, v23;
	v21 =	vld [tilespmem:s9+$0x80];
	v11 =	vsub.f32 $5.062811370e-01, v25  }
0x17f: {  	v18 =	vshra.s32 v22, $0x17;
	v28 =	vmul.f32 v3, v3;
	v6 =	vsub.f32 $5.062811370e-01, v6  }
0x180: {  	s14 =	simm.s32 $0x0;
	v15 =	vadd.f32 v24, v24;
	v22 =	vmul.f32 $3.254765570e-01, v20;
	v11 =	vmul.f32 v11, v4  }
0x181: {  	s11 =	simm.s32 $0x30;
	s10 =	smul.u32 $0x180, s14;
	v23 =	vmul.f32 v6, v2;
	v6 =	vadd.f32 $1.442417030e+00, v7;
	v7 =	vmul.f32 v12, v14  }
0x182: {  	s12 =	sand.u32 $0x70, s11;
	v12 =	vsub.f32 $5.062811370e-01, v22;
	v14 =	vmul.f32 v5, v17;
	v5 =	vcvt.s32.f32 v19  }
0x183: {  	s10 =	sor.u32 s12, s10;
	v19 =	vcvt.s32.f32 v18;
	v22 =	vmul.f32 $1.442695020e+00, v15;
	v3 =	vadd.f32 v21, v21  }
0x184: {  	v15 =	vld [tilespmem:s10+$0x9100];
	v26 =	vadd.f32 $-7.238351700e-01, v11;
	v13 =	vmul.f32 v6, v13;
	v6 =	vshra.s32 v10, $0x17  }
0x185: {  	v16 =	vld [tilespmem:s10+$0x9080];
	v12 =	vmul.f32 v12, v20;
	v9 =	vadd.f32 v9, v14;
	v6 =	vcvt.s32.f32 v6  }
0x186: {  	v10 =	vld [tilespmem:s10+$0x0];
	v17 =	vmul.f32 $1.442695020e+00, v3;
	v30 =	vmul.f32 v26, v4  }
0x187: {  	v12 =	vadd.f32 $-7.238351700e-01, v12;
	v14 =	vpop (erf);
	v8 =	vadd.f32 v8, v13;
	v9 =	vmul.f32 v9, v9  }
0x188: {  	v13 =	vadd.f32 $-7.238351700e-01, v23;
	v3 =	vmul.f32 v7, v14;
	(erf) = vpow2.f32 v17;
	v17 =	vld [tilespmem:s10+$0x9000]  }
0x189: {  	v7 =	vadd.f32 v1, v0;
	v14 =	vadd.s32 $0xC0CAFB0D, v15;
	v12 =	vmul.f32 v12, v20  }
0x18a: {  	v29 =	vmul.f32 v8, v8;
	v8 =	vadd.s32 $0xC0CAFB0D, v16;
	v11 =	vmul.f32 v13, v2  }
0x18b: {  	v13 =	vand.u32 $0xFF800000, v14;
	v10 =	vadd.f32 v10, v10;
	v7 =	vadd.f32 v7, v3  }
0x18c: {  	v13 =	vsub.s32 v15, v13;
	v24 =	vadd.f32 $1.442417030e+00, v12;
	v12 =	vand.u32 $0xFF800000, v8  }
0x18d: {  	v15 =	vadd.f32 $-1.000000000e+00, v13;
	v12 =	vsub.s32 v16, v12;
	v25 =	vadd.s32 $0xC0CAFB0D, v17  }
0x18e: {  	v16 =	vmul.f32 $1.442695020e+00, v10;
	(erf) = vrcp.f32 v7;
	v10 =	vand.u32 $0xFF800000, v25  }
0x18f: {  	v27 =	vld [tilespmem:s10+$0x100];
	v18 =	vmul.f32 v9, v29;
	v10 =	vsub.s32 v17, v10;
	v17 =	vmul.f32 $3.254765570e-01, v15  }
0x190: {  	v9 =	vmul.f32 v9, v28;
	v21 =	vadd.f32 $1.442417030e+00, v11;
	v24 =	vmul.f32 v24, v20  }
0x191: {  	v23 =	vshra.s32 v8, $0x17;
	v13 =	vadd.f32 $-1.000000000e+00, v12;
	v7 =	vpop (erf);
	v8 =	vsub.f32 $5.062811370e-01, v17  }
0x192: {  	v12 =	vpop (erf);
	v11 =	vmul.f32 v18, v7;
	v26 =	vadd.f32 v19, v24;
	v24 =	vld [tilespmem:s10+$0x80];
	v7 =	vadd.f32 $-1.000000000e+00, v10  }
0x193: {  	v20 =	vshra.s32 v25, $0x17;
	(erf) = vpow2.f32 v22;
	v18 =	vmul.f32 $3.254765570e-01, v13;
	v10 =	vpop (erf)  }
0x194: {  	v22 =	vadd.f32 v27, v27;
	v12 =	vmul.f32 v9, v12;
	v25 =	vmul.f32 $3.254765570e-01, v7;
	v9 =	vpop (erf)  }
0x195: {  	s12 =	simm.s32 $0x4;
	v27 =	vadd.f32 $1.442417030e+00, v30;
	v19 =	vmul.f32 v29, v28;
	v17 =	vmul.f32 v8, v15;
	v8 =	vpop (erf)  }
.LBB2_6:
0x196: {  	s13 =	sshrl.u32 s12, $0x3;
	p0 =	sne.s32 s12, $0x17F;
	s12 =	sadd.s32 $0x1, s12;
	v25 =	vsub.f32 $5.062811370e-01, v25;
	v21 =	vmul.f32 v21, v2;
	v28 =	vmul.f32 v26, v26;
	v2 =	vmovc v15  }
0x197: {  	v15 =	vcvt.s32.f32 v23;
	s11 =	sadd.s32 $0x10, s11;
	s13 =	smul.u32 $0x180, s13;
	v23 =	vadd.f32 v24, v24;
	v24 =	vmul.f32 v27, v4;
	v26 =	vpop (erf)  }
0x198: {  	v14 =	vshra.s32 v14, $0x17;
	s14 =	sand.u32 $0x70, s11;
	v4 =	vmovc v13;
	v25 =	vmul.f32 v25, v7;
	v27 =	vmul.f32 v26, v0;
	v0 =	vmovc v11  }
0x199: {  	v11 =	vadd.f32 v6, v21;
	v13 =	vmul.f32 v26, v1;
	v1 =	vmovc v12;
	s13 =	sor.u32 s14, s13;
	(erf) = vpow2.f32 v16  }
0x19a: {  	v6 =	vcvt.s32.f32 v14;
	v3 =	vmul.f32 v26, v3;
	v16 =	vsub.f32 $5.062811370e-01, v18;
	v12 =	vld [tilespmem:s13+$0x0];
	[tilespmem:s7+$0x12000] =	vst v27  }
0x19b: {  	v22 =	vmul.f32 $1.442695020e+00, v22;
	v26 =	vcvt.s32.f32 v20;
	v14 =	vadd.f32 $-7.238351700e-01, v25;
	v18 =	vld [tilespmem:s13+$0x9080];
	[tilespmem:s7+$0x12080] =	vst v13  }
0x19c: {  	v20 =	vmul.f32 $1.442695020e+00, v23;
	v21 =	vadd.f32 v5, v24;
	v5 =	vmovc v15;
	v16 =	vmul.f32 v16, v4;
	v13 =	vld [tilespmem:s13+$0x9100];
	[tilespmem:s7+$0x12100] =	vst v3;
	s7 =	smov.u32 s8;
	s8 =	smov.u32 s9;
	s9 =	smov.u32 s10  }
0x19d: {  	v15 =	vadd.f32 v1, v0;
	v14 =	vmul.f32 v14, v7;
	v3 =	vmul.f32 v19, v10;
	s10 =	smov.u32 s13;
	v23 =	vld [tilespmem:s13+$0x9000];
	v10 =	vpop (erf)  }
0x19e: {  	v17 =	vadd.f32 $-7.238351700e-01, v17;
	v11 =	vmul.f32 v11, v11;
	(erf) = vpow2.f32 v20  }
0x19f: {  	v29 =	vmul.f32 v21, v21;
	v27 =	vadd.f32 $-7.238351700e-01, v16;
	v19 =	vadd.f32 $1.442417030e+00, v14  }
0x1a0: {  	v17 =	vmul.f32 v17, v2;
	v12 =	vadd.f32 v12, v12;
	v20 =	vadd.s32 $0xC0CAFB0D, v18  }
0x1a1: {  	v24 =	vmul.f32 v11, v29;
	v16 =	vand.u32 $0xFF800000, v20;
	v14 =	vadd.s32 $0xC0CAFB0D, v13  }
0x1a2: {  	v21 =	vadd.f32 v15, v3;
	v18 =	vsub.s32 v18, v16;
	v16 =	vand.u32 $0xFF800000, v14;
	v25 =	vpop (erf)  }
0x1a3: {  	v13 =	vsub.s32 v13, v16;
	v16 =	vmul.f32 $1.442695020e+00, v12;
	v12 =	vmul.f32 v11, v28  }
0x1a4: {  	v30 =	vadd.s32 $0xC0CAFB0D, v23;
	v15 =	vadd.f32 $-1.000000000e+00, v13;
	(erf) = vrcp.f32 v21  }
0x1a5: {  	v11 =	vand.u32 $0xFF800000, v30;
	v13 =	vadd.f32 $-1.000000000e+00, v18;
	v21 =	vadd.f32 $1.442417030e+00, v17  }
0x1a6: {  	v17 =	vsub.s32 v23, v11;
	v11 =	vmul.f32 v24, v9;
	v9 =	vmovc v25;
	v31 =	vld [tilespmem:s10+$0x100];
	v32 =	vmul.f32 $3.254765570e-01, v15  }
.Ltmp2:
0x1a7: {  	v17 =	vadd.f32 $-1.000000000e+00, v17;
	v12 =	vmul.f32 v12, v8;
	v18 =	vmul.f32 $3.254765570e-01, v13;
	v8 =	vpop (erf);
	(pc) =	sbr.rel @p0 .LBB2_6-.Ltmp2, $4  }
0x1a8: {  	v19 =	vmul.f32 v19, v7;
	v23 =	vshra.s32 v20, $0x17;
	v24 =	vld [tilespmem:s10+$0x80];
	v32 =	vsub.f32 $5.062811370e-01, v32  }
0x1a9: {  	v27 =	vmul.f32 v27, v4;
	v20 =	vshra.s32 v30, $0x17;
	v25 =	vmul.f32 $3.254765570e-01, v17;
	v7 =	vmovc v17  }
0x1aa: {  	v26 =	vadd.f32 v26, v19;
	v17 =	vmul.f32 v32, v15;
	(erf) = vpow2.f32 v22  }
0x1ab: {  	v27 =	vadd.f32 $1.442417030e+00, v27;
	v19 =	vmul.f32 v29, v28;
	v22 =	vadd.f32 v31, v31  }
0x1ac: {  	v25 =	vsub.f32 $5.062811370e-01, v25;
	v2 =	vmul.f32 v21, v2;
	v18 =	vsub.f32 $5.062811370e-01, v18  }
0x1ad: {  	v21 =	vmul.f32 v26, v26;
	v23 =	vcvt.s32.f32 v23;
	v14 =	vshra.s32 v14, $0x17  }
0x1ae: {  	(erf) = vpow2.f32 v16;
	v17 =	vadd.f32 $-7.238351700e-01, v17;
	v16 =	vmul.f32 v18, v13  }
0x1af: {  	v4 =	vmul.f32 v27, v4;
	v24 =	vadd.f32 v24, v24;
	v14 =	vcvt.s32.f32 v14  }
0x1b0: {  	v10 =	vmul.f32 v19, v10;
	v25 =	vmul.f32 v25, v7;
	v16 =	vadd.f32 $-7.238351700e-01, v16  }
0x1b1: {  	v19 =	vadd.f32 v12, v11;
	v2 =	vadd.f32 v6, v2;
	v6 =	vcvt.s32.f32 v20  }
0x1b2: {  	v20 =	vmul.f32 $1.442695020e+00, v22;
	v18 =	vadd.f32 $-7.238351700e-01, v25;
	v16 =	vmul.f32 v16, v13  }
0x1b3: {  	v17 =	vmul.f32 v17, v15;
	v4 =	vadd.f32 v5, v4;
	v5 =	vmul.f32 $1.442695020e+00, v24  }
0x1b4: {  	v19 =	vadd.f32 v19, v10;
	v18 =	vmul.f32 v18, v7;
	v16 =	vadd.f32 $1.442417030e+00, v16  }
0x1b5: {  	v2 =	vmul.f32 v2, v2;
	(erf) = vpow2.f32 v5;
	v5 =	vadd.f32 $1.442417030e+00, v17  }
0x1b6: {  	v4 =	vmul.f32 v4, v4;
	v17 =	vadd.f32 $1.442417030e+00, v18;
	v13 =	vmul.f32 v16, v13  }
0x1b7: {  	(erf) = vrcp.f32 v19;
	v5 =	vmul.f32 v5, v15  }
0x1b8: {  	(erf) = vpow2.f32 v20;
	v7 =	vmul.f32 v17, v7;
	v13 =	vadd.f32 v23, v13  }
0x1b9: {  	v5 =	vadd.f32 v14, v5  }
0x1ba: {  	v18 =	vmul.f32 v2, v4;
	v2 =	vmul.f32 v2, v21;
	v6 =	vadd.f32 v6, v7  }
0x1bb: {  	v4 =	vmul.f32 v4, v21;
	v5 =	vmul.f32 v5, v5  }
0x1bc: {  	v7 =	vmul.f32 v13, v13;
	v6 =	vmul.f32 v6, v6;
	v13 =	vpop (erf)  }
0x1bd: {  	v9 =	vmul.f32 v18, v9;
	v2 =	vmul.f32 v2, v8;
	v8 =	vpop (erf)  }
0x1be: {  	v14 =	vmul.f32 v5, v7;
	v5 =	vmul.f32 v5, v6;
	v15 =	vpop (erf)  }
0x1bf: {  	v6 =	vmul.f32 v7, v6;
	v4 =	vmul.f32 v4, v8;
	v8 =	vadd.f32 v2, v9;
	v16 =	vpop (erf)  }
0x1c0: {  	v14 =	vmul.f32 v14, v15;
	v15 =	vpop (erf);
	v5 =	vmul.f32 v5, v16  }
0x1c1: {  	v8 =	vadd.f32 v8, v4;
	v7 =	vpop (erf)  }
0x1c2: {  	v6 =	vmul.f32 v6, v7;
	v7 =	vadd.f32 v5, v14  }
0x1c3: {  	(erf) = vrcp.f32 v8  }
0x1c4: {  	v7 =	vadd.f32 v7, v6;
	_ =	sdelay $0x1  }
0x1c5: {  	(erf) = vrcp.f32 v7  }
0x1c6: {  	v0 =	vmul.f32 v13, v0  }
0x1c7: {  	v1 =	vmul.f32 v13, v1  }
0x1c8: {  	[tilespmem:s7+$0x12000] =	vst v0;
	v0 =	vmul.f32 v13, v3  }
0x1c9: {  	[tilespmem:s7+$0x12080] =	vst v1;
	v1 =	vmul.f32 v15, v11  }
0x1ca: {  	[tilespmem:s7+$0x12100] =	vst v0;
	v0 =	vmul.f32 v15, v12  }
0x1cb: {  	[tilespmem:s8+$0x12000] =	vst v1;
	v1 =	vmul.f32 v15, v10;
	v3 =	vpop (erf)  }
0x1cc: {  	[tilespmem:s8+$0x12080] =	vst v0;
	v0 =	vmul.f32 v3, v9  }
0x1cd: {  	[tilespmem:s8+$0x12100] =	vst v1;
	v1 =	vmul.f32 v3, v2  }
0x1ce: {  	[tilespmem:s9+$0x12000] =	vst v0;
	v0 =	vmul.f32 v3, v4;
	v2 =	vpop (erf)  }
0x1cf: {  	[tilespmem:s9+$0x12080] =	vst v1;
	v1 =	vmul.f32 v2, v14  }
0x1d0: {  	[tilespmem:s9+$0x12100] =	vst v0;
	v0 =	vmul.f32 v2, v5  }
0x1d1: {  	[tilespmem:s10+$0x12000] =	vst v1;
	v1 =	vmul.f32 v2, v6  }
0x1d2: {  	[tilespmem:s10+$0x12080] =	vst v0  }
0x1d3: {  	s12 =	simm.s32 $0x0;
	s13 =	rddreg [dreg:$0xe];
	[tilespmem:s10+$0x12100] =	vst v1  }
0x1d4: {  	[hbm4b:s13+s12] =	stream.linear.scatter [tilespmem:s31], [sflag:$0x5], $0x4800, $0x38;
	[tilespmem:$0x1B000] =	vst v63  }
0x1d5: {  	s14 =	rddreg [dreg:$0xf]  }
0x1d6: {  	[tilespmem:s12], [sflag:$0x1] =	stream.linear.gather [hbm4b:s14+s12], $0x4800, $0x38;
	[tilespmem:$0x1B000] =	vst v63  }
0x1d7: {  	_ = 	snop  }
0x1d8: {  	[tilespmem:s25], [sflag:$0x3] =	stream.linear.gather [hbm4b:s15+s12], $0x4800, $0x38;
	[tilespmem:$0x1B000] =	vst v63  }
0x1d9: {  	_ =	swait.ge [sflag:s1], $0x4800  }
0x1da: {  	[sflag:s1] =	ssyncset.done $0x0  }
0x1db: {  	[sflag:s1] =	ssyncadd.s32 $0xFFFFB800  }
0x1dc: {  	_ =	swait.ge [sflag:s0], $0x4800  }
0x1dd: {  	[sflag:s0] =	ssyncset.done $0x0  }
0x1de: {  	s9 =	simm.s32 $0x0;
	[sflag:s0] =	ssyncadd.s32 $0xFFFFB800  }
0x1df: {  	s8 =	smul.u32 $0x180, s9;
	_ =	swait.ge [sflag:s5], $0x4800  }
0x1e0: {  	s7 =	sand.u32 $0x70, s12;
	[sflag:s5] =	ssyncset.done $0x0  }
0x1e1: {  	s7 =	sor.u32 s7, s8;
	[sflag:s5] =	ssyncadd.s32 $0xFFFFB800  }
0x1e2: {  	s10 =	simm.s32 $0x0;
	v0 =	vld [tilespmem:s7+$0xD900]  }
0x1e3: {  	s11 =	simm.s32 $0x10;
	s8 =	smul.u32 $0x180, s10;
	v1 =	vld [tilespmem:s7+$0xD800]  }
0x1e4: {  	s9 =	sand.u32 $0x70, s11;
	v4 =	vld [tilespmem:s7+$0x4800]  }
0x1e5: {  	s8 =	sor.u32 s9, s8;
	v10 =	vld [tilespmem:s7+$0x4900]  }
0x1e6: {  	v12 =	vld [tilespmem:s8+$0x4800]  }
0x1e7: {  	v13 =	vld [tilespmem:s8+$0xD880];
	_ =	sdelay $0x1  }
0x1e8: {  	v2 =	vld [tilespmem:s7+$0xD880]  }
0x1e9: {  	v3 =	vadd.s32 $0xC0CAFB0D, v0  }
0x1ea: {  	v6 =	vadd.s32 $0xC0CAFB0D, v1;
	v4 =	vadd.f32 v4, v4;
	v10 =	vadd.f32 v10, v10  }
0x1eb: {  	v15 =	vadd.s32 $0xC0CAFB0D, v13;
	v12 =	vadd.f32 v12, v12;
	v5 =	vand.u32 $0xFF800000, v3  }
0x1ec: {  	v3 =	vshra.s32 v3, $0x17;
	v0 =	vsub.s32 v0, v5;
	v5 =	vand.u32 $0xFF800000, v6  }
0x1ed: {  	v17 =	vand.u32 $0xFF800000, v15;
	v1 =	vsub.s32 v1, v5;
	v5 =	vadd.s32 $0xC0CAFB0D, v2  }
0x1ee: {  	v4 =	vmul.f32 $1.442695020e+00, v4;
	v1 =	vadd.f32 $-1.000000000e+00, v1;
	v7 =	vand.u32 $0xFF800000, v5  }
0x1ef: {  	v3 =	vcvt.s32.f32 v3;
	v0 =	vadd.f32 $-1.000000000e+00, v0;
	v2 =	vsub.s32 v2, v7;
	v7 =	vld [tilespmem:s7+$0x4880]  }
0x1f0: {  	v6 =	vshra.s32 v6, $0x17;
	v10 =	vmul.f32 $1.442695020e+00, v10;
	v9 =	vmul.f32 $3.254765570e-01, v1  }
0x1f1: {  	v13 =	vsub.s32 v13, v17;
	v8 =	vmul.f32 $3.254765570e-01, v0;
	v2 =	vadd.f32 $-1.000000000e+00, v2  }
0x1f2: {  	v12 =	vmul.f32 $1.442695020e+00, v12;
	v6 =	vcvt.s32.f32 v6;
	v9 =	vsub.f32 $5.062811370e-01, v9  }
0x1f3: {  	v13 =	vadd.f32 $-1.000000000e+00, v13;
	v8 =	vsub.f32 $5.062811370e-01, v8;
	v11 =	vmul.f32 $3.254765570e-01, v2  }
0x1f4: {  	v5 =	vshra.s32 v5, $0x17;
	v9 =	vmul.f32 v9, v1;
	v7 =	vadd.f32 v7, v7  }
0x1f5: {  	(erf) = vpow2.f32 v4;
	v4 =	vld [tilespmem:s8+$0xD900];
	v8 =	vmul.f32 v8, v0;
	v11 =	vsub.f32 $5.062811370e-01, v11  }
0x1f6: {  	v5 =	vcvt.s32.f32 v5;
	v9 =	vadd.f32 $-7.238351700e-01, v9;
	v7 =	vmul.f32 $1.442695020e+00, v7  }
0x1f7: {  	v14 =	vld [tilespmem:s8+$0xD800];
	v19 =	vmul.f32 $3.254765570e-01, v13;
	v8 =	vadd.f32 $-7.238351700e-01, v8;
	v11 =	vmul.f32 v11, v2  }
0x1f8: {  	v9 =	vmul.f32 v9, v1;
	(erf) = vpow2.f32 v7  }
0x1f9: {  	v15 =	vshra.s32 v15, $0x17;
	v8 =	vmul.f32 v8, v0;
	(erf) = vpow2.f32 v10  }
0x1fa: {  	v7 =	vadd.f32 $1.442417030e+00, v9;
	v9 =	vadd.f32 $-7.238351700e-01, v11;
	v11 =	vadd.s32 $0xC0CAFB0D, v4  }
0x1fb: {  	(erf) = vpow2.f32 v12;
	v12 =	vsub.f32 $5.062811370e-01, v19;
	v16 =	vand.u32 $0xFF800000, v11  }
0x1fc: {  	v4 =	vsub.s32 v4, v16;
	v16 =	vadd.s32 $0xC0CAFB0D, v14;
	v9 =	vmul.f32 v9, v2  }
0x1fd: {  	v1 =	vmul.f32 v7, v1;
	v7 =	vld [tilespmem:s8+$0x4880];
	v17 =	vadd.f32 $-1.000000000e+00, v4;
	v4 =	vand.u32 $0xFF800000, v16  }
0x1fe: {  	v16 =	vshra.s32 v16, $0x17;
	v4 =	vsub.s32 v14, v4;
	v9 =	vadd.f32 $1.442417030e+00, v9  }
0x1ff: {  	v14 =	vmul.f32 $3.254765570e-01, v17;
	v18 =	vadd.f32 $-1.000000000e+00, v4;
	v4 =	vadd.f32 $1.442417030e+00, v8  }
0x200: {  	s12 =	simm.s32 $0x0;
	v1 =	vadd.f32 v6, v1;
	v8 =	vld [tilespmem:s8+$0x4900];
	v2 =	vmul.f32 v9, v2;
	v9 =	vshra.s32 v11, $0x17  }
0x201: {  	s13 =	simm.s32 $0x20;
	s9 =	smul.u32 $0x180, s12;
	v14 =	vsub.f32 $5.062811370e-01, v14;
	v20 =	vmul.f32 $3.254765570e-01, v18;
	v0 =	vmul.f32 v4, v0  }
0x202: {  	s10 =	sand.u32 $0x70, s13;
	v7 =	vadd.f32 v7, v7;
	v9 =	vcvt.s32.f32 v9;
	v2 =	vadd.f32 v5, v2  }
0x203: {  	s9 =	sor.u32 s10, s9;
	v6 =	vmul.f32 v14, v17;
	v10 =	vsub.f32 $5.062811370e-01, v20;
	v14 =	vmul.f32 v1, v1  }
0x204: {  	v11 =	vld [tilespmem:s9+$0xD880];
	v0 =	vadd.f32 v3, v0;
	v3 =	vmul.f32 $1.442695020e+00, v7;
	v7 =	vmul.f32 v12, v13  }
0x205: {  	v1 =	vadd.f32 v8, v8;
	v8 =	vcvt.s32.f32 v15;
	v4 =	vmul.f32 v10, v18;
	v10 =	vld [tilespmem:s9+$0x4800]  }
0x206: {  	v15 =	vcvt.s32.f32 v16;
	v12 =	vmul.f32 v2, v2;
	v5 =	vadd.f32 $-7.238351700e-01, v6;
	v6 =	vld [tilespmem:s9+$0xD800]  }
0x207: {  	v0 =	vmul.f32 v0, v0;
	v16 =	vmul.f32 $1.442695020e+00, v1;
	v1 =	vld [tilespmem:s9+$0xD900];
	v4 =	vadd.f32 $-7.238351700e-01, v4  }
0x208: {  	(erf) = vpow2.f32 v3;
	v7 =	vadd.f32 $-7.238351700e-01, v7;
	v5 =	vmul.f32 v5, v17  }
0x209: {  	v19 =	vadd.s32 $0xC0CAFB0D, v11;
	v20 =	vmul.f32 v0, v12;
	v4 =	vmul.f32 v4, v18  }
0x20a: {  	v7 =	vmul.f32 v7, v13;
	(erf) = vpow2.f32 v16;
	v5 =	vadd.f32 $1.442417030e+00, v5  }
0x20b: {  	v2 =	vadd.f32 v10, v10;
	v22 =	vadd.s32 $0xC0CAFB0D, v6;
	v3 =	vadd.f32 $1.442417030e+00, v4  }
0x20c: {  	v10 =	vadd.s32 $0xC0CAFB0D, v1;
	v4 =	vand.u32 $0xFF800000, v19;
	v19 =	vshra.s32 v19, $0x17  }
0x20d: {  	v21 =	vand.u32 $0xFF800000, v10;
	v4 =	vsub.s32 v11, v4;
	v11 =	vmul.f32 $1.442695020e+00, v2  }
0x20e: {  	v1 =	vsub.s32 v1, v21;
	v21 =	vmul.f32 v0, v14;
	v0 =	vpop (erf);
	v4 =	vadd.f32 $-1.000000000e+00, v4  }
0x20f: {  	v24 =	vld [tilespmem:s9+$0x4900];
	v3 =	vmul.f32 v3, v18;
	v2 =	vadd.f32 $-1.000000000e+00, v1;
	v0 =	vmul.f32 v20, v0  }
0x210: {  	v1 =	vand.u32 $0xFF800000, v22;
	(erf) = vpow2.f32 v11;
	v25 =	vmul.f32 $3.254765570e-01, v4  }
0x211: {  	v23 =	vpop (erf);
	v1 =	vsub.s32 v6, v1;
	v3 =	vadd.f32 v15, v3;
	v6 =	vmul.f32 $3.254765570e-01, v2  }
0x212: {  	v20 =	vadd.f32 $-1.000000000e+00, v1;
	v1 =	vmul.f32 v21, v23;
	v21 =	vld [tilespmem:s9+$0x4880];
	v11 =	vsub.f32 $5.062811370e-01, v25  }
0x213: {  	v18 =	vshra.s32 v22, $0x17;
	v28 =	vmul.f32 v3, v3;
	v6 =	vsub.f32 $5.062811370e-01, v6  }
0x214: {  	s14 =	simm.s32 $0x0;
	v15 =	vadd.f32 v24, v24;
	v22 =	vmul.f32 $3.254765570e-01, v20;
	v11 =	vmul.f32 v11, v4  }
0x215: {  	s11 =	simm.s32 $0x30;
	s10 =	smul.u32 $0x180, s14;
	v23 =	vmul.f32 v6, v2;
	v6 =	vadd.f32 $1.442417030e+00, v7;
	v7 =	vmul.f32 v12, v14  }
0x216: {  	s12 =	sand.u32 $0x70, s11;
	v12 =	vsub.f32 $5.062811370e-01, v22;
	v14 =	vmul.f32 v5, v17;
	v5 =	vcvt.s32.f32 v19  }
0x217: {  	s10 =	sor.u32 s12, s10;
	v19 =	vcvt.s32.f32 v18;
	v22 =	vmul.f32 $1.442695020e+00, v15;
	v3 =	vadd.f32 v21, v21  }
0x218: {  	v15 =	vld [tilespmem:s10+$0xD900];
	v26 =	vadd.f32 $-7.238351700e-01, v11;
	v13 =	vmul.f32 v6, v13;
	v6 =	vshra.s32 v10, $0x17  }
0x219: {  	v16 =	vld [tilespmem:s10+$0xD880];
	v12 =	vmul.f32 v12, v20;
	v9 =	vadd.f32 v9, v14;
	v6 =	vcvt.s32.f32 v6  }
0x21a: {  	v10 =	vld [tilespmem:s10+$0x4800];
	v17 =	vmul.f32 $1.442695020e+00, v3;
	v30 =	vmul.f32 v26, v4  }
0x21b: {  	v12 =	vadd.f32 $-7.238351700e-01, v12;
	v14 =	vpop (erf);
	v8 =	vadd.f32 v8, v13;
	v9 =	vmul.f32 v9, v9  }
0x21c: {  	v13 =	vadd.f32 $-7.238351700e-01, v23;
	v3 =	vmul.f32 v7, v14;
	(erf) = vpow2.f32 v17;
	v17 =	vld [tilespmem:s10+$0xD800]  }
0x21d: {  	v7 =	vadd.f32 v1, v0;
	v14 =	vadd.s32 $0xC0CAFB0D, v15;
	v12 =	vmul.f32 v12, v20  }
0x21e: {  	v29 =	vmul.f32 v8, v8;
	v8 =	vadd.s32 $0xC0CAFB0D, v16;
	v11 =	vmul.f32 v13, v2  }
0x21f: {  	v13 =	vand.u32 $0xFF800000, v14;
	v10 =	vadd.f32 v10, v10;
	v7 =	vadd.f32 v7, v3  }
0x220: {  	v13 =	vsub.s32 v15, v13;
	v24 =	vadd.f32 $1.442417030e+00, v12;
	v12 =	vand.u32 $0xFF800000, v8  }
0x221: {  	v15 =	vadd.f32 $-1.000000000e+00, v13;
	v12 =	vsub.s32 v16, v12;
	v25 =	vadd.s32 $0xC0CAFB0D, v17  }
0x222: {  	v16 =	vmul.f32 $1.442695020e+00, v10;
	(erf) = vrcp.f32 v7;
	v10 =	vand.u32 $0xFF800000, v25  }
0x223: {  	v27 =	vld [tilespmem:s10+$0x4900];
	v18 =	vmul.f32 v9, v29;
	v10 =	vsub.s32 v17, v10;
	v17 =	vmul.f32 $3.254765570e-01, v15  }
0x224: {  	v9 =	vmul.f32 v9, v28;
	v21 =	vadd.f32 $1.442417030e+00, v11;
	v24 =	vmul.f32 v24, v20  }
0x225: {  	v23 =	vshra.s32 v8, $0x17;
	v13 =	vadd.f32 $-1.000000000e+00, v12;
	v7 =	vpop (erf);
	v8 =	vsub.f32 $5.062811370e-01, v17  }
0x226: {  	v12 =	vpop (erf);
	v11 =	vmul.f32 v18, v7;
	v26 =	vadd.f32 v19, v24;
	v24 =	vld [tilespmem:s10+$0x4880];
	v7 =	vadd.f32 $-1.000000000e+00, v10  }
0x227: {  	v20 =	vshra.s32 v25, $0x17;
	(erf) = vpow2.f32 v22;
	v18 =	vmul.f32 $3.254765570e-01, v13;
	v10 =	vpop (erf)  }
0x228: {  	v22 =	vadd.f32 v27, v27;
	v12 =	vmul.f32 v9, v12;
	v25 =	vmul.f32 $3.254765570e-01, v7;
	v9 =	vpop (erf)  }
0x229: {  	s12 =	simm.s32 $0x4;
	v27 =	vadd.f32 $1.442417030e+00, v30;
	v19 =	vmul.f32 v29, v28;
	v17 =	vmul.f32 v8, v15;
	v8 =	vpop (erf)  }
.LBB2_8:
0x22a: {  	s13 =	sshrl.u32 s12, $0x3;
	p0 =	sne.s32 s12, $0x17F;
	s12 =	sadd.s32 $0x1, s12;
	v25 =	vsub.f32 $5.062811370e-01, v25;
	v21 =	vmul.f32 v21, v2;
	v28 =	vmul.f32 v26, v26;
	v2 =	vmovc v15  }
0x22b: {  	v15 =	vcvt.s32.f32 v23;
	s11 =	sadd.s32 $0x10, s11;
	s13 =	smul.u32 $0x180, s13;
	v23 =	vadd.f32 v24, v24;
	v24 =	vmul.f32 v27, v4;
	v26 =	vpop (erf)  }
0x22c: {  	v14 =	vshra.s32 v14, $0x17;
	s14 =	sand.u32 $0x70, s11;
	v4 =	vmovc v13;
	v25 =	vmul.f32 v25, v7;
	v27 =	vmul.f32 v26, v0;
	v0 =	vmovc v11  }
0x22d: {  	v11 =	vadd.f32 v6, v21;
	v13 =	vmul.f32 v26, v1;
	v1 =	vmovc v12;
	s13 =	sor.u32 s14, s13;
	(erf) = vpow2.f32 v16  }
0x22e: {  	v6 =	vcvt.s32.f32 v14;
	v3 =	vmul.f32 v26, v3;
	v16 =	vsub.f32 $5.062811370e-01, v18;
	v12 =	vld [tilespmem:s13+$0x4800];
	[tilespmem:s7+$0x16800] =	vst v27  }
0x22f: {  	v22 =	vmul.f32 $1.442695020e+00, v22;
	v26 =	vcvt.s32.f32 v20;
	v14 =	vadd.f32 $-7.238351700e-01, v25;
	v18 =	vld [tilespmem:s13+$0xD880];
	[tilespmem:s7+$0x16880] =	vst v13  }
0x230: {  	v20 =	vmul.f32 $1.442695020e+00, v23;
	v21 =	vadd.f32 v5, v24;
	v5 =	vmovc v15;
	v16 =	vmul.f32 v16, v4;
	v13 =	vld [tilespmem:s13+$0xD900];
	[tilespmem:s7+$0x16900] =	vst v3;
	s7 =	smov.u32 s8;
	s8 =	smov.u32 s9;
	s9 =	smov.u32 s10  }
0x231: {  	v15 =	vadd.f32 v1, v0;
	v14 =	vmul.f32 v14, v7;
	v3 =	vmul.f32 v19, v10;
	s10 =	smov.u32 s13;
	v23 =	vld [tilespmem:s13+$0xD800];
	v10 =	vpop (erf)  }
0x232: {  	v17 =	vadd.f32 $-7.238351700e-01, v17;
	v11 =	vmul.f32 v11, v11;
	(erf) = vpow2.f32 v20  }
0x233: {  	v29 =	vmul.f32 v21, v21;
	v27 =	vadd.f32 $-7.238351700e-01, v16;
	v19 =	vadd.f32 $1.442417030e+00, v14  }
0x234: {  	v17 =	vmul.f32 v17, v2;
	v12 =	vadd.f32 v12, v12;
	v20 =	vadd.s32 $0xC0CAFB0D, v18  }
0x235: {  	v24 =	vmul.f32 v11, v29;
	v16 =	vand.u32 $0xFF800000, v20;
	v14 =	vadd.s32 $0xC0CAFB0D, v13  }
0x236: {  	v21 =	vadd.f32 v15, v3;
	v18 =	vsub.s32 v18, v16;
	v16 =	vand.u32 $0xFF800000, v14;
	v25 =	vpop (erf)  }
0x237: {  	v13 =	vsub.s32 v13, v16;
	v16 =	vmul.f32 $1.442695020e+00, v12;
	v12 =	vmul.f32 v11, v28  }
0x238: {  	v30 =	vadd.s32 $0xC0CAFB0D, v23;
	v15 =	vadd.f32 $-1.000000000e+00, v13;
	(erf) = vrcp.f32 v21  }
0x239: {  	v11 =	vand.u32 $0xFF800000, v30;
	v13 =	vadd.f32 $-1.000000000e+00, v18;
	v21 =	vadd.f32 $1.442417030e+00, v17  }
0x23a: {  	v17 =	vsub.s32 v23, v11;
	v11 =	vmul.f32 v24, v9;
	v9 =	vmovc v25;
	v31 =	vld [tilespmem:s10+$0x4900];
	v32 =	vmul.f32 $3.254765570e-01, v15  }
.Ltmp3:
0x23b: {  	v17 =	vadd.f32 $-1.000000000e+00, v17;
	v12 =	vmul.f32 v12, v8;
	v18 =	vmul.f32 $3.254765570e-01, v13;
	v8 =	vpop (erf);
	(pc) =	sbr.rel @p0 .LBB2_8-.Ltmp3, $4  }
0x23c: {  	v19 =	vmul.f32 v19, v7;
	v23 =	vshra.s32 v20, $0x17;
	v24 =	vld [tilespmem:s10+$0x4880];
	v32 =	vsub.f32 $5.062811370e-01, v32  }
0x23d: {  	v27 =	vmul.f32 v27, v4;
	v20 =	vshra.s32 v30, $0x17;
	v25 =	vmul.f32 $3.254765570e-01, v17;
	v7 =	vmovc v17  }
0x23e: {  	v26 =	vadd.f32 v26, v19;
	v17 =	vmul.f32 v32, v15;
	(erf) = vpow2.f32 v22  }
0x23f: {  	v27 =	vadd.f32 $1.442417030e+00, v27;
	v19 =	vmul.f32 v29, v28;
	v22 =	vadd.f32 v31, v31  }
0x240: {  	v25 =	vsub.f32 $5.062811370e-01, v25;
	v2 =	vmul.f32 v21, v2;
	v18 =	vsub.f32 $5.062811370e-01, v18  }
0x241: {  	v21 =	vmul.f32 v26, v26;
	v23 =	vcvt.s32.f32 v23;
	v14 =	vshra.s32 v14, $0x17  }
0x242: {  	(erf) = vpow2.f32 v16;
	v17 =	vadd.f32 $-7.238351700e-01, v17;
	v16 =	vmul.f32 v18, v13  }
0x243: {  	v4 =	vmul.f32 v27, v4;
	v24 =	vadd.f32 v24, v24;
	v14 =	vcvt.s32.f32 v14  }
0x244: {  	v10 =	vmul.f32 v19, v10;
	v25 =	vmul.f32 v25, v7;
	v16 =	vadd.f32 $-7.238351700e-01, v16  }
0x245: {  	v19 =	vadd.f32 v12, v11;
	v2 =	vadd.f32 v6, v2;
	v6 =	vcvt.s32.f32 v20  }
0x246: {  	v20 =	vmul.f32 $1.442695020e+00, v22;
	v18 =	vadd.f32 $-7.238351700e-01, v25;
	v16 =	vmul.f32 v16, v13  }
0x247: {  	v17 =	vmul.f32 v17, v15;
	v4 =	vadd.f32 v5, v4;
	v5 =	vmul.f32 $1.442695020e+00, v24  }
0x248: {  	v19 =	vadd.f32 v19, v10;
	v18 =	vmul.f32 v18, v7;
	v16 =	vadd.f32 $1.442417030e+00, v16  }
0x249: {  	v2 =	vmul.f32 v2, v2;
	(erf) = vpow2.f32 v5;
	v5 =	vadd.f32 $1.442417030e+00, v17  }
0x24a: {  	v4 =	vmul.f32 v4, v4;
	v17 =	vadd.f32 $1.442417030e+00, v18;
	v13 =	vmul.f32 v16, v13  }
0x24b: {  	(erf) = vrcp.f32 v19;
	v5 =	vmul.f32 v5, v15  }
0x24c: {  	(erf) = vpow2.f32 v20;
	v7 =	vmul.f32 v17, v7;
	v13 =	vadd.f32 v23, v13  }
0x24d: {  	v5 =	vadd.f32 v14, v5  }
0x24e: {  	v18 =	vmul.f32 v2, v4;
	v2 =	vmul.f32 v2, v21;
	v6 =	vadd.f32 v6, v7  }
0x24f: {  	v4 =	vmul.f32 v4, v21;
	v5 =	vmul.f32 v5, v5  }
0x250: {  	v7 =	vmul.f32 v13, v13;
	v6 =	vmul.f32 v6, v6;
	v13 =	vpop (erf)  }
0x251: {  	v9 =	vmul.f32 v18, v9;
	v2 =	vmul.f32 v2, v8;
	v8 =	vpop (erf)  }
0x252: {  	v14 =	vmul.f32 v5, v7;
	v5 =	vmul.f32 v5, v6;
	v15 =	vpop (erf)  }
0x253: {  	v6 =	vmul.f32 v7, v6;
	v4 =	vmul.f32 v4, v8;
	v8 =	vadd.f32 v2, v9;
	v16 =	vpop (erf)  }
0x254: {  	v14 =	vmul.f32 v14, v15;
	v15 =	vpop (erf);
	v5 =	vmul.f32 v5, v16  }
0x255: {  	v8 =	vadd.f32 v8, v4;
	v7 =	vpop (erf)  }
0x256: {  	v6 =	vmul.f32 v6, v7;
	v7 =	vadd.f32 v5, v14  }
0x257: {  	(erf) = vrcp.f32 v8  }
0x258: {  	v7 =	vadd.f32 v7, v6;
	_ =	sdelay $0x1  }
0x259: {  	(erf) = vrcp.f32 v7  }
0x25a: {  	v0 =	vmul.f32 v13, v0  }
0x25b: {  	v1 =	vmul.f32 v13, v1  }
0x25c: {  	[tilespmem:s7+$0x16800] =	vst v0;
	v0 =	vmul.f32 v13, v3  }
0x25d: {  	[tilespmem:s7+$0x16880] =	vst v1;
	v1 =	vmul.f32 v15, v11  }
0x25e: {  	[tilespmem:s7+$0x16900] =	vst v0;
	v0 =	vmul.f32 v15, v12  }
0x25f: {  	[tilespmem:s8+$0x16800] =	vst v1;
	v1 =	vmul.f32 v15, v10;
	v3 =	vpop (erf)  }
0x260: {  	[tilespmem:s8+$0x16880] =	vst v0;
	v0 =	vmul.f32 v3, v9  }
0x261: {  	[tilespmem:s8+$0x16900] =	vst v1;
	v1 =	vmul.f32 v3, v2  }
0x262: {  	[tilespmem:s9+$0x16800] =	vst v0;
	v0 =	vmul.f32 v3, v4;
	v2 =	vpop (erf)  }
0x263: {  	[tilespmem:s9+$0x16880] =	vst v1;
	v1 =	vmul.f32 v2, v14  }
0x264: {  	[tilespmem:s9+$0x16900] =	vst v0;
	v0 =	vmul.f32 v2, v5  }
0x265: {  	[tilespmem:s10+$0x16800] =	vst v1;
	v1 =	vmul.f32 v2, v6  }
0x266: {  	[tilespmem:s10+$0x16880] =	vst v0  }
0x267: {  	s14 =	simm.s32 $0x0;
	[tilespmem:s10+$0x16900] =	vst v1  }
0x268: {  	[hbm4b:s16+s14] =	stream.linear.scatter [tilespmem:s3], [sflag:$0x6], $0x4800, $0x38;
	[tilespmem:$0x1B000] =	vst v63  }
0x269: {  	_ = 	snop  }
0x26a: {  	[tilespmem:s26], [sflag:$0x2] =	stream.linear.gather [hbm4b:s17+s14], $0x4800, $0x38;
	[tilespmem:$0x1B000] =	vst v63  }
0x26b: {  	_ = 	snop  }
0x26c: {  	[tilespmem:s28], [sflag:$0x4] =	stream.linear.gather [hbm4b:s18+s14], $0x4800, $0x38;
	[tilespmem:$0x1B000] =	vst v63  }
0x26d: {  	_ =	swait.ge [sflag:s29], $0x4800  }
0x26e: {  	[sflag:s29] =	ssyncset.done $0x0  }
0x26f: {  	[sflag:s29] =	ssyncadd.s32 $0xFFFFB800  }
0x270: {  	_ =	swait.ge [sflag:s30], $0x4800  }
0x271: {  	[sflag:s30] =	ssyncset.done $0x0  }
0x272: {  	s9 =	simm.s32 $0x0;
	[sflag:s30] =	ssyncadd.s32 $0xFFFFB800  }
0x273: {  	s8 =	smul.u32 $0x180, s9;
	_ =	swait.ge [sflag:s4], $0x4800  }
0x274: {  	s7 =	sand.u32 $0x70, s14;
	[sflag:s4] =	ssyncset.done $0x0  }
0x275: {  	s7 =	sor.u32 s7, s8;
	[sflag:s4] =	ssyncadd.s32 $0xFFFFB800  }
0x276: {  	s10 =	simm.s32 $0x0;
	v0 =	vld [tilespmem:s7+$0x9100]  }
0x277: {  	s11 =	simm.s32 $0x10;
	s8 =	smul.u32 $0x180, s10;
	v1 =	vld [tilespmem:s7+$0x9000]  }
0x278: {  	s9 =	sand.u32 $0x70, s11;
	v4 =	vld [tilespmem:s7+$0x0]  }
0x279: {  	s8 =	sor.u32 s9, s8;
	v10 =	vld [tilespmem:s7+$0x100]  }
0x27a: {  	v12 =	vld [tilespmem:s8+$0x0]  }
0x27b: {  	v13 =	vld [tilespmem:s8+$0x9080];
	_ =	sdelay $0x1  }
0x27c: {  	v2 =	vld [tilespmem:s7+$0x9080]  }
0x27d: {  	v3 =	vadd.s32 $0xC0CAFB0D, v0  }
0x27e: {  	v6 =	vadd.s32 $0xC0CAFB0D, v1;
	v4 =	vadd.f32 v4, v4;
	v10 =	vadd.f32 v10, v10  }
0x27f: {  	v15 =	vadd.s32 $0xC0CAFB0D, v13;
	v12 =	vadd.f32 v12, v12;
	v5 =	vand.u32 $0xFF800000, v3  }
0x280: {  	v3 =	vshra.s32 v3, $0x17;
	v0 =	vsub.s32 v0, v5;
	v5 =	vand.u32 $0xFF800000, v6  }
0x281: {  	v17 =	vand.u32 $0xFF800000, v15;
	v1 =	vsub.s32 v1, v5;
	v5 =	vadd.s32 $0xC0CAFB0D, v2  }
0x282: {  	v4 =	vmul.f32 $1.442695020e+00, v4;
	v1 =	vadd.f32 $-1.000000000e+00, v1;
	v7 =	vand.u32 $0xFF800000, v5  }
0x283: {  	v3 =	vcvt.s32.f32 v3;
	v0 =	vadd.f32 $-1.000000000e+00, v0;
	v2 =	vsub.s32 v2, v7;
	v7 =	vld [tilespmem:s7+$0x80]  }
0x284: {  	v6 =	vshra.s32 v6, $0x17;
	v10 =	vmul.f32 $1.442695020e+00, v10;
	v9 =	vmul.f32 $3.254765570e-01, v1  }
0x285: {  	v13 =	vsub.s32 v13, v17;
	v8 =	vmul.f32 $3.254765570e-01, v0;
	v2 =	vadd.f32 $-1.000000000e+00, v2  }
0x286: {  	v12 =	vmul.f32 $1.442695020e+00, v12;
	v6 =	vcvt.s32.f32 v6;
	v9 =	vsub.f32 $5.062811370e-01, v9  }
0x287: {  	v13 =	vadd.f32 $-1.000000000e+00, v13;
	v8 =	vsub.f32 $5.062811370e-01, v8;
	v11 =	vmul.f32 $3.254765570e-01, v2  }
0x288: {  	v5 =	vshra.s32 v5, $0x17;
	v9 =	vmul.f32 v9, v1;
	v7 =	vadd.f32 v7, v7  }
0x289: {  	(erf) = vpow2.f32 v4;
	v4 =	vld [tilespmem:s8+$0x9100];
	v8 =	vmul.f32 v8, v0;
	v11 =	vsub.f32 $5.062811370e-01, v11  }
0x28a: {  	v5 =	vcvt.s32.f32 v5;
	v9 =	vadd.f32 $-7.238351700e-01, v9;
	v7 =	vmul.f32 $1.442695020e+00, v7  }
0x28b: {  	v14 =	vld [tilespmem:s8+$0x9000];
	v19 =	vmul.f32 $3.254765570e-01, v13;
	v8 =	vadd.f32 $-7.238351700e-01, v8;
	v11 =	vmul.f32 v11, v2  }
0x28c: {  	v9 =	vmul.f32 v9, v1;
	(erf) = vpow2.f32 v7  }
0x28d: {  	v15 =	vshra.s32 v15, $0x17;
	v8 =	vmul.f32 v8, v0;
	(erf) = vpow2.f32 v10  }
0x28e: {  	v7 =	vadd.f32 $1.442417030e+00, v9;
	v9 =	vadd.f32 $-7.238351700e-01, v11;
	v11 =	vadd.s32 $0xC0CAFB0D, v4  }
0x28f: {  	(erf) = vpow2.f32 v12;
	v12 =	vsub.f32 $5.062811370e-01, v19;
	v16 =	vand.u32 $0xFF800000, v11  }
0x290: {  	v4 =	vsub.s32 v4, v16;
	v16 =	vadd.s32 $0xC0CAFB0D, v14;
	v9 =	vmul.f32 v9, v2  }
0x291: {  	v1 =	vmul.f32 v7, v1;
	v7 =	vld [tilespmem:s8+$0x80];
	v17 =	vadd.f32 $-1.000000000e+00, v4;
	v4 =	vand.u32 $0xFF800000, v16  }
0x292: {  	v16 =	vshra.s32 v16, $0x17;
	v4 =	vsub.s32 v14, v4;
	v9 =	vadd.f32 $1.442417030e+00, v9  }
0x293: {  	v14 =	vmul.f32 $3.254765570e-01, v17;
	v18 =	vadd.f32 $-1.000000000e+00, v4;
	v4 =	vadd.f32 $1.442417030e+00, v8  }
0x294: {  	s12 =	simm.s32 $0x0;
	v1 =	vadd.f32 v6, v1;
	v8 =	vld [tilespmem:s8+$0x100];
	v2 =	vmul.f32 v9, v2;
	v9 =	vshra.s32 v11, $0x17  }
0x295: {  	s13 =	simm.s32 $0x20;
	s9 =	smul.u32 $0x180, s12;
	v14 =	vsub.f32 $5.062811370e-01, v14;
	v20 =	vmul.f32 $3.254765570e-01, v18;
	v0 =	vmul.f32 v4, v0  }
0x296: {  	s10 =	sand.u32 $0x70, s13;
	v7 =	vadd.f32 v7, v7;
	v9 =	vcvt.s32.f32 v9;
	v2 =	vadd.f32 v5, v2  }
0x297: {  	s9 =	sor.u32 s10, s9;
	v6 =	vmul.f32 v14, v17;
	v10 =	vsub.f32 $5.062811370e-01, v20;
	v14 =	vmul.f32 v1, v1  }
0x298: {  	v11 =	vld [tilespmem:s9+$0x9080];
	v0 =	vadd.f32 v3, v0;
	v3 =	vmul.f32 $1.442695020e+00, v7;
	v7 =	vmul.f32 v12, v13  }
0x299: {  	v1 =	vadd.f32 v8, v8;
	v8 =	vcvt.s32.f32 v15;
	v4 =	vmul.f32 v10, v18;
	v10 =	vld [tilespmem:s9+$0x0]  }
0x29a: {  	v15 =	vcvt.s32.f32 v16;
	v12 =	vmul.f32 v2, v2;
	v5 =	vadd.f32 $-7.238351700e-01, v6;
	v6 =	vld [tilespmem:s9+$0x9000]  }
0x29b: {  	v0 =	vmul.f32 v0, v0;
	v16 =	vmul.f32 $1.442695020e+00, v1;
	v1 =	vld [tilespmem:s9+$0x9100];
	v4 =	vadd.f32 $-7.238351700e-01, v4  }
0x29c: {  	(erf) = vpow2.f32 v3;
	v7 =	vadd.f32 $-7.238351700e-01, v7;
	v5 =	vmul.f32 v5, v17  }
0x29d: {  	v19 =	vadd.s32 $0xC0CAFB0D, v11;
	v20 =	vmul.f32 v0, v12;
	v4 =	vmul.f32 v4, v18  }
0x29e: {  	v7 =	vmul.f32 v7, v13;
	(erf) = vpow2.f32 v16;
	v5 =	vadd.f32 $1.442417030e+00, v5  }
0x29f: {  	v2 =	vadd.f32 v10, v10;
	v22 =	vadd.s32 $0xC0CAFB0D, v6;
	v3 =	vadd.f32 $1.442417030e+00, v4  }
0x2a0: {  	v10 =	vadd.s32 $0xC0CAFB0D, v1;
	v4 =	vand.u32 $0xFF800000, v19;
	v19 =	vshra.s32 v19, $0x17  }
0x2a1: {  	v21 =	vand.u32 $0xFF800000, v10;
	v4 =	vsub.s32 v11, v4;
	v11 =	vmul.f32 $1.442695020e+00, v2  }
0x2a2: {  	v1 =	vsub.s32 v1, v21;
	v21 =	vmul.f32 v0, v14;
	v0 =	vpop (erf);
	v4 =	vadd.f32 $-1.000000000e+00, v4  }
0x2a3: {  	v24 =	vld [tilespmem:s9+$0x100];
	v3 =	vmul.f32 v3, v18;
	v2 =	vadd.f32 $-1.000000000e+00, v1;
	v0 =	vmul.f32 v20, v0  }
0x2a4: {  	v1 =	vand.u32 $0xFF800000, v22;
	(erf) = vpow2.f32 v11;
	v25 =	vmul.f32 $3.254765570e-01, v4  }
0x2a5: {  	v23 =	vpop (erf);
	v1 =	vsub.s32 v6, v1;
	v3 =	vadd.f32 v15, v3;
	v6 =	vmul.f32 $3.254765570e-01, v2  }
0x2a6: {  	v20 =	vadd.f32 $-1.000000000e+00, v1;
	v1 =	vmul.f32 v21, v23;
	v21 =	vld [tilespmem:s9+$0x80];
	v11 =	vsub.f32 $5.062811370e-01, v25  }
0x2a7: {  	v18 =	vshra.s32 v22, $0x17;
	v28 =	vmul.f32 v3, v3;
	v6 =	vsub.f32 $5.062811370e-01, v6  }
0x2a8: {  	s14 =	simm.s32 $0x0;
	v15 =	vadd.f32 v24, v24;
	v22 =	vmul.f32 $3.254765570e-01, v20;
	v11 =	vmul.f32 v11, v4  }
0x2a9: {  	s11 =	simm.s32 $0x30;
	s10 =	smul.u32 $0x180, s14;
	v23 =	vmul.f32 v6, v2;
	v6 =	vadd.f32 $1.442417030e+00, v7;
	v7 =	vmul.f32 v12, v14  }
0x2aa: {  	s12 =	sand.u32 $0x70, s11;
	v12 =	vsub.f32 $5.062811370e-01, v22;
	v14 =	vmul.f32 v5, v17;
	v5 =	vcvt.s32.f32 v19  }
0x2ab: {  	s10 =	sor.u32 s12, s10;
	v19 =	vcvt.s32.f32 v18;
	v22 =	vmul.f32 $1.442695020e+00, v15;
	v3 =	vadd.f32 v21, v21  }
0x2ac: {  	v15 =	vld [tilespmem:s10+$0x9100];
	v26 =	vadd.f32 $-7.238351700e-01, v11;
	v13 =	vmul.f32 v6, v13;
	v6 =	vshra.s32 v10, $0x17  }
0x2ad: {  	v16 =	vld [tilespmem:s10+$0x9080];
	v12 =	vmul.f32 v12, v20;
	v9 =	vadd.f32 v9, v14;
	v6 =	vcvt.s32.f32 v6  }
0x2ae: {  	v10 =	vld [tilespmem:s10+$0x0];
	v17 =	vmul.f32 $1.442695020e+00, v3;
	v30 =	vmul.f32 v26, v4  }
0x2af: {  	v12 =	vadd.f32 $-7.238351700e-01, v12;
	v14 =	vpop (erf);
	v8 =	vadd.f32 v8, v13;
	v9 =	vmul.f32 v9, v9  }
0x2b0: {  	v13 =	vadd.f32 $-7.238351700e-01, v23;
	v3 =	vmul.f32 v7, v14;
	(erf) = vpow2.f32 v17;
	v17 =	vld [tilespmem:s10+$0x9000]  }
0x2b1: {  	v7 =	vadd.f32 v1, v0;
	v14 =	vadd.s32 $0xC0CAFB0D, v15;
	v12 =	vmul.f32 v12, v20  }
0x2b2: {  	v29 =	vmul.f32 v8, v8;
	v8 =	vadd.s32 $0xC0CAFB0D, v16;
	v11 =	vmul.f32 v13, v2  }
0x2b3: {  	v13 =	vand.u32 $0xFF800000, v14;
	v10 =	vadd.f32 v10, v10;
	v7 =	vadd.f32 v7, v3  }
0x2b4: {  	v13 =	vsub.s32 v15, v13;
	v24 =	vadd.f32 $1.442417030e+00, v12;
	v12 =	vand.u32 $0xFF800000, v8  }
0x2b5: {  	v15 =	vadd.f32 $-1.000000000e+00, v13;
	v12 =	vsub.s32 v16, v12;
	v25 =	vadd.s32 $0xC0CAFB0D, v17  }
0x2b6: {  	v16 =	vmul.f32 $1.442695020e+00, v10;
	(erf) = vrcp.f32 v7;
	v10 =	vand.u32 $0xFF800000, v25  }
0x2b7: {  	v27 =	vld [tilespmem:s10+$0x100];
	v18 =	vmul.f32 v9, v29;
	v10 =	vsub.s32 v17, v10;
	v17 =	vmul.f32 $3.254765570e-01, v15  }
0x2b8: {  	v9 =	vmul.f32 v9, v28;
	v21 =	vadd.f32 $1.442417030e+00, v11;
	v24 =	vmul.f32 v24, v20  }
0x2b9: {  	v23 =	vshra.s32 v8, $0x17;
	v13 =	vadd.f32 $-1.000000000e+00, v12;
	v7 =	vpop (erf);
	v8 =	vsub.f32 $5.062811370e-01, v17  }
0x2ba: {  	v12 =	vpop (erf);
	v11 =	vmul.f32 v18, v7;
	v26 =	vadd.f32 v19, v24;
	v24 =	vld [tilespmem:s10+$0x80];
	v7 =	vadd.f32 $-1.000000000e+00, v10  }
0x2bb: {  	v20 =	vshra.s32 v25, $0x17;
	(erf) = vpow2.f32 v22;
	v18 =	vmul.f32 $3.254765570e-01, v13;
	v10 =	vpop (erf)  }
0x2bc: {  	v22 =	vadd.f32 v27, v27;
	v12 =	vmul.f32 v9, v12;
	v25 =	vmul.f32 $3.254765570e-01, v7;
	v9 =	vpop (erf)  }
0x2bd: {  	s12 =	simm.s32 $0x4;
	v27 =	vadd.f32 $1.442417030e+00, v30;
	v19 =	vmul.f32 v29, v28;
	v17 =	vmul.f32 v8, v15;
	v8 =	vpop (erf)  }
.LBB2_10:
0x2be: {  	s13 =	sshrl.u32 s12, $0x3;
	p0 =	sne.s32 s12, $0x17F;
	s12 =	sadd.s32 $0x1, s12;
	v25 =	vsub.f32 $5.062811370e-01, v25;
	v21 =	vmul.f32 v21, v2;
	v28 =	vmul.f32 v26, v26;
	v2 =	vmovc v15  }
0x2bf: {  	v15 =	vcvt.s32.f32 v23;
	s11 =	sadd.s32 $0x10, s11;
	s13 =	smul.u32 $0x180, s13;
	v23 =	vadd.f32 v24, v24;
	v24 =	vmul.f32 v27, v4;
	v26 =	vpop (erf)  }
0x2c0: {  	v14 =	vshra.s32 v14, $0x17;
	s14 =	sand.u32 $0x70, s11;
	v4 =	vmovc v13;
	v25 =	vmul.f32 v25, v7;
	v27 =	vmul.f32 v26, v0;
	v0 =	vmovc v11  }
0x2c1: {  	v11 =	vadd.f32 v6, v21;
	v13 =	vmul.f32 v26, v1;
	v1 =	vmovc v12;
	s13 =	sor.u32 s14, s13;
	(erf) = vpow2.f32 v16  }
0x2c2: {  	v6 =	vcvt.s32.f32 v14;
	v3 =	vmul.f32 v26, v3;
	v16 =	vsub.f32 $5.062811370e-01, v18;
	v12 =	vld [tilespmem:s13+$0x0];
	[tilespmem:s7+$0x12000] =	vst v27  }
0x2c3: {  	v22 =	vmul.f32 $1.442695020e+00, v22;
	v26 =	vcvt.s32.f32 v20;
	v14 =	vadd.f32 $-7.238351700e-01, v25;
	v18 =	vld [tilespmem:s13+$0x9080];
	[tilespmem:s7+$0x12080] =	vst v13  }
0x2c4: {  	v20 =	vmul.f32 $1.442695020e+00, v23;
	v21 =	vadd.f32 v5, v24;
	v5 =	vmovc v15;
	v16 =	vmul.f32 v16, v4;
	v13 =	vld [tilespmem:s13+$0x9100];
	[tilespmem:s7+$0x12100] =	vst v3;
	s7 =	smov.u32 s8;
	s8 =	smov.u32 s9;
	s9 =	smov.u32 s10  }
0x2c5: {  	v15 =	vadd.f32 v1, v0;
	v14 =	vmul.f32 v14, v7;
	v3 =	vmul.f32 v19, v10;
	s10 =	smov.u32 s13;
	v23 =	vld [tilespmem:s13+$0x9000];
	v10 =	vpop (erf)  }
0x2c6: {  	v17 =	vadd.f32 $-7.238351700e-01, v17;
	v11 =	vmul.f32 v11, v11;
	(erf) = vpow2.f32 v20  }
0x2c7: {  	v29 =	vmul.f32 v21, v21;
	v27 =	vadd.f32 $-7.238351700e-01, v16;
	v19 =	vadd.f32 $1.442417030e+00, v14  }
0x2c8: {  	v17 =	vmul.f32 v17, v2;
	v12 =	vadd.f32 v12, v12;
	v20 =	vadd.s32 $0xC0CAFB0D, v18  }
0x2c9: {  	v24 =	vmul.f32 v11, v29;
	v16 =	vand.u32 $0xFF800000, v20;
	v14 =	vadd.s32 $0xC0CAFB0D, v13  }
0x2ca: {  	v21 =	vadd.f32 v15, v3;
	v18 =	vsub.s32 v18, v16;
	v16 =	vand.u32 $0xFF800000, v14;
	v25 =	vpop (erf)  }
0x2cb: {  	v13 =	vsub.s32 v13, v16;
	v16 =	vmul.f32 $1.442695020e+00, v12;
	v12 =	vmul.f32 v11, v28  }
0x2cc: {  	v30 =	vadd.s32 $0xC0CAFB0D, v23;
	v15 =	vadd.f32 $-1.000000000e+00, v13;
	(erf) = vrcp.f32 v21  }
0x2cd: {  	v11 =	vand.u32 $0xFF800000, v30;
	v13 =	vadd.f32 $-1.000000000e+00, v18;
	v21 =	vadd.f32 $1.442417030e+00, v17  }
0x2ce: {  	v17 =	vsub.s32 v23, v11;
	v11 =	vmul.f32 v24, v9;
	v9 =	vmovc v25;
	v31 =	vld [tilespmem:s10+$0x100];
	v32 =	vmul.f32 $3.254765570e-01, v15  }
.Ltmp4:
0x2cf: {  	v17 =	vadd.f32 $-1.000000000e+00, v17;
	v12 =	vmul.f32 v12, v8;
	v18 =	vmul.f32 $3.254765570e-01, v13;
	v8 =	vpop (erf);
	(pc) =	sbr.rel @p0 .LBB2_10-.Ltmp4, $4  }
0x2d0: {  	v19 =	vmul.f32 v19, v7;
	v23 =	vshra.s32 v20, $0x17;
	v24 =	vld [tilespmem:s10+$0x80];
	v32 =	vsub.f32 $5.062811370e-01, v32  }
0x2d1: {  	v27 =	vmul.f32 v27, v4;
	v20 =	vshra.s32 v30, $0x17;
	v25 =	vmul.f32 $3.254765570e-01, v17;
	v7 =	vmovc v17  }
0x2d2: {  	v26 =	vadd.f32 v26, v19;
	v17 =	vmul.f32 v32, v15;
	(erf) = vpow2.f32 v22  }
0x2d3: {  	v27 =	vadd.f32 $1.442417030e+00, v27;
	v19 =	vmul.f32 v29, v28;
	v22 =	vadd.f32 v31, v31  }
0x2d4: {  	v25 =	vsub.f32 $5.062811370e-01, v25;
	v2 =	vmul.f32 v21, v2;
	v18 =	vsub.f32 $5.062811370e-01, v18  }
0x2d5: {  	v21 =	vmul.f32 v26, v26;
	v23 =	vcvt.s32.f32 v23;
	v14 =	vshra.s32 v14, $0x17  }
0x2d6: {  	(erf) = vpow2.f32 v16;
	v17 =	vadd.f32 $-7.238351700e-01, v17;
	v16 =	vmul.f32 v18, v13  }
0x2d7: {  	v4 =	vmul.f32 v27, v4;
	v24 =	vadd.f32 v24, v24;
	v14 =	vcvt.s32.f32 v14  }
0x2d8: {  	v10 =	vmul.f32 v19, v10;
	v25 =	vmul.f32 v25, v7;
	v16 =	vadd.f32 $-7.238351700e-01, v16  }
0x2d9: {  	v19 =	vadd.f32 v12, v11;
	v2 =	vadd.f32 v6, v2;
	v6 =	vcvt.s32.f32 v20  }
0x2da: {  	v20 =	vmul.f32 $1.442695020e+00, v22;
	v18 =	vadd.f32 $-7.238351700e-01, v25;
	v16 =	vmul.f32 v16, v13  }
0x2db: {  	v17 =	vmul.f32 v17, v15;
	v4 =	vadd.f32 v5, v4;
	v5 =	vmul.f32 $1.442695020e+00, v24  }
0x2dc: {  	v19 =	vadd.f32 v19, v10;
	v18 =	vmul.f32 v18, v7;
	v16 =	vadd.f32 $1.442417030e+00, v16  }
0x2dd: {  	v2 =	vmul.f32 v2, v2;
	(erf) = vpow2.f32 v5;
	v5 =	vadd.f32 $1.442417030e+00, v17  }
0x2de: {  	v4 =	vmul.f32 v4, v4;
	v17 =	vadd.f32 $1.442417030e+00, v18;
	v13 =	vmul.f32 v16, v13  }
0x2df: {  	(erf) = vrcp.f32 v19;
	v5 =	vmul.f32 v5, v15  }
0x2e0: {  	(erf) = vpow2.f32 v20;
	v7 =	vmul.f32 v17, v7;
	v13 =	vadd.f32 v23, v13  }
0x2e1: {  	v5 =	vadd.f32 v14, v5  }
0x2e2: {  	v18 =	vmul.f32 v2, v4;
	v2 =	vmul.f32 v2, v21;
	v6 =	vadd.f32 v6, v7  }
0x2e3: {  	v4 =	vmul.f32 v4, v21;
	v5 =	vmul.f32 v5, v5  }
0x2e4: {  	v7 =	vmul.f32 v13, v13;
	v6 =	vmul.f32 v6, v6;
	v13 =	vpop (erf)  }
0x2e5: {  	v9 =	vmul.f32 v18, v9;
	v2 =	vmul.f32 v2, v8;
	v8 =	vpop (erf)  }
0x2e6: {  	v14 =	vmul.f32 v5, v7;
	v5 =	vmul.f32 v5, v6;
	v15 =	vpop (erf)  }
0x2e7: {  	v6 =	vmul.f32 v7, v6;
	v4 =	vmul.f32 v4, v8;
	v8 =	vadd.f32 v2, v9;
	v16 =	vpop (erf)  }
0x2e8: {  	v14 =	vmul.f32 v14, v15;
	v15 =	vpop (erf);
	v5 =	vmul.f32 v5, v16  }
0x2e9: {  	v8 =	vadd.f32 v8, v4;
	v7 =	vpop (erf)  }
0x2ea: {  	v6 =	vmul.f32 v6, v7;
	v7 =	vadd.f32 v5, v14  }
0x2eb: {  	(erf) = vrcp.f32 v8  }
0x2ec: {  	v7 =	vadd.f32 v7, v6;
	_ =	sdelay $0x1  }
0x2ed: {  	(erf) = vrcp.f32 v7  }
0x2ee: {  	v0 =	vmul.f32 v13, v0  }
0x2ef: {  	v1 =	vmul.f32 v13, v1  }
0x2f0: {  	[tilespmem:s7+$0x12000] =	vst v0;
	v0 =	vmul.f32 v13, v3  }
0x2f1: {  	[tilespmem:s7+$0x12080] =	vst v1;
	v1 =	vmul.f32 v15, v11  }
0x2f2: {  	[tilespmem:s7+$0x12100] =	vst v0;
	v0 =	vmul.f32 v15, v12  }
0x2f3: {  	[tilespmem:s8+$0x12000] =	vst v1;
	v1 =	vmul.f32 v15, v10;
	v3 =	vpop (erf)  }
0x2f4: {  	[tilespmem:s8+$0x12080] =	vst v0;
	v0 =	vmul.f32 v3, v9  }
0x2f5: {  	[tilespmem:s8+$0x12100] =	vst v1;
	v1 =	vmul.f32 v3, v2  }
0x2f6: {  	[tilespmem:s9+$0x12000] =	vst v0;
	v0 =	vmul.f32 v3, v4;
	v2 =	vpop (erf)  }
0x2f7: {  	[tilespmem:s9+$0x12080] =	vst v1;
	v1 =	vmul.f32 v2, v14  }
0x2f8: {  	[tilespmem:s9+$0x12100] =	vst v0;
	v0 =	vmul.f32 v2, v5  }
0x2f9: {  	[tilespmem:s10+$0x12000] =	vst v1;
	v1 =	vmul.f32 v2, v6  }
0x2fa: {  	[tilespmem:s10+$0x12080] =	vst v0  }
0x2fb: {  	s14 =	simm.s32 $0x0;
	[tilespmem:s10+$0x12100] =	vst v1  }
0x2fc: {  	[hbm4b:s19+s14] =	stream.linear.scatter [tilespmem:s31], [sflag:$0x5], $0x4800, $0x38;
	[tilespmem:$0x1B000] =	vst v63  }
0x2fd: {  	_ = 	snop  }
0x2fe: {  	[tilespmem:s14], [sflag:$0x1] =	stream.linear.gather [hbm4b:s20+s14], $0x4800, $0x38;
	[tilespmem:$0x1B000] =	vst v63  }
0x2ff: {  	_ = 	snop  }
0x300: {  	[tilespmem:s25], [sflag:$0x3] =	stream.linear.gather [hbm4b:s21+s14], $0x4800, $0x38;
	[tilespmem:$0x1B000] =	vst v63  }
0x301: {  	_ =	swait.ge [sflag:s1], $0x4800  }
0x302: {  	[sflag:s1] =	ssyncset.done $0x0  }
0x303: {  	[sflag:s1] =	ssyncadd.s32 $0xFFFFB800  }
0x304: {  	_ =	swait.ge [sflag:s0], $0x4800  }
0x305: {  	[sflag:s0] =	ssyncset.done $0x0  }
0x306: {  	s9 =	simm.s32 $0x0;
	[sflag:s0] =	ssyncadd.s32 $0xFFFFB800  }
0x307: {  	s8 =	smul.u32 $0x180, s9;
	_ =	swait.ge [sflag:s5], $0x4800  }
0x308: {  	s7 =	sand.u32 $0x70, s14;
	[sflag:s5] =	ssyncset.done $0x0  }
0x309: {  	s7 =	sor.u32 s7, s8;
	[sflag:s5] =	ssyncadd.s32 $0xFFFFB800  }
0x30a: {  	s10 =	simm.s32 $0x0;
	v0 =	vld [tilespmem:s7+$0xD900]  }
0x30b: {  	s11 =	simm.s32 $0x10;
	s8 =	smul.u32 $0x180, s10;
	v1 =	vld [tilespmem:s7+$0xD800]  }
0x30c: {  	s9 =	sand.u32 $0x70, s11;
	v4 =	vld [tilespmem:s7+$0x4800]  }
0x30d: {  	s8 =	sor.u32 s9, s8;
	v10 =	vld [tilespmem:s7+$0x4900]  }
0x30e: {  	v12 =	vld [tilespmem:s8+$0x4800]  }
0x30f: {  	v13 =	vld [tilespmem:s8+$0xD880];
	_ =	sdelay $0x1  }
0x310: {  	v2 =	vld [tilespmem:s7+$0xD880]  }
0x311: {  	v3 =	vadd.s32 $0xC0CAFB0D, v0  }
0x312: {  	v6 =	vadd.s32 $0xC0CAFB0D, v1;
	v4 =	vadd.f32 v4, v4;
	v10 =	vadd.f32 v10, v10  }
0x313: {  	v15 =	vadd.s32 $0xC0CAFB0D, v13;
	v12 =	vadd.f32 v12, v12;
	v5 =	vand.u32 $0xFF800000, v3  }
0x314: {  	v3 =	vshra.s32 v3, $0x17;
	v0 =	vsub.s32 v0, v5;
	v5 =	vand.u32 $0xFF800000, v6  }
0x315: {  	v17 =	vand.u32 $0xFF800000, v15;
	v1 =	vsub.s32 v1, v5;
	v5 =	vadd.s32 $0xC0CAFB0D, v2  }
0x316: {  	v4 =	vmul.f32 $1.442695020e+00, v4;
	v1 =	vadd.f32 $-1.000000000e+00, v1;
	v7 =	vand.u32 $0xFF800000, v5  }
0x317: {  	v3 =	vcvt.s32.f32 v3;
	v0 =	vadd.f32 $-1.000000000e+00, v0;
	v2 =	vsub.s32 v2, v7;
	v7 =	vld [tilespmem:s7+$0x4880]  }
0x318: {  	v6 =	vshra.s32 v6, $0x17;
	v10 =	vmul.f32 $1.442695020e+00, v10;
	v9 =	vmul.f32 $3.254765570e-01, v1  }
0x319: {  	v13 =	vsub.s32 v13, v17;
	v8 =	vmul.f32 $3.254765570e-01, v0;
	v2 =	vadd.f32 $-1.000000000e+00, v2  }
0x31a: {  	v12 =	vmul.f32 $1.442695020e+00, v12;
	v6 =	vcvt.s32.f32 v6;
	v9 =	vsub.f32 $5.062811370e-01, v9  }
0x31b: {  	v13 =	vadd.f32 $-1.000000000e+00, v13;
	v8 =	vsub.f32 $5.062811370e-01, v8;
	v11 =	vmul.f32 $3.254765570e-01, v2  }
0x31c: {  	v5 =	vshra.s32 v5, $0x17;
	v9 =	vmul.f32 v9, v1;
	v7 =	vadd.f32 v7, v7  }
0x31d: {  	(erf) = vpow2.f32 v4;
	v4 =	vld [tilespmem:s8+$0xD900];
	v8 =	vmul.f32 v8, v0;
	v11 =	vsub.f32 $5.062811370e-01, v11  }
0x31e: {  	v5 =	vcvt.s32.f32 v5;
	v9 =	vadd.f32 $-7.238351700e-01, v9;
	v7 =	vmul.f32 $1.442695020e+00, v7  }
0x31f: {  	v14 =	vld [tilespmem:s8+$0xD800];
	v19 =	vmul.f32 $3.254765570e-01, v13;
	v8 =	vadd.f32 $-7.238351700e-01, v8;
	v11 =	vmul.f32 v11, v2  }
0x320: {  	v9 =	vmul.f32 v9, v1;
	(erf) = vpow2.f32 v7  }
0x321: {  	v15 =	vshra.s32 v15, $0x17;
	v8 =	vmul.f32 v8, v0;
	(erf) = vpow2.f32 v10  }
0x322: {  	v7 =	vadd.f32 $1.442417030e+00, v9;
	v9 =	vadd.f32 $-7.238351700e-01, v11;
	v11 =	vadd.s32 $0xC0CAFB0D, v4  }
0x323: {  	(erf) = vpow2.f32 v12;
	v12 =	vsub.f32 $5.062811370e-01, v19;
	v16 =	vand.u32 $0xFF800000, v11  }
0x324: {  	v4 =	vsub.s32 v4, v16;
	v16 =	vadd.s32 $0xC0CAFB0D, v14;
	v9 =	vmul.f32 v9, v2  }
0x325: {  	v1 =	vmul.f32 v7, v1;
	v7 =	vld [tilespmem:s8+$0x4880];
	v17 =	vadd.f32 $-1.000000000e+00, v4;
	v4 =	vand.u32 $0xFF800000, v16  }
0x326: {  	v16 =	vshra.s32 v16, $0x17;
	v4 =	vsub.s32 v14, v4;
	v9 =	vadd.f32 $1.442417030e+00, v9  }
0x327: {  	v14 =	vmul.f32 $3.254765570e-01, v17;
	v18 =	vadd.f32 $-1.000000000e+00, v4;
	v4 =	vadd.f32 $1.442417030e+00, v8  }
0x328: {  	s12 =	simm.s32 $0x0;
	v1 =	vadd.f32 v6, v1;
	v8 =	vld [tilespmem:s8+$0x4900];
	v2 =	vmul.f32 v9, v2;
	v9 =	vshra.s32 v11, $0x17  }
0x329: {  	s13 =	simm.s32 $0x20;
	s9 =	smul.u32 $0x180, s12;
	v14 =	vsub.f32 $5.062811370e-01, v14;
	v20 =	vmul.f32 $3.254765570e-01, v18;
	v0 =	vmul.f32 v4, v0  }
0x32a: {  	s10 =	sand.u32 $0x70, s13;
	v7 =	vadd.f32 v7, v7;
	v9 =	vcvt.s32.f32 v9;
	v2 =	vadd.f32 v5, v2  }
0x32b: {  	s9 =	sor.u32 s10, s9;
	v6 =	vmul.f32 v14, v17;
	v10 =	vsub.f32 $5.062811370e-01, v20;
	v14 =	vmul.f32 v1, v1  }
0x32c: {  	v11 =	vld [tilespmem:s9+$0xD880];
	v0 =	vadd.f32 v3, v0;
	v3 =	vmul.f32 $1.442695020e+00, v7;
	v7 =	vmul.f32 v12, v13  }
0x32d: {  	v1 =	vadd.f32 v8, v8;
	v8 =	vcvt.s32.f32 v15;
	v4 =	vmul.f32 v10, v18;
	v10 =	vld [tilespmem:s9+$0x4800]  }
0x32e: {  	v15 =	vcvt.s32.f32 v16;
	v12 =	vmul.f32 v2, v2;
	v5 =	vadd.f32 $-7.238351700e-01, v6;
	v6 =	vld [tilespmem:s9+$0xD800]  }
0x32f: {  	v0 =	vmul.f32 v0, v0;
	v16 =	vmul.f32 $1.442695020e+00, v1;
	v1 =	vld [tilespmem:s9+$0xD900];
	v4 =	vadd.f32 $-7.238351700e-01, v4  }
0x330: {  	(erf) = vpow2.f32 v3;
	v7 =	vadd.f32 $-7.238351700e-01, v7;
	v5 =	vmul.f32 v5, v17  }
0x331: {  	v19 =	vadd.s32 $0xC0CAFB0D, v11;
	v20 =	vmul.f32 v0, v12;
	v4 =	vmul.f32 v4, v18  }
0x332: {  	v7 =	vmul.f32 v7, v13;
	(erf) = vpow2.f32 v16;
	v5 =	vadd.f32 $1.442417030e+00, v5  }
0x333: {  	v2 =	vadd.f32 v10, v10;
	v22 =	vadd.s32 $0xC0CAFB0D, v6;
	v3 =	vadd.f32 $1.442417030e+00, v4  }
0x334: {  	v10 =	vadd.s32 $0xC0CAFB0D, v1;
	v4 =	vand.u32 $0xFF800000, v19;
	v19 =	vshra.s32 v19, $0x17  }
0x335: {  	v21 =	vand.u32 $0xFF800000, v10;
	v4 =	vsub.s32 v11, v4;
	v11 =	vmul.f32 $1.442695020e+00, v2  }
0x336: {  	v1 =	vsub.s32 v1, v21;
	v21 =	vmul.f32 v0, v14;
	v0 =	vpop (erf);
	v4 =	vadd.f32 $-1.000000000e+00, v4  }
0x337: {  	v24 =	vld [tilespmem:s9+$0x4900];
	v3 =	vmul.f32 v3, v18;
	v2 =	vadd.f32 $-1.000000000e+00, v1;
	v0 =	vmul.f32 v20, v0  }
0x338: {  	v1 =	vand.u32 $0xFF800000, v22;
	(erf) = vpow2.f32 v11;
	v25 =	vmul.f32 $3.254765570e-01, v4  }
0x339: {  	v23 =	vpop (erf);
	v1 =	vsub.s32 v6, v1;
	v3 =	vadd.f32 v15, v3;
	v6 =	vmul.f32 $3.254765570e-01, v2  }
0x33a: {  	v20 =	vadd.f32 $-1.000000000e+00, v1;
	v1 =	vmul.f32 v21, v23;
	v21 =	vld [tilespmem:s9+$0x4880];
	v11 =	vsub.f32 $5.062811370e-01, v25  }
0x33b: {  	v18 =	vshra.s32 v22, $0x17;
	v28 =	vmul.f32 v3, v3;
	v6 =	vsub.f32 $5.062811370e-01, v6  }
0x33c: {  	s14 =	simm.s32 $0x0;
	v15 =	vadd.f32 v24, v24;
	v22 =	vmul.f32 $3.254765570e-01, v20;
	v11 =	vmul.f32 v11, v4  }
0x33d: {  	s11 =	simm.s32 $0x30;
	s10 =	smul.u32 $0x180, s14;
	v23 =	vmul.f32 v6, v2;
	v6 =	vadd.f32 $1.442417030e+00, v7;
	v7 =	vmul.f32 v12, v14  }
0x33e: {  	s12 =	sand.u32 $0x70, s11;
	v12 =	vsub.f32 $5.062811370e-01, v22;
	v14 =	vmul.f32 v5, v17;
	v5 =	vcvt.s32.f32 v19  }
0x33f: {  	s10 =	sor.u32 s12, s10;
	v19 =	vcvt.s32.f32 v18;
	v22 =	vmul.f32 $1.442695020e+00, v15;
	v3 =	vadd.f32 v21, v21  }
0x340: {  	v15 =	vld [tilespmem:s10+$0xD900];
	v26 =	vadd.f32 $-7.238351700e-01, v11;
	v13 =	vmul.f32 v6, v13;
	v6 =	vshra.s32 v10, $0x17  }
0x341: {  	v16 =	vld [tilespmem:s10+$0xD880];
	v12 =	vmul.f32 v12, v20;
	v9 =	vadd.f32 v9, v14;
	v6 =	vcvt.s32.f32 v6  }
0x342: {  	v10 =	vld [tilespmem:s10+$0x4800];
	v17 =	vmul.f32 $1.442695020e+00, v3;
	v30 =	vmul.f32 v26, v4  }
0x343: {  	v12 =	vadd.f32 $-7.238351700e-01, v12;
	v14 =	vpop (erf);
	v8 =	vadd.f32 v8, v13;
	v9 =	vmul.f32 v9, v9  }
0x344: {  	v13 =	vadd.f32 $-7.238351700e-01, v23;
	v3 =	vmul.f32 v7, v14;
	(erf) = vpow2.f32 v17;
	v17 =	vld [tilespmem:s10+$0xD800]  }
0x345: {  	v7 =	vadd.f32 v1, v0;
	v14 =	vadd.s32 $0xC0CAFB0D, v15;
	v12 =	vmul.f32 v12, v20  }
0x346: {  	v29 =	vmul.f32 v8, v8;
	v8 =	vadd.s32 $0xC0CAFB0D, v16;
	v11 =	vmul.f32 v13, v2  }
0x347: {  	v13 =	vand.u32 $0xFF800000, v14;
	v10 =	vadd.f32 v10, v10;
	v7 =	vadd.f32 v7, v3  }
0x348: {  	v13 =	vsub.s32 v15, v13;
	v24 =	vadd.f32 $1.442417030e+00, v12;
	v12 =	vand.u32 $0xFF800000, v8  }
0x349: {  	v15 =	vadd.f32 $-1.000000000e+00, v13;
	v12 =	vsub.s32 v16, v12;
	v25 =	vadd.s32 $0xC0CAFB0D, v17  }
0x34a: {  	v16 =	vmul.f32 $1.442695020e+00, v10;
	(erf) = vrcp.f32 v7;
	v10 =	vand.u32 $0xFF800000, v25  }
0x34b: {  	v27 =	vld [tilespmem:s10+$0x4900];
	v18 =	vmul.f32 v9, v29;
	v10 =	vsub.s32 v17, v10;
	v17 =	vmul.f32 $3.254765570e-01, v15  }
0x34c: {  	v9 =	vmul.f32 v9, v28;
	v21 =	vadd.f32 $1.442417030e+00, v11;
	v24 =	vmul.f32 v24, v20  }
0x34d: {  	v23 =	vshra.s32 v8, $0x17;
	v13 =	vadd.f32 $-1.000000000e+00, v12;
	v7 =	vpop (erf);
	v8 =	vsub.f32 $5.062811370e-01, v17  }
0x34e: {  	v12 =	vpop (erf);
	v11 =	vmul.f32 v18, v7;
	v26 =	vadd.f32 v19, v24;
	v24 =	vld [tilespmem:s10+$0x4880];
	v7 =	vadd.f32 $-1.000000000e+00, v10  }
0x34f: {  	v20 =	vshra.s32 v25, $0x17;
	(erf) = vpow2.f32 v22;
	v18 =	vmul.f32 $3.254765570e-01, v13;
	v10 =	vpop (erf)  }
0x350: {  	v22 =	vadd.f32 v27, v27;
	v12 =	vmul.f32 v9, v12;
	v25 =	vmul.f32 $3.254765570e-01, v7;
	v9 =	vpop (erf)  }
0x351: {  	s12 =	simm.s32 $0x4;
	v27 =	vadd.f32 $1.442417030e+00, v30;
	v19 =	vmul.f32 v29, v28;
	v17 =	vmul.f32 v8, v15;
	v8 =	vpop (erf)  }
.LBB2_12:
0x352: {  	s13 =	sshrl.u32 s12, $0x3;
	p0 =	sne.s32 s12, $0x17F;
	s12 =	sadd.s32 $0x1, s12;
	v25 =	vsub.f32 $5.062811370e-01, v25;
	v21 =	vmul.f32 v21, v2;
	v28 =	vmul.f32 v26, v26;
	v2 =	vmovc v15  }
0x353: {  	v15 =	vcvt.s32.f32 v23;
	s11 =	sadd.s32 $0x10, s11;
	s13 =	smul.u32 $0x180, s13;
	v23 =	vadd.f32 v24, v24;
	v24 =	vmul.f32 v27, v4;
	v26 =	vpop (erf)  }
0x354: {  	v14 =	vshra.s32 v14, $0x17;
	s14 =	sand.u32 $0x70, s11;
	v4 =	vmovc v13;
	v25 =	vmul.f32 v25, v7;
	v27 =	vmul.f32 v26, v0;
	v0 =	vmovc v11  }
0x355: {  	v11 =	vadd.f32 v6, v21;
	v13 =	vmul.f32 v26, v1;
	v1 =	vmovc v12;
	s13 =	sor.u32 s14, s13;
	(erf) = vpow2.f32 v16  }
0x356: {  	v6 =	vcvt.s32.f32 v14;
	v3 =	vmul.f32 v26, v3;
	v16 =	vsub.f32 $5.062811370e-01, v18;
	v12 =	vld [tilespmem:s13+$0x4800];
	[tilespmem:s7+$0x16800] =	vst v27  }
0x357: {  	v22 =	vmul.f32 $1.442695020e+00, v22;
	v26 =	vcvt.s32.f32 v20;
	v14 =	vadd.f32 $-7.238351700e-01, v25;
	v18 =	vld [tilespmem:s13+$0xD880];
	[tilespmem:s7+$0x16880] =	vst v13  }
0x358: {  	v20 =	vmul.f32 $1.442695020e+00, v23;
	v21 =	vadd.f32 v5, v24;
	v5 =	vmovc v15;
	v16 =	vmul.f32 v16, v4;
	v13 =	vld [tilespmem:s13+$0xD900];
	[tilespmem:s7+$0x16900] =	vst v3;
	s7 =	smov.u32 s8;
	s8 =	smov.u32 s9;
	s9 =	smov.u32 s10  }
0x359: {  	v15 =	vadd.f32 v1, v0;
	v14 =	vmul.f32 v14, v7;
	v3 =	vmul.f32 v19, v10;
	s10 =	smov.u32 s13;
	v23 =	vld [tilespmem:s13+$0xD800];
	v10 =	vpop (erf)  }
0x35a: {  	v17 =	vadd.f32 $-7.238351700e-01, v17;
	v11 =	vmul.f32 v11, v11;
	(erf) = vpow2.f32 v20  }
0x35b: {  	v29 =	vmul.f32 v21, v21;
	v27 =	vadd.f32 $-7.238351700e-01, v16;
	v19 =	vadd.f32 $1.442417030e+00, v14  }
0x35c: {  	v17 =	vmul.f32 v17, v2;
	v12 =	vadd.f32 v12, v12;
	v20 =	vadd.s32 $0xC0CAFB0D, v18  }
0x35d: {  	v24 =	vmul.f32 v11, v29;
	v16 =	vand.u32 $0xFF800000, v20;
	v14 =	vadd.s32 $0xC0CAFB0D, v13  }
0x35e: {  	v21 =	vadd.f32 v15, v3;
	v18 =	vsub.s32 v18, v16;
	v16 =	vand.u32 $0xFF800000, v14;
	v25 =	vpop (erf)  }
0x35f: {  	v13 =	vsub.s32 v13, v16;
	v16 =	vmul.f32 $1.442695020e+00, v12;
	v12 =	vmul.f32 v11, v28  }
0x360: {  	v30 =	vadd.s32 $0xC0CAFB0D, v23;
	v15 =	vadd.f32 $-1.000000000e+00, v13;
	(erf) = vrcp.f32 v21  }
0x361: {  	v11 =	vand.u32 $0xFF800000, v30;
	v13 =	vadd.f32 $-1.000000000e+00, v18;
	v21 =	vadd.f32 $1.442417030e+00, v17  }
0x362: {  	v17 =	vsub.s32 v23, v11;
	v11 =	vmul.f32 v24, v9;
	v9 =	vmovc v25;
	v31 =	vld [tilespmem:s10+$0x4900];
	v32 =	vmul.f32 $3.254765570e-01, v15  }
.Ltmp5:
0x363: {  	v17 =	vadd.f32 $-1.000000000e+00, v17;
	v12 =	vmul.f32 v12, v8;
	v18 =	vmul.f32 $3.254765570e-01, v13;
	v8 =	vpop (erf);
	(pc) =	sbr.rel @p0 .LBB2_12-.Ltmp5, $4  }
0x364: {  	v19 =	vmul.f32 v19, v7;
	v23 =	vshra.s32 v20, $0x17;
	v24 =	vld [tilespmem:s10+$0x4880];
	v32 =	vsub.f32 $5.062811370e-01, v32  }
0x365: {  	v27 =	vmul.f32 v27, v4;
	v20 =	vshra.s32 v30, $0x17;
	v25 =	vmul.f32 $3.254765570e-01, v17;
	v7 =	vmovc v17  }
0x366: {  	v26 =	vadd.f32 v26, v19;
	v17 =	vmul.f32 v32, v15;
	(erf) = vpow2.f32 v22  }
0x367: {  	v27 =	vadd.f32 $1.442417030e+00, v27;
	v19 =	vmul.f32 v29, v28;
	v22 =	vadd.f32 v31, v31  }
0x368: {  	v25 =	vsub.f32 $5.062811370e-01, v25;
	v2 =	vmul.f32 v21, v2;
	v18 =	vsub.f32 $5.062811370e-01, v18  }
0x369: {  	v21 =	vmul.f32 v26, v26;
	v23 =	vcvt.s32.f32 v23;
	v14 =	vshra.s32 v14, $0x17  }
0x36a: {  	(erf) = vpow2.f32 v16;
	v17 =	vadd.f32 $-7.238351700e-01, v17;
	v16 =	vmul.f32 v18, v13  }
0x36b: {  	v4 =	vmul.f32 v27, v4;
	v24 =	vadd.f32 v24, v24;
	v14 =	vcvt.s32.f32 v14  }
0x36c: {  	v10 =	vmul.f32 v19, v10;
	v25 =	vmul.f32 v25, v7;
	v16 =	vadd.f32 $-7.238351700e-01, v16  }
0x36d: {  	v19 =	vadd.f32 v12, v11;
	v2 =	vadd.f32 v6, v2;
	v6 =	vcvt.s32.f32 v20  }
0x36e: {  	v20 =	vmul.f32 $1.442695020e+00, v22;
	v18 =	vadd.f32 $-7.238351700e-01, v25;
	v16 =	vmul.f32 v16, v13  }
0x36f: {  	v17 =	vmul.f32 v17, v15;
	v4 =	vadd.f32 v5, v4;
	v5 =	vmul.f32 $1.442695020e+00, v24  }
0x370: {  	v19 =	vadd.f32 v19, v10;
	v18 =	vmul.f32 v18, v7;
	v16 =	vadd.f32 $1.442417030e+00, v16  }
0x371: {  	v2 =	vmul.f32 v2, v2;
	(erf) = vpow2.f32 v5;
	v5 =	vadd.f32 $1.442417030e+00, v17  }
0x372: {  	v4 =	vmul.f32 v4, v4;
	v17 =	vadd.f32 $1.442417030e+00, v18;
	v13 =	vmul.f32 v16, v13  }
0x373: {  	(erf) = vrcp.f32 v19;
	v5 =	vmul.f32 v5, v15  }
0x374: {  	(erf) = vpow2.f32 v20;
	v7 =	vmul.f32 v17, v7;
	v13 =	vadd.f32 v23, v13  }
0x375: {  	v5 =	vadd.f32 v14, v5  }
0x376: {  	v18 =	vmul.f32 v2, v4;
	v2 =	vmul.f32 v2, v21;
	v6 =	vadd.f32 v6, v7  }
0x377: {  	v4 =	vmul.f32 v4, v21;
	v5 =	vmul.f32 v5, v5  }
0x378: {  	v7 =	vmul.f32 v13, v13;
	v6 =	vmul.f32 v6, v6;
	v13 =	vpop (erf)  }
0x379: {  	v9 =	vmul.f32 v18, v9;
	v2 =	vmul.f32 v2, v8;
	v8 =	vpop (erf)  }
0x37a: {  	v14 =	vmul.f32 v5, v7;
	v5 =	vmul.f32 v5, v6;
	v15 =	vpop (erf)  }
0x37b: {  	v6 =	vmul.f32 v7, v6;
	v4 =	vmul.f32 v4, v8;
	v8 =	vadd.f32 v2, v9;
	v16 =	vpop (erf)  }
0x37c: {  	v14 =	vmul.f32 v14, v15;
	v15 =	vpop (erf);
	v5 =	vmul.f32 v5, v16  }
0x37d: {  	v8 =	vadd.f32 v8, v4;
	v7 =	vpop (erf)  }
0x37e: {  	v6 =	vmul.f32 v6, v7;
	v7 =	vadd.f32 v5, v14  }
0x37f: {  	(erf) = vrcp.f32 v8  }
0x380: {  	v7 =	vadd.f32 v7, v6;
	_ =	sdelay $0x1  }
0x381: {  	(erf) = vrcp.f32 v7  }
0x382: {  	v0 =	vmul.f32 v13, v0  }
0x383: {  	v1 =	vmul.f32 v13, v1  }
0x384: {  	[tilespmem:s7+$0x16800] =	vst v0;
	v0 =	vmul.f32 v13, v3  }
0x385: {  	[tilespmem:s7+$0x16880] =	vst v1;
	v1 =	vmul.f32 v15, v11  }
0x386: {  	[tilespmem:s7+$0x16900] =	vst v0;
	v0 =	vmul.f32 v15, v12  }
0x387: {  	[tilespmem:s8+$0x16800] =	vst v1;
	v1 =	vmul.f32 v15, v10;
	v3 =	vpop (erf)  }
0x388: {  	[tilespmem:s8+$0x16880] =	vst v0;
	v0 =	vmul.f32 v3, v9  }
0x389: {  	[tilespmem:s8+$0x16900] =	vst v1;
	v1 =	vmul.f32 v3, v2  }
0x38a: {  	[tilespmem:s9+$0x16800] =	vst v0;
	v0 =	vmul.f32 v3, v4;
	v2 =	vpop (erf)  }
0x38b: {  	[tilespmem:s9+$0x16880] =	vst v1;
	v1 =	vmul.f32 v2, v14  }
0x38c: {  	[tilespmem:s9+$0x16900] =	vst v0;
	v0 =	vmul.f32 v2, v5  }
0x38d: {  	[tilespmem:s10+$0x16800] =	vst v1;
	v1 =	vmul.f32 v2, v6  }
0x38e: {  	[tilespmem:s10+$0x16880] =	vst v0  }
0x38f: {  	s14 =	simm.s32 $0x0;
	[tilespmem:s10+$0x16900] =	vst v1  }
0x390: {  	[hbm4b:s22+s14] =	stream.linear.scatter [tilespmem:s3], [sflag:$0x6], $0x4800, $0x38;
	[tilespmem:$0x1B000] =	vst v63  }
0x391: {  	_ =	swait.ge [sflag:s29], $0x4800  }
0x392: {  	[sflag:s29] =	ssyncset.done $0x0  }
0x393: {  	[sflag:s29] =	ssyncadd.s32 $0xFFFFB800  }
0x394: {  	_ =	swait.ge [sflag:s30], $0x4800  }
0x395: {  	[sflag:s30] =	ssyncset.done $0x0  }
0x396: {  	s9 =	simm.s32 $0x0;
	[sflag:s30] =	ssyncadd.s32 $0xFFFFB800  }
0x397: {  	s8 =	smul.u32 $0x180, s9;
	_ =	swait.ge [sflag:s4], $0x4800  }
0x398: {  	s7 =	sand.u32 $0x70, s14;
	[sflag:s4] =	ssyncset.done $0x0  }
0x399: {  	s7 =	sor.u32 s7, s8;
	[sflag:s4] =	ssyncadd.s32 $0xFFFFB800  }
0x39a: {  	s10 =	simm.s32 $0x0;
	v0 =	vld [tilespmem:s7+$0x9100]  }
0x39b: {  	s11 =	simm.s32 $0x10;
	s8 =	smul.u32 $0x180, s10;
	v1 =	vld [tilespmem:s7+$0x9000]  }
0x39c: {  	s9 =	sand.u32 $0x70, s11;
	v4 =	vld [tilespmem:s7+$0x0]  }
0x39d: {  	s8 =	sor.u32 s9, s8;
	v10 =	vld [tilespmem:s7+$0x100]  }
0x39e: {  	v12 =	vld [tilespmem:s8+$0x0]  }
0x39f: {  	v13 =	vld [tilespmem:s8+$0x9080];
	_ =	sdelay $0x1  }
0x3a0: {  	v2 =	vld [tilespmem:s7+$0x9080]  }
0x3a1: {  	v3 =	vadd.s32 $0xC0CAFB0D, v0  }
0x3a2: {  	v6 =	vadd.s32 $0xC0CAFB0D, v1;
	v4 =	vadd.f32 v4, v4;
	v10 =	vadd.f32 v10, v10  }
0x3a3: {  	v15 =	vadd.s32 $0xC0CAFB0D, v13;
	v12 =	vadd.f32 v12, v12;
	v5 =	vand.u32 $0xFF800000, v3  }
0x3a4: {  	v3 =	vshra.s32 v3, $0x17;
	v0 =	vsub.s32 v0, v5;
	v5 =	vand.u32 $0xFF800000, v6  }
0x3a5: {  	v17 =	vand.u32 $0xFF800000, v15;
	v1 =	vsub.s32 v1, v5;
	v5 =	vadd.s32 $0xC0CAFB0D, v2  }
0x3a6: {  	v4 =	vmul.f32 $1.442695020e+00, v4;
	v1 =	vadd.f32 $-1.000000000e+00, v1;
	v7 =	vand.u32 $0xFF800000, v5  }
0x3a7: {  	v3 =	vcvt.s32.f32 v3;
	v0 =	vadd.f32 $-1.000000000e+00, v0;
	v2 =	vsub.s32 v2, v7;
	v7 =	vld [tilespmem:s7+$0x80]  }
0x3a8: {  	v6 =	vshra.s32 v6, $0x17;
	v10 =	vmul.f32 $1.442695020e+00, v10;
	v9 =	vmul.f32 $3.254765570e-01, v1  }
0x3a9: {  	v13 =	vsub.s32 v13, v17;
	v8 =	vmul.f32 $3.254765570e-01, v0;
	v2 =	vadd.f32 $-1.000000000e+00, v2  }
0x3aa: {  	v12 =	vmul.f32 $1.442695020e+00, v12;
	v6 =	vcvt.s32.f32 v6;
	v9 =	vsub.f32 $5.062811370e-01, v9  }
0x3ab: {  	v13 =	vadd.f32 $-1.000000000e+00, v13;
	v8 =	vsub.f32 $5.062811370e-01, v8;
	v11 =	vmul.f32 $3.254765570e-01, v2  }
0x3ac: {  	v5 =	vshra.s32 v5, $0x17;
	v9 =	vmul.f32 v9, v1;
	v7 =	vadd.f32 v7, v7  }
0x3ad: {  	(erf) = vpow2.f32 v4;
	v4 =	vld [tilespmem:s8+$0x9100];
	v8 =	vmul.f32 v8, v0;
	v11 =	vsub.f32 $5.062811370e-01, v11  }
0x3ae: {  	v5 =	vcvt.s32.f32 v5;
	v9 =	vadd.f32 $-7.238351700e-01, v9;
	v7 =	vmul.f32 $1.442695020e+00, v7  }
0x3af: {  	v14 =	vld [tilespmem:s8+$0x9000];
	v19 =	vmul.f32 $3.254765570e-01, v13;
	v8 =	vadd.f32 $-7.238351700e-01, v8;
	v11 =	vmul.f32 v11, v2  }
0x3b0: {  	v9 =	vmul.f32 v9, v1;
	(erf) = vpow2.f32 v7  }
0x3b1: {  	v15 =	vshra.s32 v15, $0x17;
	v8 =	vmul.f32 v8, v0;
	(erf) = vpow2.f32 v10  }
0x3b2: {  	v7 =	vadd.f32 $1.442417030e+00, v9;
	v9 =	vadd.f32 $-7.238351700e-01, v11;
	v11 =	vadd.s32 $0xC0CAFB0D, v4  }
0x3b3: {  	(erf) = vpow2.f32 v12;
	v12 =	vsub.f32 $5.062811370e-01, v19;
	v16 =	vand.u32 $0xFF800000, v11  }
0x3b4: {  	v4 =	vsub.s32 v4, v16;
	v16 =	vadd.s32 $0xC0CAFB0D, v14;
	v9 =	vmul.f32 v9, v2  }
0x3b5: {  	v1 =	vmul.f32 v7, v1;
	v7 =	vld [tilespmem:s8+$0x80];
	v17 =	vadd.f32 $-1.000000000e+00, v4;
	v4 =	vand.u32 $0xFF800000, v16  }
0x3b6: {  	v16 =	vshra.s32 v16, $0x17;
	v4 =	vsub.s32 v14, v4;
	v9 =	vadd.f32 $1.442417030e+00, v9  }
0x3b7: {  	v14 =	vmul.f32 $3.254765570e-01, v17;
	v18 =	vadd.f32 $-1.000000000e+00, v4;
	v4 =	vadd.f32 $1.442417030e+00, v8  }
0x3b8: {  	s12 =	simm.s32 $0x0;
	v1 =	vadd.f32 v6, v1;
	v8 =	vld [tilespmem:s8+$0x100];
	v2 =	vmul.f32 v9, v2;
	v9 =	vshra.s32 v11, $0x17  }
0x3b9: {  	s13 =	simm.s32 $0x20;
	s9 =	smul.u32 $0x180, s12;
	v14 =	vsub.f32 $5.062811370e-01, v14;
	v20 =	vmul.f32 $3.254765570e-01, v18;
	v0 =	vmul.f32 v4, v0  }
0x3ba: {  	s10 =	sand.u32 $0x70, s13;
	v7 =	vadd.f32 v7, v7;
	v9 =	vcvt.s32.f32 v9;
	v2 =	vadd.f32 v5, v2  }
0x3bb: {  	s9 =	sor.u32 s10, s9;
	v6 =	vmul.f32 v14, v17;
	v10 =	vsub.f32 $5.062811370e-01, v20;
	v14 =	vmul.f32 v1, v1  }
0x3bc: {  	v11 =	vld [tilespmem:s9+$0x9080];
	v0 =	vadd.f32 v3, v0;
	v3 =	vmul.f32 $1.442695020e+00, v7;
	v7 =	vmul.f32 v12, v13  }
0x3bd: {  	v1 =	vadd.f32 v8, v8;
	v8 =	vcvt.s32.f32 v15;
	v4 =	vmul.f32 v10, v18;
	v10 =	vld [tilespmem:s9+$0x0]  }
0x3be: {  	v15 =	vcvt.s32.f32 v16;
	v12 =	vmul.f32 v2, v2;
	v5 =	vadd.f32 $-7.238351700e-01, v6;
	v6 =	vld [tilespmem:s9+$0x9000]  }
0x3bf: {  	v0 =	vmul.f32 v0, v0;
	v16 =	vmul.f32 $1.442695020e+00, v1;
	v1 =	vld [tilespmem:s9+$0x9100];
	v4 =	vadd.f32 $-7.238351700e-01, v4  }
0x3c0: {  	(erf) = vpow2.f32 v3;
	v7 =	vadd.f32 $-7.238351700e-01, v7;
	v5 =	vmul.f32 v5, v17  }
0x3c1: {  	v19 =	vadd.s32 $0xC0CAFB0D, v11;
	v20 =	vmul.f32 v0, v12;
	v4 =	vmul.f32 v4, v18  }
0x3c2: {  	v7 =	vmul.f32 v7, v13;
	(erf) = vpow2.f32 v16;
	v5 =	vadd.f32 $1.442417030e+00, v5  }
0x3c3: {  	v2 =	vadd.f32 v10, v10;
	v22 =	vadd.s32 $0xC0CAFB0D, v6;
	v3 =	vadd.f32 $1.442417030e+00, v4  }
0x3c4: {  	v10 =	vadd.s32 $0xC0CAFB0D, v1;
	v4 =	vand.u32 $0xFF800000, v19;
	v19 =	vshra.s32 v19, $0x17  }
0x3c5: {  	v21 =	vand.u32 $0xFF800000, v10;
	v4 =	vsub.s32 v11, v4;
	v11 =	vmul.f32 $1.442695020e+00, v2  }
0x3c6: {  	v1 =	vsub.s32 v1, v21;
	v21 =	vmul.f32 v0, v14;
	v0 =	vpop (erf);
	v4 =	vadd.f32 $-1.000000000e+00, v4  }
0x3c7: {  	v24 =	vld [tilespmem:s9+$0x100];
	v3 =	vmul.f32 v3, v18;
	v2 =	vadd.f32 $-1.000000000e+00, v1;
	v0 =	vmul.f32 v20, v0  }
0x3c8: {  	v1 =	vand.u32 $0xFF800000, v22;
	(erf) = vpow2.f32 v11;
	v25 =	vmul.f32 $3.254765570e-01, v4  }
0x3c9: {  	v23 =	vpop (erf);
	v1 =	vsub.s32 v6, v1;
	v3 =	vadd.f32 v15, v3;
	v6 =	vmul.f32 $3.254765570e-01, v2  }
0x3ca: {  	v20 =	vadd.f32 $-1.000000000e+00, v1;
	v1 =	vmul.f32 v21, v23;
	v21 =	vld [tilespmem:s9+$0x80];
	v11 =	vsub.f32 $5.062811370e-01, v25  }
0x3cb: {  	v18 =	vshra.s32 v22, $0x17;
	v28 =	vmul.f32 v3, v3;
	v6 =	vsub.f32 $5.062811370e-01, v6  }
0x3cc: {  	s14 =	simm.s32 $0x0;
	v15 =	vadd.f32 v24, v24;
	v22 =	vmul.f32 $3.254765570e-01, v20;
	v11 =	vmul.f32 v11, v4  }
0x3cd: {  	s11 =	simm.s32 $0x30;
	s10 =	smul.u32 $0x180, s14;
	v23 =	vmul.f32 v6, v2;
	v6 =	vadd.f32 $1.442417030e+00, v7;
	v7 =	vmul.f32 v12, v14  }
0x3ce: {  	s12 =	sand.u32 $0x70, s11;
	v12 =	vsub.f32 $5.062811370e-01, v22;
	v14 =	vmul.f32 v5, v17;
	v5 =	vcvt.s32.f32 v19  }
0x3cf: {  	s10 =	sor.u32 s12, s10;
	v19 =	vcvt.s32.f32 v18;
	v22 =	vmul.f32 $1.442695020e+00, v15;
	v3 =	vadd.f32 v21, v21  }
0x3d0: {  	v15 =	vld [tilespmem:s10+$0x9100];
	v26 =	vadd.f32 $-7.238351700e-01, v11;
	v13 =	vmul.f32 v6, v13;
	v6 =	vshra.s32 v10, $0x17  }
0x3d1: {  	v16 =	vld [tilespmem:s10+$0x9080];
	v12 =	vmul.f32 v12, v20;
	v9 =	vadd.f32 v9, v14;
	v6 =	vcvt.s32.f32 v6  }
0x3d2: {  	v10 =	vld [tilespmem:s10+$0x0];
	v17 =	vmul.f32 $1.442695020e+00, v3;
	v30 =	vmul.f32 v26, v4  }
0x3d3: {  	v12 =	vadd.f32 $-7.238351700e-01, v12;
	v14 =	vpop (erf);
	v8 =	vadd.f32 v8, v13;
	v9 =	vmul.f32 v9, v9  }
0x3d4: {  	v13 =	vadd.f32 $-7.238351700e-01, v23;
	v3 =	vmul.f32 v7, v14;
	(erf) = vpow2.f32 v17;
	v17 =	vld [tilespmem:s10+$0x9000]  }
0x3d5: {  	v7 =	vadd.f32 v1, v0;
	v14 =	vadd.s32 $0xC0CAFB0D, v15;
	v12 =	vmul.f32 v12, v20  }
0x3d6: {  	v29 =	vmul.f32 v8, v8;
	v8 =	vadd.s32 $0xC0CAFB0D, v16;
	v11 =	vmul.f32 v13, v2  }
0x3d7: {  	v13 =	vand.u32 $0xFF800000, v14;
	v10 =	vadd.f32 v10, v10;
	v7 =	vadd.f32 v7, v3  }
0x3d8: {  	v13 =	vsub.s32 v15, v13;
	v24 =	vadd.f32 $1.442417030e+00, v12;
	v12 =	vand.u32 $0xFF800000, v8  }
0x3d9: {  	v15 =	vadd.f32 $-1.000000000e+00, v13;
	v12 =	vsub.s32 v16, v12;
	v25 =	vadd.s32 $0xC0CAFB0D, v17  }
0x3da: {  	v16 =	vmul.f32 $1.442695020e+00, v10;
	(erf) = vrcp.f32 v7;
	v10 =	vand.u32 $0xFF800000, v25  }
0x3db: {  	v27 =	vld [tilespmem:s10+$0x100];
	v18 =	vmul.f32 v9, v29;
	v10 =	vsub.s32 v17, v10;
	v17 =	vmul.f32 $3.254765570e-01, v15  }
0x3dc: {  	v9 =	vmul.f32 v9, v28;
	v21 =	vadd.f32 $1.442417030e+00, v11;
	v24 =	vmul.f32 v24, v20  }
0x3dd: {  	v23 =	vshra.s32 v8, $0x17;
	v13 =	vadd.f32 $-1.000000000e+00, v12;
	v7 =	vpop (erf);
	v8 =	vsub.f32 $5.062811370e-01, v17  }
0x3de: {  	v12 =	vpop (erf);
	v11 =	vmul.f32 v18, v7;
	v26 =	vadd.f32 v19, v24;
	v24 =	vld [tilespmem:s10+$0x80];
	v7 =	vadd.f32 $-1.000000000e+00, v10  }
0x3df: {  	v20 =	vshra.s32 v25, $0x17;
	(erf) = vpow2.f32 v22;
	v18 =	vmul.f32 $3.254765570e-01, v13;
	v10 =	vpop (erf)  }
0x3e0: {  	v22 =	vadd.f32 v27, v27;
	v12 =	vmul.f32 v9, v12;
	v25 =	vmul.f32 $3.254765570e-01, v7;
	v9 =	vpop (erf)  }
0x3e1: {  	s12 =	simm.s32 $0x4;
	v27 =	vadd.f32 $1.442417030e+00, v30;
	v19 =	vmul.f32 v29, v28;
	v17 =	vmul.f32 v8, v15;
	v8 =	vpop (erf)  }
.LBB2_14:
0x3e2: {  	s13 =	sshrl.u32 s12, $0x3;
	p0 =	sne.s32 s12, $0x17F;
	s12 =	sadd.s32 $0x1, s12;
	v25 =	vsub.f32 $5.062811370e-01, v25;
	v21 =	vmul.f32 v21, v2;
	v28 =	vmul.f32 v26, v26;
	v2 =	vmovc v15  }
0x3e3: {  	v15 =	vcvt.s32.f32 v23;
	s11 =	sadd.s32 $0x10, s11;
	s13 =	smul.u32 $0x180, s13;
	v23 =	vadd.f32 v24, v24;
	v24 =	vmul.f32 v27, v4;
	v26 =	vpop (erf)  }
0x3e4: {  	v14 =	vshra.s32 v14, $0x17;
	s14 =	sand.u32 $0x70, s11;
	v4 =	vmovc v13;
	v25 =	vmul.f32 v25, v7;
	v27 =	vmul.f32 v26, v0;
	v0 =	vmovc v11  }
0x3e5: {  	v11 =	vadd.f32 v6, v21;
	v13 =	vmul.f32 v26, v1;
	v1 =	vmovc v12;
	s13 =	sor.u32 s14, s13;
	(erf) = vpow2.f32 v16  }
0x3e6: {  	v6 =	vcvt.s32.f32 v14;
	v3 =	vmul.f32 v26, v3;
	v16 =	vsub.f32 $5.062811370e-01, v18;
	v12 =	vld [tilespmem:s13+$0x0];
	[tilespmem:s7+$0x12000] =	vst v27  }
0x3e7: {  	v22 =	vmul.f32 $1.442695020e+00, v22;
	v26 =	vcvt.s32.f32 v20;
	v14 =	vadd.f32 $-7.238351700e-01, v25;
	v18 =	vld [tilespmem:s13+$0x9080];
	[tilespmem:s7+$0x12080] =	vst v13  }
0x3e8: {  	v20 =	vmul.f32 $1.442695020e+00, v23;
	v21 =	vadd.f32 v5, v24;
	v5 =	vmovc v15;
	v16 =	vmul.f32 v16, v4;
	v13 =	vld [tilespmem:s13+$0x9100];
	[tilespmem:s7+$0x12100] =	vst v3;
	s7 =	smov.u32 s8;
	s8 =	smov.u32 s9;
	s9 =	smov.u32 s10  }
0x3e9: {  	v15 =	vadd.f32 v1, v0;
	v14 =	vmul.f32 v14, v7;
	v3 =	vmul.f32 v19, v10;
	s10 =	smov.u32 s13;
	v23 =	vld [tilespmem:s13+$0x9000];
	v10 =	vpop (erf)  }
0x3ea: {  	v17 =	vadd.f32 $-7.238351700e-01, v17;
	v11 =	vmul.f32 v11, v11;
	(erf) = vpow2.f32 v20  }
0x3eb: {  	v29 =	vmul.f32 v21, v21;
	v27 =	vadd.f32 $-7.238351700e-01, v16;
	v19 =	vadd.f32 $1.442417030e+00, v14  }
0x3ec: {  	v17 =	vmul.f32 v17, v2;
	v12 =	vadd.f32 v12, v12;
	v20 =	vadd.s32 $0xC0CAFB0D, v18  }
0x3ed: {  	v24 =	vmul.f32 v11, v29;
	v16 =	vand.u32 $0xFF800000, v20;
	v14 =	vadd.s32 $0xC0CAFB0D, v13  }
0x3ee: {  	v21 =	vadd.f32 v15, v3;
	v18 =	vsub.s32 v18, v16;
	v16 =	vand.u32 $0xFF800000, v14;
	v25 =	vpop (erf)  }
0x3ef: {  	v13 =	vsub.s32 v13, v16;
	v16 =	vmul.f32 $1.442695020e+00, v12;
	v12 =	vmul.f32 v11, v28  }
0x3f0: {  	v30 =	vadd.s32 $0xC0CAFB0D, v23;
	v15 =	vadd.f32 $-1.000000000e+00, v13;
	(erf) = vrcp.f32 v21  }
0x3f1: {  	v11 =	vand.u32 $0xFF800000, v30;
	v13 =	vadd.f32 $-1.000000000e+00, v18;
	v21 =	vadd.f32 $1.442417030e+00, v17  }
0x3f2: {  	v17 =	vsub.s32 v23, v11;
	v11 =	vmul.f32 v24, v9;
	v9 =	vmovc v25;
	v31 =	vld [tilespmem:s10+$0x100];
	v32 =	vmul.f32 $3.254765570e-01, v15  }
.Ltmp6:
0x3f3: {  	v17 =	vadd.f32 $-1.000000000e+00, v17;
	v12 =	vmul.f32 v12, v8;
	v18 =	vmul.f32 $3.254765570e-01, v13;
	v8 =	vpop (erf);
	(pc) =	sbr.rel @p0 .LBB2_14-.Ltmp6, $4  }
0x3f4: {  	v19 =	vmul.f32 v19, v7;
	v23 =	vshra.s32 v20, $0x17;
	v24 =	vld [tilespmem:s10+$0x80];
	v32 =	vsub.f32 $5.062811370e-01, v32  }
0x3f5: {  	v27 =	vmul.f32 v27, v4;
	v20 =	vshra.s32 v30, $0x17;
	v25 =	vmul.f32 $3.254765570e-01, v17;
	v7 =	vmovc v17  }
0x3f6: {  	v26 =	vadd.f32 v26, v19;
	v17 =	vmul.f32 v32, v15;
	(erf) = vpow2.f32 v22  }
0x3f7: {  	v27 =	vadd.f32 $1.442417030e+00, v27;
	v19 =	vmul.f32 v29, v28;
	v22 =	vadd.f32 v31, v31  }
0x3f8: {  	v25 =	vsub.f32 $5.062811370e-01, v25;
	v2 =	vmul.f32 v21, v2;
	v30 =	vmul.f32 v26, v26  }
0x3f9: {  	v23 =	vcvt.s32.f32 v23;
	v14 =	vshra.s32 v14, $0x17;
	v18 =	vsub.f32 $5.062811370e-01, v18  }
0x3fa: {  	(erf) = vpow2.f32 v16;
	v31 =	vcvt.s32.f32 v20;
	v17 =	vadd.f32 $-7.238351700e-01, v17  }
0x3fb: {  	v36 =	vadd.f32 v12, v11;
	v4 =	vmul.f32 v27, v4;
	v14 =	vcvt.s32.f32 v14  }
0x3fc: {  	v24 =	vadd.f32 v24, v24;
	v25 =	vmul.f32 v25, v7;
	v32 =	vmul.f32 v18, v13  }
0x3fd: {  	v34 =	vmul.f32 $1.442695020e+00, v22;
	v10 =	vmul.f32 v19, v10;
	v2 =	vadd.f32 v6, v2  }
0x3fe: {  	v17 =	vmul.f32 v17, v15;
	v33 =	vadd.f32 $-7.238351700e-01, v25;
	v16 =	vadd.f32 $-7.238351700e-01, v32  }
0x3ff: {  	v4 =	vadd.f32 v5, v4;
	v35 =	vmul.f32 $1.442695020e+00, v24;
	v2 =	vmul.f32 v2, v2  }
0x400: {  	v19 =	vadd.f32 v36, v10;
	v18 =	vmul.f32 v33, v7;
	v16 =	vmul.f32 v16, v13  }
0x401: {  	v37 =	vadd.f32 $1.442417030e+00, v17;
	v4 =	vmul.f32 v4, v4;
	(erf) = vpow2.f32 v35  }
0x402: {  	(erf) = vrcp.f32 v19;
	v16 =	vadd.f32 $1.442417030e+00, v16;
	v38 =	vadd.f32 $1.442417030e+00, v18  }
0x403: {  	v5 =	vmul.f32 v37, v15;
	(erf) = vpow2.f32 v34  }
0x404: {  	v40 =	vmul.f32 v16, v13;
	v41 =	vmul.f32 v38, v7  }
0x405: {  	v39 =	vmul.f32 v2, v4;
	v5 =	vadd.f32 v14, v5  }
0x406: {  	v2 =	vmul.f32 v2, v30;
	v13 =	vadd.f32 v23, v40;
	v6 =	vadd.f32 v31, v41  }
0x407: {  	v4 =	vmul.f32 v4, v30;
	v5 =	vmul.f32 v5, v5  }
0x408: {  	v43 =	vpop (erf);
	v42 =	vmul.f32 v13, v13;
	v6 =	vmul.f32 v6, v6  }
0x409: {  	v44 =	vpop (erf);
	v9 =	vmul.f32 v39, v9;
	v2 =	vmul.f32 v2, v8  }
0x40a: {  	v46 =	vpop (erf);
	v45 =	vmul.f32 v5, v42;
	v5 =	vmul.f32 v5, v6  }
0x40b: {  	v4 =	vmul.f32 v4, v44;
	v48 =	vadd.f32 v2, v9;
	v47 =	vpop (erf);
	v6 =	vmul.f32 v42, v6  }
0x40c: {  	v49 =	vpop (erf);
	v14 =	vmul.f32 v45, v46;
	v5 =	vmul.f32 v5, v47  }
0x40d: {  	v8 =	vadd.f32 v48, v4;
	v50 =	vpop (erf)  }
0x40e: {  	v6 =	vmul.f32 v6, v50;
	v51 =	vadd.f32 v5, v14  }
0x40f: {  	(erf) = vrcp.f32 v8  }
0x410: {  	v7 =	vadd.f32 v51, v6;
	_ =	sdelay $0x1  }
0x411: {  	(erf) = vrcp.f32 v7  }
0x412: {  	v0 =	vmul.f32 v43, v0  }
0x413: {  	v1 =	vmul.f32 v43, v1  }
0x414: {  	v52 =	vmul.f32 v43, v3;
	[tilespmem:s7+$0x12000] =	vst v0  }
0x415: {  	[tilespmem:s7+$0x12080] =	vst v1;
	v53 =	vmul.f32 v49, v11  }
0x416: {  	[tilespmem:s7+$0x12100] =	vst v52;
	v54 =	vmul.f32 v49, v12  }
0x417: {  	v55 =	vmul.f32 v49, v10;
	[tilespmem:s8+$0x12000] =	vst v53;
	v56 =	vpop (erf)  }
0x418: {  	[tilespmem:s8+$0x12080] =	vst v54;
	v57 =	vmul.f32 v56, v9  }
0x419: {  	[tilespmem:s8+$0x12100] =	vst v55;
	v58 =	vmul.f32 v56, v2  }
0x41a: {  	v59 =	vmul.f32 v56, v4;
	[tilespmem:s9+$0x12000] =	vst v57;
	v60 =	vpop (erf)  }
0x41b: {  	[tilespmem:s9+$0x12080] =	vst v58;
	v61 =	vmul.f32 v60, v14  }
0x41c: {  	[tilespmem:s9+$0x12100] =	vst v59;
	v62 =	vmul.f32 v60, v5  }
0x41d: {  	v63 =	vmul.f32 v60, v6;
	[tilespmem:s10+$0x12000] =	vst v61  }
0x41e: {  	[tilespmem:s10+$0x12080] =	vst v62  }
0x41f: {  	s6 =	sadd.s32 $0x1, s6;
	[tilespmem:s10+$0x12100] =	vst v63  }
0x420: {  	[hbm4b:s23+s2] =	stream.linear.scatter [tilespmem:s31], [sflag:$0x5], $0x4800, $0x38;
	[tilespmem:$0x1B000] =	vst v63  }
0x421: {  	p0 =	sne.s32 s6, s24;
	_ =	swait.ge [sflag:s5], $0x4800  }
.Ltmp7:
0x422: {  	[sflag:s5] =	ssyncset.done $0x0;
	(pc) =	sbr.rel @p0 .LBB2_1-.Ltmp7, $4  }
0x423: {  	[sflag:s5] =	ssyncadd.s32 $0xFFFFB800  }
0x424: {  	_ =	swait.ge [sflag:s4], $0x4800  }
0x425: {  	[sflag:s4] =	ssyncset.done $0x0  }
0x426: {  	[sflag:s4] =	ssyncadd.s32 $0xFFFFB800  }
0x427: {  	_ =	sfence.sel $0x180000  }
0x428: {  	[bflag:$0x0] =	sbarrier.arrive $0xFFFF  }
0x429: {  	_ =	strace $0x90000047  }
0x42a: {  	s0 =	stileid.u32;
	[bflag:$0x2] =	sbarrier.arrive $0xFFFF  }
0x42b: {  	p0 =	sne.s32 s0, $0x0;
	s0 =	rddreg [dreg:$0x3]  }
0x42c: {  	s0 =	sadd.s32 @!p0 $0x100000, s0  }
0x42d: {  	[sflag:s0] =	ssyncadd.tile.s32 @!p0 $0x1;
	_ =	shalt  }
.Lfunc_end2:
_tile_overlayer_lowered:
.L_overlay_start_2:
0x42e: {  	(tag) =	ssettag $0x2  }
0x42f: {  	s0 =	rddreg [dreg:$0x0];
	s2 =	stileid.u32  }
0x430: {  	s1 =	rddreg [dreg:$0x1];
	p0 =	sne.s32 s2, $0x0  }
0x431: {  	s3 =	rddreg [dreg:$0x2];
	[bflag:$0x3] =	sbarrier.arrive $0xFFFF;
	s2 =	simm.s32 @!p0 $0x1C07  }
0x432: {  	[timem:s3], [sflag:s2] =	dma.local @!p0 [hbm:s0], s1  }
0x433: {  	s0 =	simm.s32 @!p0 $0x7  }
0x434: {  	_ =	swait.ge @!p0 [sflag:s0], s1  }
0x435: {  	s1 =	ssub.s32 @!p0 $0x0, s1;
	[sflag:s0] =	ssyncset.done @!p0 $0x0  }
0x436: {  	[sflag:s0] =	ssyncadd.s32 @!p0 s1  }
0x437: {  	[bflag:$0x3] =	sbarrier.arrive $0xFFFF  }
0x438: {  	_ =	shalt  }

</sc_bundles>
